<compile_context>
chip_gen: v7x
topology: tpu7x:2x2x1
jax: 0.10.2.dev20260603
libtpu: 0.0.44.dev20260713+nightly
codegen_flags: <defaults>
</compile_context>

<pallas_src>
import functools

import jax
import jax.numpy as jnp
from jax import lax
from jax.experimental import pallas as pl
from jax.experimental.pallas import tpu as pltpu
from jax.experimental.pallas import tpu_sc as plsc

E = 64
D = 768
H = 768
DO = 768
N = 8192
BT = 128
G = N // BT + E
NP = G * BT
RB = 512
RG = N // RB


def _routing_body(x_ref, gw_ref, gb_ref, top1_ref, rank_ref, counts_ref,
                  carry_ref):
    i = pl.program_id(0)

    @pl.when(i == 0)
    def _():
        carry_ref[...] = jnp.zeros_like(carry_ref)

    xb = x_ref[...]
    logits = lax.dot_general(xb, gw_ref[...], (((1,), (1,)), ((), ())),
                             preferred_element_type=jnp.float32)
    logits = logits + gb_ref[...]
    iota_e = lax.broadcasted_iota(jnp.int32, (RB, E), 1)
    m = jnp.max(logits, axis=1, keepdims=True)
    eq = logits == m
    idx = jnp.min(jnp.where(eq, iota_e, E), axis=1, keepdims=True)
    onehot = (iota_e == idx).astype(jnp.float32)
    ii = lax.broadcasted_iota(jnp.int32, (RB, RB), 0)
    jj = lax.broadcasted_iota(jnp.int32, (RB, RB), 1)
    tril = (ii > jj).astype(jnp.float32)
    rank_blk = lax.dot_general(tril, onehot, (((1,), (0,)), ((), ())),
                               preferred_element_type=jnp.float32)
    rank_tok = jnp.sum(onehot * (rank_blk + carry_ref[...]), axis=1, keepdims=True)
    carry_ref[...] = carry_ref[...] + jnp.sum(onehot, axis=0, keepdims=True)
    top1_ref[0] = idx
    rank_ref[0] = rank_tok.astype(jnp.int32)
    counts_ref[...] = carry_ref[...].astype(jnp.int32)


def _routing(x_flat, gate_w, gate_b):
    gb = gate_b.reshape(1, E)
    top1, rank, counts = pl.pallas_call(
        _routing_body,
        grid=(RG,),
        in_specs=[
            pl.BlockSpec((RB, D), lambda i: (i, 0)),
            pl.BlockSpec((E, D), lambda i: (0, 0)),
            pl.BlockSpec((1, E), lambda i: (0, 0)),
        ],
        out_specs=[
            pl.BlockSpec((1, RB, 1), lambda i: (i, 0, 0)),
            pl.BlockSpec((1, RB, 1), lambda i: (i, 0, 0)),
            pl.BlockSpec((1, E), lambda i: (0, 0)),
        ],
        out_shape=[
            jax.ShapeDtypeStruct((RG, RB, 1), jnp.int32),
            jax.ShapeDtypeStruct((RG, RB, 1), jnp.int32),
            jax.ShapeDtypeStruct((1, E), jnp.int32),
        ],
        scratch_shapes=[pltpu.VMEM((1, E), jnp.float32)],
    )(x_flat, gate_w, gb)
    return top1.reshape(N), rank.reshape(N), counts.reshape(E)


def _ffn_body(meta_ref, x_ref, w1_ref, b1_ref, w2_ref, b2_ref, y_ref):
    xb = x_ref[...]
    h = lax.dot_general(xb, w1_ref[0], (((1,), (1,)), ((), ())),
                        preferred_element_type=jnp.float32)
    h = jnp.maximum(h + b1_ref[0], 0.0)
    y = lax.dot_general(h, w2_ref[0], (((1,), (1,)), ((), ())),
                        preferred_element_type=jnp.float32)
    y_ref[...] = y + b2_ref[0]


def _grouped_ffn(x_sorted, w1, b1, w2, b2, block_meta):
    grid_spec = pltpu.PrefetchScalarGridSpec(
        num_scalar_prefetch=1,
        grid=(G,),
        in_specs=[
            pl.BlockSpec((BT, D), lambda g, m: (m[1, g], 0)),
            pl.BlockSpec((1, H, D), lambda g, m: (m[0, g], 0, 0)),
            pl.BlockSpec((1, 1, H), lambda g, m: (m[0, g], 0, 0)),
            pl.BlockSpec((1, DO, H), lambda g, m: (m[0, g], 0, 0)),
            pl.BlockSpec((1, 1, DO), lambda g, m: (m[0, g], 0, 0)),
        ],
        out_specs=pl.BlockSpec((BT, DO), lambda g, m: (m[2, g], 0)),
    )
    return pl.pallas_call(
        _ffn_body,
        grid_spec=grid_spec,
        out_shape=jax.ShapeDtypeStruct((NP, DO), jnp.float32),
    )(block_meta, x_sorted, w1, b1.reshape(E, 1, H), w2, b2.reshape(E, 1, DO))



NC = 2
NS = 16
L = 16
NW = NC * NS
TPW = N // NW
CH = 64

_sc_params = pltpu.CompilerParams(needs_layout_passes=False)


@functools.cache
def _sc_kernels():
    sc_mesh = plsc.VectorSubcoreMesh(core_axis_name="c", subcore_axis_name="s",
                                     num_cores=NC, num_subcores=NS)

    NCH = TPW // CH

    @functools.partial(
        pl.kernel,
        out_type=[jax.ShapeDtypeStruct((NP, D), jnp.float32),
                  jax.ShapeDtypeStruct((N,), jnp.int32)],
        mesh=sc_mesh,
        compiler_params=_sc_params,
        scratch_types=[
            pltpu.VMEM((TPW,), jnp.int32),
            pltpu.VMEM((TPW,), jnp.int32),
            pltpu.VMEM((E,), jnp.int32),
            pltpu.VMEM((TPW,), jnp.int32),
            pltpu.VMEM((NCH, CH), jnp.int32),
            pltpu.VMEM((CH, D), jnp.float32),
            pltpu.VMEM((CH, D), jnp.float32),
            pltpu.SemaphoreType.DMA,
            pltpu.SemaphoreType.DMA,
            pltpu.SemaphoreType.DMA,
            pltpu.SemaphoreType.DMA,
        ],
    )
    def sc_dispatch(x_hbm, top1_hbm, rank_hbm, counts_hbm, xs_hbm, pos_hbm,
                    top1_v, rank_v, poffs_v, pos_v, idx_v, rows0_v, rows1_v,
                    sem_in0, sem_in1, sem_out0, sem_out1):
        wid = lax.axis_index("s") * NC + lax.axis_index("c")
        base = wid * TPW
        rows = (rows0_v, rows1_v)
        sem_in = (sem_in0, sem_in1)
        sem_out = (sem_out0, sem_out1)
        c_in0 = pltpu.async_copy(x_hbm.at[pl.ds(base, CH)], rows0_v, sem_in0)
        c_in1 = pltpu.async_copy(x_hbm.at[pl.ds(base + CH, CH)], rows1_v, sem_in1)
        pltpu.sync_copy(top1_hbm.at[pl.ds(base, TPW)], top1_v)
        pltpu.sync_copy(rank_hbm.at[pl.ds(base, TPW)], rank_v)
        pltpu.sync_copy(counts_hbm, poffs_v)
        carry = jnp.int32(0)
        for k in range(E // L):
            c = poffs_v[pl.ds(k * L, L)]
            p = (c + (BT - 1)) // BT * BT
            poffs_v[pl.ds(k * L, L)] = plsc.cumsum(p) - p + carry
            carry = carry + jnp.sum(p)
        for ch in range(NCH):
            for j in range(CH // L):
                t = top1_v[pl.ds(ch * CH + j * L, L)]
                r = rank_v[pl.ds(ch * CH + j * L, L)]
                pp = plsc.load_gather(poffs_v, [t]) + r
                idx_v[ch, pl.ds(j * L, L)] = pp
                pos_v[pl.ds(ch * CH + j * L, L)] = pp
        pltpu.sync_copy(pos_v, pos_hbm.at[pl.ds(base, TPW)])
        ins = [c_in0, c_in1] + [None] * (NCH - 2)
        outs = [None] * NCH
        for ch in range(NCH):
            b = rows[ch % 2]
            ins[ch].wait()
            outs[ch] = pltpu.async_copy(b, xs_hbm.at[idx_v.at[ch]],
                                        sem_out[ch % 2])
            nxt = ch + 2
            if nxt < NCH:
                outs[ch].wait()
                ins[nxt] = pltpu.async_copy(
                    x_hbm.at[pl.ds(base + nxt * CH, CH)], rows[nxt % 2],
                    sem_in[nxt % 2])
        for ch in range(max(0, NCH - 2), NCH):
            outs[ch].wait()

    @functools.partial(
        pl.kernel,
        out_type=jax.ShapeDtypeStruct((N, DO), jnp.float32),
        mesh=sc_mesh,
        compiler_params=_sc_params,
        scratch_types=[
            pltpu.VMEM((NCH, CH), jnp.int32),
            pltpu.VMEM((CH, DO), jnp.float32),
            pltpu.VMEM((CH, DO), jnp.float32),
            pltpu.SemaphoreType.DMA,
            pltpu.SemaphoreType.DMA,
            pltpu.SemaphoreType.DMA,
            pltpu.SemaphoreType.DMA,
        ],
    )
    def sc_combine(y_hbm, pos_hbm, out_hbm, idx_v, rows0_v, rows1_v,
                   sem_in0, sem_in1, sem_out0, sem_out1):
        wid = lax.axis_index("s") * NC + lax.axis_index("c")
        base = wid * TPW
        rows = (rows0_v, rows1_v)
        sem_in = (sem_in0, sem_in1)
        sem_out = (sem_out0, sem_out1)
        for ch in range(NCH):
            pltpu.sync_copy(pos_hbm.at[pl.ds(base + ch * CH, CH)],
                            idx_v.at[ch])
        ins = [None] * NCH
        outs = [None] * NCH
        ins[0] = pltpu.async_copy(y_hbm.at[idx_v.at[0]], rows0_v, sem_in0)
        ins[1] = pltpu.async_copy(y_hbm.at[idx_v.at[1]], rows1_v, sem_in1)
        for ch in range(NCH):
            b = rows[ch % 2]
            ins[ch].wait()
            outs[ch] = pltpu.async_copy(
                b, out_hbm.at[pl.ds(base + ch * CH, CH)], sem_out[ch % 2])
            nxt = ch + 2
            if nxt < NCH:
                outs[ch].wait()
                ins[nxt] = pltpu.async_copy(
                    y_hbm.at[idx_v.at[nxt]], rows[nxt % 2], sem_in[nxt % 2])
        for ch in range(max(0, NCH - 2), NCH):
            outs[ch].wait()

    return sc_dispatch, sc_combine


def kernel(x, gate_w, gate_b, w1, b1, w2, b2):
    Bb, Ss, Dd = x.shape
    x_flat = x.reshape(N, D)

    top1, rank, counts = _routing(x_flat, gate_w, gate_b)

    nblk = (counts + BT - 1) // BT
    used = jnp.sum(nblk)
    g_ids = jnp.arange(G, dtype=jnp.int32)
    active = g_ids < used
    block_expert = jnp.repeat(jnp.arange(E, dtype=jnp.int32), nblk,
                              total_repeat_length=G)
    block_expert = jnp.where(active, block_expert, block_expert[used - 1])
    block_x = jnp.where(active, g_ids, used - 1)
    block_y = block_x
    block_meta = jnp.stack([block_expert, block_x, block_y])

    sc_dispatch, sc_combine = _sc_kernels()
    x_sorted, pos = sc_dispatch(x_flat, top1, rank, counts)

    y_sorted = _grouped_ffn(x_sorted, w1, b1, w2, b2, block_meta)

    out = sc_combine(y_sorted, pos)
    return out.reshape(Bb, Ss, DO)

# --- scband reference (transcript-rebuilt; emitter-appended) ---
"""Pipeline reference for scband-simple-mo-elayer-21792664059952 (READ-ONLY COPY).

The authoritative reference and input builder live on the scoring server;
editing this copy changes nothing except your own understanding.
"""

import jax, jax.numpy as jnp
import numpy as np

E = 64
D = 768
H = 768
DO = 768
B = 2
S = 4096


def setup_inputs(seed: int = 0) -> dict:
    key = jax.random.key(seed)
    ks = jax.random.split(key, 8)
    x = jax.random.normal(ks[0], (B, S, D), dtype=jnp.float32)
    gate_w = jax.random.normal(ks[1], (E, D), dtype=jnp.float32) * (1.0 / np.sqrt(D))
    gate_b = jnp.zeros((E,), dtype=jnp.float32)
    w1 = jax.random.normal(ks[2], (E, H, D), dtype=jnp.float32) * (1.0 / np.sqrt(D))
    b1 = jnp.zeros((E, H), dtype=jnp.float32)
    w2 = jax.random.normal(ks[3], (E, DO, H), dtype=jnp.float32) * (1.0 / np.sqrt(H))
    b2 = jnp.zeros((E, DO), dtype=jnp.float32)
    return {"x": x, "gate_w": gate_w, "gate_b": gate_b, "w1": w1, "b1": b1, "w2": w2, "b2": b2}


def reference(x, gate_w, gate_b, w1, b1, w2, b2):
    Bb, Ss, Dd = x.shape
    x_flat = x.reshape(-1, Dd)
    gate_logits = x_flat @ gate_w.T + gate_b
    top1 = jnp.argmax(gate_logits, axis=-1)
    out = jnp.zeros((x_flat.shape[0], DO), dtype=x.dtype)

    def body(i, out):
        h = jax.nn.relu(x_flat @ w1[i].T + b1[i])
        yi = h @ w2[i].T + b2[i]
        mask = (top1 == i)[:, None]
        return jnp.where(mask, yi, out)

    out = jax.lax.fori_loop(0, w1.shape[0], body, out)
    return out.reshape(Bb, Ss, -1)

if __name__ == "__main__":
    import jax
    _d = setup_inputs()
    print(jax.jit(kernel)(*tuple(_d.values())))

</pallas_src>

<mosaic_0001>
#map = affine_map<(d0, d1) -> (0, 0)>
#map1 = affine_map<(d0, d1) -> (0)>
module attributes {stable_mosaic.version = 14 : i64} {
  func.func @sc_combine(%arg0: i32, %arg1: i32, %arg2: memref<16384x768xf32, #tpu.memory_space<hbm>>, %arg3: memref<8192xi32, #tpu.memory_space<hbm>>, %arg4: memref<8192x768xf32, #tpu.memory_space<hbm>>, %arg5: memref<4x64xi32, #tpu.memory_space<vmem>>, %arg6: memref<64x768xf32, #tpu.memory_space<vmem>>, %arg7: memref<64x768xf32, #tpu.memory_space<vmem>>, %arg8: memref<!tpu.dma_semaphore, #tpu.memory_space<semaphore_mem>>, %arg9: memref<!tpu.dma_semaphore, #tpu.memory_space<semaphore_mem>>, %arg10: memref<!tpu.dma_semaphore, #tpu.memory_space<semaphore_mem>>, %arg11: memref<!tpu.dma_semaphore, #tpu.memory_space<semaphore_mem>>) attributes {dimension_semantics = [#tpu.dimension_semantics<core_parallel>, #tpu.dimension_semantics<subcore_parallel>], iteration_bounds = array<i64: 2, 16>, scalar_prefetch = 0 : i64, scratch_operands = 7 : i64, tpu.core_type = #tpu.core_type<sc_vector_subcore>, window_params = [{transform_indices = #map}, {transform_indices = #map1}, {transform_indices = #map}]} {
    %mul3A = arith.constant 2 : i32
    %mul3A_0 = arith.muli %arg1, %mul3A : i32
    %add3A = arith.addi %mul3A_0, %arg0 : i32
    %mul3A_1 = arith.constant 256 : i32
    %mul3A_2 = arith.muli %add3A, %mul3A_1 : i32
    %add3A_3 = arith.constant 0 : i32
    %add3A_4 = arith.addi %mul3A_2, %add3A_3 : i32
    %run_scoped3A = arith.constant 0 : i32
    "tpu.region"() ({
      %run_scoped3A_108 = tpu.sem_alloc : memref<!tpu.dma_semaphore, #tpu.memory_space<semaphore_mem>>
      %dma_start3A_109 = arith.constant 0 : i32
      %dma_start3A_110 = tpu.memref_slice %arg5[%run_scoped3A, %dma_start3A_109] : memref<4x64xi32, #tpu.memory_space<vmem>> -> memref<1x64xi32, #tpu.memory_space<vmem>>
      %dma_start3A_111 = tpu.memref_squeeze %dma_start3A_110 : memref<1x64xi32, #tpu.memory_space<vmem>> -> memref<64xi32, #tpu.memory_space<vmem>>
      %dma_start3A_112 = tpu.memref_slice %arg3[%add3A_4] : memref<8192xi32, #tpu.memory_space<hbm>> -> memref<64xi32, #tpu.memory_space<hbm>>
      %dma_start3A_113 = arith.constant 0 : i32
      %dma_start3A_114 = tpu.memref_slice %arg5[%run_scoped3A, %dma_start3A_113] : memref<4x64xi32, #tpu.memory_space<vmem>> -> memref<1x64xi32, #tpu.memory_space<vmem>>
      %dma_start3A_115 = tpu.memref_squeeze %dma_start3A_114 : memref<1x64xi32, #tpu.memory_space<vmem>> -> memref<64xi32, #tpu.memory_space<vmem>>
      %dma_start3A_116 = tpu.memref_slice %arg3[%add3A_4] : memref<8192xi32, #tpu.memory_space<hbm>> -> memref<64xi32, #tpu.memory_space<hbm>>
      tpu.enqueue_dma source(%dma_start3A_116 : memref<64xi32, #tpu.memory_space<hbm>>) target(%dma_start3A_115 : memref<64xi32, #tpu.memory_space<vmem>>) target_semaphore(%run_scoped3A_108 : memref<!tpu.dma_semaphore, #tpu.memory_space<semaphore_mem>>)
      %dma_wait3A_117 = arith.constant 0 : i32
      %dma_wait3A_118 = tpu.memref_slice %arg5[%run_scoped3A, %dma_wait3A_117] : memref<4x64xi32, #tpu.memory_space<vmem>> -> memref<1x64xi32, #tpu.memory_space<vmem>>
      %dma_wait3A_119 = tpu.memref_squeeze %dma_wait3A_118 : memref<1x64xi32, #tpu.memory_space<vmem>> -> memref<64xi32, #tpu.memory_space<vmem>>
      %dma_wait3A_120 = tpu.memref_slice %arg3[%add3A_4] : memref<8192xi32, #tpu.memory_space<hbm>> -> memref<64xi32, #tpu.memory_space<hbm>>
      %dma_wait3A_121 = arith.constant 0 : i32
      %dma_wait3A_122 = tpu.memref_slice %arg5[%run_scoped3A, %dma_wait3A_121] : memref<4x64xi32, #tpu.memory_space<vmem>> -> memref<1x64xi32, #tpu.memory_space<vmem>>
      %dma_wait3A_123 = tpu.memref_squeeze %dma_wait3A_122 : memref<1x64xi32, #tpu.memory_space<vmem>> -> memref<64xi32, #tpu.memory_space<vmem>>
      %dma_wait3A_124 = tpu.memref_slice %arg3[%add3A_4] : memref<8192xi32, #tpu.memory_space<hbm>> -> memref<64xi32, #tpu.memory_space<hbm>>
      tpu.wait_dma2 semaphore(%run_scoped3A_108 : memref<!tpu.dma_semaphore, #tpu.memory_space<semaphore_mem>>) src(%dma_wait3A_124 : memref<64xi32, #tpu.memory_space<hbm>>) dst(%dma_wait3A_123 : memref<64xi32, #tpu.memory_space<vmem>>)
      tpu.yield
    }) : () -> ()
    %add3A_5 = arith.constant 64 : i32
    %add3A_6 = arith.addi %mul3A_2, %add3A_5 : i32
    %run_scoped3A_7 = arith.constant 1 : i32
    "tpu.region"() ({
      %run_scoped3A_108 = tpu.sem_alloc : memref<!tpu.dma_semaphore, #tpu.memory_space<semaphore_mem>>
      %dma_start3A_109 = arith.constant 0 : i32
      %dma_start3A_110 = tpu.memref_slice %arg5[%run_scoped3A_7, %dma_start3A_109] : memref<4x64xi32, #tpu.memory_space<vmem>> -> memref<1x64xi32, #tpu.memory_space<vmem>>
      %dma_start3A_111 = tpu.memref_squeeze %dma_start3A_110 : memref<1x64xi32, #tpu.memory_space<vmem>> -> memref<64xi32, #tpu.memory_space<vmem>>
      %dma_start3A_112 = tpu.memref_slice %arg3[%add3A_6] : memref<8192xi32, #tpu.memory_space<hbm>> -> memref<64xi32, #tpu.memory_space<hbm>>
      %dma_start3A_113 = arith.constant 0 : i32
      %dma_start3A_114 = tpu.memref_slice %arg5[%run_scoped3A_7, %dma_start3A_113] : memref<4x64xi32, #tpu.memory_space<vmem>> -> memref<1x64xi32, #tpu.memory_space<vmem>>
      %dma_start3A_115 = tpu.memref_squeeze %dma_start3A_114 : memref<1x64xi32, #tpu.memory_space<vmem>> -> memref<64xi32, #tpu.memory_space<vmem>>
      %dma_start3A_116 = tpu.memref_slice %arg3[%add3A_6] : memref<8192xi32, #tpu.memory_space<hbm>> -> memref<64xi32, #tpu.memory_space<hbm>>
      tpu.enqueue_dma source(%dma_start3A_116 : memref<64xi32, #tpu.memory_space<hbm>>) target(%dma_start3A_115 : memref<64xi32, #tpu.memory_space<vmem>>) target_semaphore(%run_scoped3A_108 : memref<!tpu.dma_semaphore, #tpu.memory_space<semaphore_mem>>)
      %dma_wait3A_117 = arith.constant 0 : i32
      %dma_wait3A_118 = tpu.memref_slice %arg5[%run_scoped3A_7, %dma_wait3A_117] : memref<4x64xi32, #tpu.memory_space<vmem>> -> memref<1x64xi32, #tpu.memory_space<vmem>>
      %dma_wait3A_119 = tpu.memref_squeeze %dma_wait3A_118 : memref<1x64xi32, #tpu.memory_space<vmem>> -> memref<64xi32, #tpu.memory_space<vmem>>
      %dma_wait3A_120 = tpu.memref_slice %arg3[%add3A_6] : memref<8192xi32, #tpu.memory_space<hbm>> -> memref<64xi32, #tpu.memory_space<hbm>>
      %dma_wait3A_121 = arith.constant 0 : i32
      %dma_wait3A_122 = tpu.memref_slice %arg5[%run_scoped3A_7, %dma_wait3A_121] : memref<4x64xi32, #tpu.memory_space<vmem>> -> memref<1x64xi32, #tpu.memory_space<vmem>>
      %dma_wait3A_123 = tpu.memref_squeeze %dma_wait3A_122 : memref<1x64xi32, #tpu.memory_space<vmem>> -> memref<64xi32, #tpu.memory_space<vmem>>
      %dma_wait3A_124 = tpu.memref_slice %arg3[%add3A_6] : memref<8192xi32, #tpu.memory_space<hbm>> -> memref<64xi32, #tpu.memory_space<hbm>>
      tpu.wait_dma2 semaphore(%run_scoped3A_108 : memref<!tpu.dma_semaphore, #tpu.memory_space<semaphore_mem>>) src(%dma_wait3A_124 : memref<64xi32, #tpu.memory_space<hbm>>) dst(%dma_wait3A_123 : memref<64xi32, #tpu.memory_space<vmem>>)
      tpu.yield
    }) : () -> ()
    %add3A_8 = arith.constant 128 : i32
    %add3A_9 = arith.addi %mul3A_2, %add3A_8 : i32
    %run_scoped3A_10 = arith.constant 2 : i32
    "tpu.region"() ({
      %run_scoped3A_108 = tpu.sem_alloc : memref<!tpu.dma_semaphore, #tpu.memory_space<semaphore_mem>>
      %dma_start3A_109 = arith.constant 0 : i32
      %dma_start3A_110 = tpu.memref_slice %arg5[%run_scoped3A_10, %dma_start3A_109] : memref<4x64xi32, #tpu.memory_space<vmem>> -> memref<1x64xi32, #tpu.memory_space<vmem>>
      %dma_start3A_111 = tpu.memref_squeeze %dma_start3A_110 : memref<1x64xi32, #tpu.memory_space<vmem>> -> memref<64xi32, #tpu.memory_space<vmem>>
      %dma_start3A_112 = tpu.memref_slice %arg3[%add3A_9] : memref<8192xi32, #tpu.memory_space<hbm>> -> memref<64xi32, #tpu.memory_space<hbm>>
      %dma_start3A_113 = arith.constant 0 : i32
      %dma_start3A_114 = tpu.memref_slice %arg5[%run_scoped3A_10, %dma_start3A_113] : memref<4x64xi32, #tpu.memory_space<vmem>> -> memref<1x64xi32, #tpu.memory_space<vmem>>
      %dma_start3A_115 = tpu.memref_squeeze %dma_start3A_114 : memref<1x64xi32, #tpu.memory_space<vmem>> -> memref<64xi32, #tpu.memory_space<vmem>>
      %dma_start3A_116 = tpu.memref_slice %arg3[%add3A_9] : memref<8192xi32, #tpu.memory_space<hbm>> -> memref<64xi32, #tpu.memory_space<hbm>>
      tpu.enqueue_dma source(%dma_start3A_116 : memref<64xi32, #tpu.memory_space<hbm>>) target(%dma_start3A_115 : memref<64xi32, #tpu.memory_space<vmem>>) target_semaphore(%run_scoped3A_108 : memref<!tpu.dma_semaphore, #tpu.memory_space<semaphore_mem>>)
      %dma_wait3A_117 = arith.constant 0 : i32
      %dma_wait3A_118 = tpu.memref_slice %arg5[%run_scoped3A_10, %dma_wait3A_117] : memref<4x64xi32, #tpu.memory_space<vmem>> -> memref<1x64xi32, #tpu.memory_space<vmem>>
      %dma_wait3A_119 = tpu.memref_squeeze %dma_wait3A_118 : memref<1x64xi32, #tpu.memory_space<vmem>> -> memref<64xi32, #tpu.memory_space<vmem>>
      %dma_wait3A_120 = tpu.memref_slice %arg3[%add3A_9] : memref<8192xi32, #tpu.memory_space<hbm>> -> memref<64xi32, #tpu.memory_space<hbm>>
      %dma_wait3A_121 = arith.constant 0 : i32
      %dma_wait3A_122 = tpu.memref_slice %arg5[%run_scoped3A_10, %dma_wait3A_121] : memref<4x64xi32, #tpu.memory_space<vmem>> -> memref<1x64xi32, #tpu.memory_space<vmem>>
      %dma_wait3A_123 = tpu.memref_squeeze %dma_wait3A_122 : memref<1x64xi32, #tpu.memory_space<vmem>> -> memref<64xi32, #tpu.memory_space<vmem>>
      %dma_wait3A_124 = tpu.memref_slice %arg3[%add3A_9] : memref<8192xi32, #tpu.memory_space<hbm>> -> memref<64xi32, #tpu.memory_space<hbm>>
      tpu.wait_dma2 semaphore(%run_scoped3A_108 : memref<!tpu.dma_semaphore, #tpu.memory_space<semaphore_mem>>) src(%dma_wait3A_124 : memref<64xi32, #tpu.memory_space<hbm>>) dst(%dma_wait3A_123 : memref<64xi32, #tpu.memory_space<vmem>>)
      tpu.yield
    }) : () -> ()
    %add3A_11 = arith.constant 192 : i32
    %add3A_12 = arith.addi %mul3A_2, %add3A_11 : i32
    %run_scoped3A_13 = arith.constant 3 : i32
    "tpu.region"() ({
      %run_scoped3A_108 = tpu.sem_alloc : memref<!tpu.dma_semaphore, #tpu.memory_space<semaphore_mem>>
      %dma_start3A_109 = arith.constant 0 : i32
      %dma_start3A_110 = tpu.memref_slice %arg5[%run_scoped3A_13, %dma_start3A_109] : memref<4x64xi32, #tpu.memory_space<vmem>> -> memref<1x64xi32, #tpu.memory_space<vmem>>
      %dma_start3A_111 = tpu.memref_squeeze %dma_start3A_110 : memref<1x64xi32, #tpu.memory_space<vmem>> -> memref<64xi32, #tpu.memory_space<vmem>>
      %dma_start3A_112 = tpu.memref_slice %arg3[%add3A_12] : memref<8192xi32, #tpu.memory_space<hbm>> -> memref<64xi32, #tpu.memory_space<hbm>>
      %dma_start3A_113 = arith.constant 0 : i32
      %dma_start3A_114 = tpu.memref_slice %arg5[%run_scoped3A_13, %dma_start3A_113] : memref<4x64xi32, #tpu.memory_space<vmem>> -> memref<1x64xi32, #tpu.memory_space<vmem>>
      %dma_start3A_115 = tpu.memref_squeeze %dma_start3A_114 : memref<1x64xi32, #tpu.memory_space<vmem>> -> memref<64xi32, #tpu.memory_space<vmem>>
      %dma_start3A_116 = tpu.memref_slice %arg3[%add3A_12] : memref<8192xi32, #tpu.memory_space<hbm>> -> memref<64xi32, #tpu.memory_space<hbm>>
      tpu.enqueue_dma source(%dma_start3A_116 : memref<64xi32, #tpu.memory_space<hbm>>) target(%dma_start3A_115 : memref<64xi32, #tpu.memory_space<vmem>>) target_semaphore(%run_scoped3A_108 : memref<!tpu.dma_semaphore, #tpu.memory_space<semaphore_mem>>)
      %dma_wait3A_117 = arith.constant 0 : i32
      %dma_wait3A_118 = tpu.memref_slice %arg5[%run_scoped3A_13, %dma_wait3A_117] : memref<4x64xi32, #tpu.memory_space<vmem>> -> memref<1x64xi32, #tpu.memory_space<vmem>>
      %dma_wait3A_119 = tpu.memref_squeeze %dma_wait3A_118 : memref<1x64xi32, #tpu.memory_space<vmem>> -> memref<64xi32, #tpu.memory_space<vmem>>
      %dma_wait3A_120 = tpu.memref_slice %arg3[%add3A_12] : memref<8192xi32, #tpu.memory_space<hbm>> -> memref<64xi32, #tpu.memory_space<hbm>>
      %dma_wait3A_121 = arith.constant 0 : i32
      %dma_wait3A_122 = tpu.memref_slice %arg5[%run_scoped3A_13, %dma_wait3A_121] : memref<4x64xi32, #tpu.memory_space<vmem>> -> memref<1x64xi32, #tpu.memory_space<vmem>>
      %dma_wait3A_123 = tpu.memref_squeeze %dma_wait3A_122 : memref<1x64xi32, #tpu.memory_space<vmem>> -> memref<64xi32, #tpu.memory_space<vmem>>
      %dma_wait3A_124 = tpu.memref_slice %arg3[%add3A_12] : memref<8192xi32, #tpu.memory_space<hbm>> -> memref<64xi32, #tpu.memory_space<hbm>>
      tpu.wait_dma2 semaphore(%run_scoped3A_108 : memref<!tpu.dma_semaphore, #tpu.memory_space<semaphore_mem>>) src(%dma_wait3A_124 : memref<64xi32, #tpu.memory_space<hbm>>) dst(%dma_wait3A_123 : memref<64xi32, #tpu.memory_space<vmem>>)
      tpu.yield
    }) : () -> ()
    %dma_start3A = arith.constant 0 : i32
    %dma_start3A_14 = arith.constant 0 : i32
    %dma_start3A_15 = tpu.memref_slice %arg5[%dma_start3A, %dma_start3A_14] : memref<4x64xi32, #tpu.memory_space<vmem>> -> memref<1x64xi32, #tpu.memory_space<vmem>>
    %dma_start3A_16 = tpu.memref_squeeze %dma_start3A_15 : memref<1x64xi32, #tpu.memory_space<vmem>> -> memref<64xi32, #tpu.memory_space<vmem>>
    %dma_start3A_17 = arith.constant 0 : i32
    %dma_start3A_18 = arith.constant 0 : i32
    %dma_start3A_19 = tpu.memref_slice %arg2[%dma_start3A_17, %dma_start3A_18] : memref<16384x768xf32, #tpu.memory_space<hbm>> -> memref<16384x768xf32, #tpu.memory_space<hbm>>
    tpu.enqueue_indirect_dma source(%dma_start3A_19 : memref<16384x768xf32, #tpu.memory_space<hbm>>) target(%arg6 : memref<64x768xf32, #tpu.memory_space<vmem>>) offsets(%dma_start3A_16 : memref<64xi32, #tpu.memory_space<vmem>>) semaphore(%arg8 : memref<!tpu.dma_semaphore, #tpu.memory_space<semaphore_mem>>)
    %dma_start3A_20 = arith.constant 1 : i32
    %dma_start3A_21 = arith.constant 0 : i32
    %dma_start3A_22 = tpu.memref_slice %arg5[%dma_start3A_20, %dma_start3A_21] : memref<4x64xi32, #tpu.memory_space<vmem>> -> memref<1x64xi32, #tpu.memory_space<vmem>>
    %dma_start3A_23 = tpu.memref_squeeze %dma_start3A_22 : memref<1x64xi32, #tpu.memory_space<vmem>> -> memref<64xi32, #tpu.memory_space<vmem>>
    %dma_start3A_24 = arith.constant 0 : i32
    %dma_start3A_25 = arith.constant 0 : i32
    %dma_start3A_26 = tpu.memref_slice %arg2[%dma_start3A_24, %dma_start3A_25] : memref<16384x768xf32, #tpu.memory_space<hbm>> -> memref<16384x768xf32, #tpu.memory_space<hbm>>
    tpu.enqueue_indirect_dma source(%dma_start3A_26 : memref<16384x768xf32, #tpu.memory_space<hbm>>) target(%arg7 : memref<64x768xf32, #tpu.memory_space<vmem>>) offsets(%dma_start3A_23 : memref<64xi32, #tpu.memory_space<vmem>>) semaphore(%arg9 : memref<!tpu.dma_semaphore, #tpu.memory_space<semaphore_mem>>)
    %dma_wait3A = arith.constant 0 : i32
    %dma_wait3A_27 = arith.constant 0 : i32
    %dma_wait3A_28 = tpu.memref_slice %arg5[%dma_wait3A, %dma_wait3A_27] : memref<4x64xi32, #tpu.memory_space<vmem>> -> memref<1x64xi32, #tpu.memory_space<vmem>>
    %dma_wait3A_29 = tpu.memref_squeeze %dma_wait3A_28 : memref<1x64xi32, #tpu.memory_space<vmem>> -> memref<64xi32, #tpu.memory_space<vmem>>
    %dma_wait3A_30 = arith.constant 0 : i32
    %dma_wait3A_31 = arith.constant 0 : i32
    %dma_wait3A_32 = tpu.memref_slice %arg2[%dma_wait3A_30, %dma_wait3A_31] : memref<16384x768xf32, #tpu.memory_space<hbm>> -> memref<16384x768xf32, #tpu.memory_space<hbm>>
    tpu.wait_indirect_dma semaphore(%arg8 : memref<!tpu.dma_semaphore, #tpu.memory_space<semaphore_mem>>) src(%dma_wait3A_32 : memref<16384x768xf32, #tpu.memory_space<hbm>>) dst(%arg6 : memref<64x768xf32, #tpu.memory_space<vmem>>)
    %add3A_33 = arith.constant 0 : i32
    %add3A_34 = arith.addi %mul3A_2, %add3A_33 : i32
    %dma_start3A_35 = arith.constant 0 : i32
    %dma_start3A_36 = tpu.memref_slice %arg4[%add3A_34, %dma_start3A_35] : memref<8192x768xf32, #tpu.memory_space<hbm>> -> memref<64x768xf32, #tpu.memory_space<hbm>>
    %dma_start3A_37 = arith.constant 0 : i32
    %dma_start3A_38 = tpu.memref_slice %arg4[%add3A_34, %dma_start3A_37] : memref<8192x768xf32, #tpu.memory_space<hbm>> -> memref<64x768xf32, #tpu.memory_space<hbm>>
    tpu.enqueue_dma source(%arg6 : memref<64x768xf32, #tpu.memory_space<vmem>>) target(%dma_start3A_38 : memref<64x768xf32, #tpu.memory_space<hbm>>) target_semaphore(%arg10 : memref<!tpu.dma_semaphore, #tpu.memory_space<semaphore_mem>>)
    %dma_wait3A_39 = arith.constant 0 : i32
    %dma_wait3A_40 = tpu.memref_slice %arg4[%add3A_34, %dma_wait3A_39] : memref<8192x768xf32, #tpu.memory_space<hbm>> -> memref<64x768xf32, #tpu.memory_space<hbm>>
    %dma_wait3A_41 = arith.constant 0 : i32
    %dma_wait3A_42 = tpu.memref_slice %arg4[%add3A_34, %dma_wait3A_41] : memref<8192x768xf32, #tpu.memory_space<hbm>> -> memref<64x768xf32, #tpu.memory_space<hbm>>
    tpu.wait_dma2 semaphore(%arg10 : memref<!tpu.dma_semaphore, #tpu.memory_space<semaphore_mem>>) src(%arg6 : memref<64x768xf32, #tpu.memory_space<vmem>>) dst(%dma_wait3A_42 : memref<64x768xf32, #tpu.memory_space<hbm>>)
    %dma_start3A_43 = arith.constant 2 : i32
    %dma_start3A_44 = arith.constant 0 : i32
    %dma_start3A_45 = tpu.memref_slice %arg5[%dma_start3A_43, %dma_start3A_44] : memref<4x64xi32, #tpu.memory_space<vmem>> -> memref<1x64xi32, #tpu.memory_space<vmem>>
    %dma_start3A_46 = tpu.memref_squeeze %dma_start3A_45 : memref<1x64xi32, #tpu.memory_space<vmem>> -> memref<64xi32, #tpu.memory_space<vmem>>
    %dma_start3A_47 = arith.constant 0 : i32
    %dma_start3A_48 = arith.constant 0 : i32
    %dma_start3A_49 = tpu.memref_slice %arg2[%dma_start3A_47, %dma_start3A_48] : memref<16384x768xf32, #tpu.memory_space<hbm>> -> memref<16384x768xf32, #tpu.memory_space<hbm>>
    tpu.enqueue_indirect_dma source(%dma_start3A_49 : memref<16384x768xf32, #tpu.memory_space<hbm>>) target(%arg6 : memref<64x768xf32, #tpu.memory_space<vmem>>) offsets(%dma_start3A_46 : memref<64xi32, #tpu.memory_space<vmem>>) semaphore(%arg8 : memref<!tpu.dma_semaphore, #tpu.memory_space<semaphore_mem>>)
    %dma_wait3A_50 = arith.constant 1 : i32
    %dma_wait3A_51 = arith.constant 0 : i32
    %dma_wait3A_52 = tpu.memref_slice %arg5[%dma_wait3A_50, %dma_wait3A_51] : memref<4x64xi32, #tpu.memory_space<vmem>> -> memref<1x64xi32, #tpu.memory_space<vmem>>
    %dma_wait3A_53 = tpu.memref_squeeze %dma_wait3A_52 : memref<1x64xi32, #tpu.memory_space<vmem>> -> memref<64xi32, #tpu.memory_space<vmem>>
    %dma_wait3A_54 = arith.constant 0 : i32
    %dma_wait3A_55 = arith.constant 0 : i32
    %dma_wait3A_56 = tpu.memref_slice %arg2[%dma_wait3A_54, %dma_wait3A_55] : memref<16384x768xf32, #tpu.memory_space<hbm>> -> memref<16384x768xf32, #tpu.memory_space<hbm>>
    tpu.wait_indirect_dma semaphore(%arg9 : memref<!tpu.dma_semaphore, #tpu.memory_space<semaphore_mem>>) src(%dma_wait3A_56 : memref<16384x768xf32, #tpu.memory_space<hbm>>) dst(%arg7 : memref<64x768xf32, #tpu.memory_space<vmem>>)
    %add3A_57 = arith.constant 64 : i32
    %add3A_58 = arith.addi %mul3A_2, %add3A_57 : i32
    %dma_start3A_59 = arith.constant 0 : i32
    %dma_start3A_60 = tpu.memref_slice %arg4[%add3A_58, %dma_start3A_59] : memref<8192x768xf32, #tpu.memory_space<hbm>> -> memref<64x768xf32, #tpu.memory_space<hbm>>
    %dma_start3A_61 = arith.constant 0 : i32
    %dma_start3A_62 = tpu.memref_slice %arg4[%add3A_58, %dma_start3A_61] : memref<8192x768xf32, #tpu.memory_space<hbm>> -> memref<64x768xf32, #tpu.memory_space<hbm>>
    tpu.enqueue_dma source(%arg7 : memref<64x768xf32, #tpu.memory_space<vmem>>) target(%dma_start3A_62 : memref<64x768xf32, #tpu.memory_space<hbm>>) target_semaphore(%arg11 : memref<!tpu.dma_semaphore, #tpu.memory_space<semaphore_mem>>)
    %dma_wait3A_63 = arith.constant 0 : i32
    %dma_wait3A_64 = tpu.memref_slice %arg4[%add3A_58, %dma_wait3A_63] : memref<8192x768xf32, #tpu.memory_space<hbm>> -> memref<64x768xf32, #tpu.memory_space<hbm>>
    %dma_wait3A_65 = arith.constant 0 : i32
    %dma_wait3A_66 = tpu.memref_slice %arg4[%add3A_58, %dma_wait3A_65] : memref<8192x768xf32, #tpu.memory_space<hbm>> -> memref<64x768xf32, #tpu.memory_space<hbm>>
    tpu.wait_dma2 semaphore(%arg11 : memref<!tpu.dma_semaphore, #tpu.memory_space<semaphore_mem>>) src(%arg7 : memref<64x768xf32, #tpu.memory_space<vmem>>) dst(%dma_wait3A_66 : memref<64x768xf32, #tpu.memory_space<hbm>>)
    %dma_start3A_67 = arith.constant 3 : i32
    %dma_start3A_68 = arith.constant 0 : i32
    %dma_start3A_69 = tpu.memref_slice %arg5[%dma_start3A_67, %dma_start3A_68] : memref<4x64xi32, #tpu.memory_space<vmem>> -> memref<1x64xi32, #tpu.memory_space<vmem>>
    %dma_start3A_70 = tpu.memref_squeeze %dma_start3A_69 : memref<1x64xi32, #tpu.memory_space<vmem>> -> memref<64xi32, #tpu.memory_space<vmem>>
    %dma_start3A_71 = arith.constant 0 : i32
    %dma_start3A_72 = arith.constant 0 : i32
    %dma_start3A_73 = tpu.memref_slice %arg2[%dma_start3A_71, %dma_start3A_72] : memref<16384x768xf32, #tpu.memory_space<hbm>> -> memref<16384x768xf32, #tpu.memory_space<hbm>>
    tpu.enqueue_indirect_dma source(%dma_start3A_73 : memref<16384x768xf32, #tpu.memory_space<hbm>>) target(%arg7 : memref<64x768xf32, #tpu.memory_space<vmem>>) offsets(%dma_start3A_70 : memref<64xi32, #tpu.memory_space<vmem>>) semaphore(%arg9 : memref<!tpu.dma_semaphore, #tpu.memory_space<semaphore_mem>>)
    %dma_wait3A_74 = arith.constant 2 : i32
    %dma_wait3A_75 = arith.constant 0 : i32
    %dma_wait3A_76 = tpu.memref_slice %arg5[%dma_wait3A_74, %dma_wait3A_75] : memref<4x64xi32, #tpu.memory_space<vmem>> -> memref<1x64xi32, #tpu.memory_space<vmem>>
    %dma_wait3A_77 = tpu.memref_squeeze %dma_wait3A_76 : memref<1x64xi32, #tpu.memory_space<vmem>> -> memref<64xi32, #tpu.memory_space<vmem>>
    %dma_wait3A_78 = arith.constant 0 : i32
    %dma_wait3A_79 = arith.constant 0 : i32
    %dma_wait3A_80 = tpu.memref_slice %arg2[%dma_wait3A_78, %dma_wait3A_79] : memref<16384x768xf32, #tpu.memory_space<hbm>> -> memref<16384x768xf32, #tpu.memory_space<hbm>>
    tpu.wait_indirect_dma semaphore(%arg8 : memref<!tpu.dma_semaphore, #tpu.memory_space<semaphore_mem>>) src(%dma_wait3A_80 : memref<16384x768xf32, #tpu.memory_space<hbm>>) dst(%arg6 : memref<64x768xf32, #tpu.memory_space<vmem>>)
    %add3A_81 = arith.constant 128 : i32
    %add3A_82 = arith.addi %mul3A_2, %add3A_81 : i32
    %dma_start3A_83 = arith.constant 0 : i32
    %dma_start3A_84 = tpu.memref_slice %arg4[%add3A_82, %dma_start3A_83] : memref<8192x768xf32, #tpu.memory_space<hbm>> -> memref<64x768xf32, #tpu.memory_space<hbm>>
    %dma_start3A_85 = arith.constant 0 : i32
    %dma_start3A_86 = tpu.memref_slice %arg4[%add3A_82, %dma_start3A_85] : memref<8192x768xf32, #tpu.memory_space<hbm>> -> memref<64x768xf32, #tpu.memory_space<hbm>>
    tpu.enqueue_dma source(%arg6 : memref<64x768xf32, #tpu.memory_space<vmem>>) target(%dma_start3A_86 : memref<64x768xf32, #tpu.memory_space<hbm>>) target_semaphore(%arg10 : memref<!tpu.dma_semaphore, #tpu.memory_space<semaphore_mem>>)
    %dma_wait3A_87 = arith.constant 3 : i32
    %dma_wait3A_88 = arith.constant 0 : i32
    %dma_wait3A_89 = tpu.memref_slice %arg5[%dma_wait3A_87, %dma_wait3A_88] : memref<4x64xi32, #tpu.memory_space<vmem>> -> memref<1x64xi32, #tpu.memory_space<vmem>>
    %dma_wait3A_90 = tpu.memref_squeeze %dma_wait3A_89 : memref<1x64xi32, #tpu.memory_space<vmem>> -> memref<64xi32, #tpu.memory_space<vmem>>
    %dma_wait3A_91 = arith.constant 0 : i32
    %dma_wait3A_92 = arith.constant 0 : i32
    %dma_wait3A_93 = tpu.memref_slice %arg2[%dma_wait3A_91, %dma_wait3A_92] : memref<16384x768xf32, #tpu.memory_space<hbm>> -> memref<16384x768xf32, #tpu.memory_space<hbm>>
    tpu.wait_indirect_dma semaphore(%arg9 : memref<!tpu.dma_semaphore, #tpu.memory_space<semaphore_mem>>) src(%dma_wait3A_93 : memref<16384x768xf32, #tpu.memory_space<hbm>>) dst(%arg7 : memref<64x768xf32, #tpu.memory_space<vmem>>)
    %add3A_94 = arith.constant 192 : i32
    %add3A_95 = arith.addi %mul3A_2, %add3A_94 : i32
    %dma_start3A_96 = arith.constant 0 : i32
    %dma_start3A_97 = tpu.memref_slice %arg4[%add3A_95, %dma_start3A_96] : memref<8192x768xf32, #tpu.memory_space<hbm>> -> memref<64x768xf32, #tpu.memory_space<hbm>>
    %dma_start3A_98 = arith.constant 0 : i32
    %dma_start3A_99 = tpu.memref_slice %arg4[%add3A_95, %dma_start3A_98] : memref<8192x768xf32, #tpu.memory_space<hbm>> -> memref<64x768xf32, #tpu.memory_space<hbm>>
    tpu.enqueue_dma source(%arg7 : memref<64x768xf32, #tpu.memory_space<vmem>>) target(%dma_start3A_99 : memref<64x768xf32, #tpu.memory_space<hbm>>) target_semaphore(%arg11 : memref<!tpu.dma_semaphore, #tpu.memory_space<semaphore_mem>>)
    %dma_wait3A_100 = arith.constant 0 : i32
    %dma_wait3A_101 = tpu.memref_slice %arg4[%add3A_82, %dma_wait3A_100] : memref<8192x768xf32, #tpu.memory_space<hbm>> -> memref<64x768xf32, #tpu.memory_space<hbm>>
    %dma_wait3A_102 = arith.constant 0 : i32
    %dma_wait3A_103 = tpu.memref_slice %arg4[%add3A_82, %dma_wait3A_102] : memref<8192x768xf32, #tpu.memory_space<hbm>> -> memref<64x768xf32, #tpu.memory_space<hbm>>
    tpu.wait_dma2 semaphore(%arg10 : memref<!tpu.dma_semaphore, #tpu.memory_space<semaphore_mem>>) src(%arg6 : memref<64x768xf32, #tpu.memory_space<vmem>>) dst(%dma_wait3A_103 : memref<64x768xf32, #tpu.memory_space<hbm>>)
    %dma_wait3A_104 = arith.constant 0 : i32
    %dma_wait3A_105 = tpu.memref_slice %arg4[%add3A_95, %dma_wait3A_104] : memref<8192x768xf32, #tpu.memory_space<hbm>> -> memref<64x768xf32, #tpu.memory_space<hbm>>
    %dma_wait3A_106 = arith.constant 0 : i32
    %dma_wait3A_107 = tpu.memref_slice %arg4[%add3A_95, %dma_wait3A_106] : memref<8192x768xf32, #tpu.memory_space<hbm>> -> memref<64x768xf32, #tpu.memory_space<hbm>>
    tpu.wait_dma2 semaphore(%arg11 : memref<!tpu.dma_semaphore, #tpu.memory_space<semaphore_mem>>) src(%arg7 : memref<64x768xf32, #tpu.memory_space<vmem>>) dst(%dma_wait3A_107 : memref<64x768xf32, #tpu.memory_space<hbm>>)
    return
  }
}

#map = affine_map<(d0, d1) -> (0, 0)>
#map1 = affine_map<(d0, d1) -> (0)>
module attributes {stable_mosaic.version = 14 : i64} {
  func.func @sc_dispatch(%arg0: i32, %arg1: i32, %arg2: memref<8192x768xf32, #tpu.memory_space<hbm>>, %arg3: memref<8192xi32, #tpu.memory_space<hbm>>, %arg4: memref<8192xi32, #tpu.memory_space<hbm>>, %arg5: memref<64xi32, #tpu.memory_space<hbm>>, %arg6: memref<16384x768xf32, #tpu.memory_space<hbm>>, %arg7: memref<8192xi32, #tpu.memory_space<hbm>>, %arg8: memref<256xi32, #tpu.memory_space<vmem>>, %arg9: memref<256xi32, #tpu.memory_space<vmem>>, %arg10: memref<64xi32, #tpu.memory_space<vmem>>, %arg11: memref<256xi32, #tpu.memory_space<vmem>>, %arg12: memref<4x64xi32, #tpu.memory_space<vmem>>, %arg13: memref<64x768xf32, #tpu.memory_space<vmem>>, %arg14: memref<64x768xf32, #tpu.memory_space<vmem>>, %arg15: memref<!tpu.dma_semaphore, #tpu.memory_space<semaphore_mem>>, %arg16: memref<!tpu.dma_semaphore, #tpu.memory_space<semaphore_mem>>, %arg17: memref<!tpu.dma_semaphore, #tpu.memory_space<semaphore_mem>>, %arg18: memref<!tpu.dma_semaphore, #tpu.memory_space<semaphore_mem>>) attributes {dimension_semantics = [#tpu.dimension_semantics<core_parallel>, #tpu.dimension_semantics<subcore_parallel>], iteration_bounds = array<i64: 2, 16>, scalar_prefetch = 0 : i64, scratch_operands = 11 : i64, tpu.core_type = #tpu.core_type<sc_vector_subcore>, window_params = [{transform_indices = #map}, {transform_indices = #map1}, {transform_indices = #map1}, {transform_indices = #map1}, {transform_indices = #map}, {transform_indices = #map1}]} {
    %mul3A = arith.constant 2 : i32
    %mul3A_0 = arith.muli %arg1, %mul3A : i32
    %add3A = arith.addi %mul3A_0, %arg0 : i32
    %mul3A_1 = arith.constant 256 : i32
    %mul3A_2 = arith.muli %add3A, %mul3A_1 : i32
    %dma_start3A = arith.constant 0 : i32
    %dma_start3A_3 = tpu.memref_slice %arg2[%mul3A_2, %dma_start3A] : memref<8192x768xf32, #tpu.memory_space<hbm>> -> memref<64x768xf32, #tpu.memory_space<hbm>>
    %dma_start3A_4 = arith.constant 0 : i32
    %dma_start3A_5 = tpu.memref_slice %arg2[%mul3A_2, %dma_start3A_4] : memref<8192x768xf32, #tpu.memory_space<hbm>> -> memref<64x768xf32, #tpu.memory_space<hbm>>
    tpu.enqueue_dma source(%dma_start3A_5 : memref<64x768xf32, #tpu.memory_space<hbm>>) target(%arg13 : memref<64x768xf32, #tpu.memory_space<vmem>>) target_semaphore(%arg15 : memref<!tpu.dma_semaphore, #tpu.memory_space<semaphore_mem>>)
    %add3A_6 = arith.constant 64 : i32
    %add3A_7 = arith.addi %mul3A_2, %add3A_6 : i32
    %dma_start3A_8 = arith.constant 0 : i32
    %dma_start3A_9 = tpu.memref_slice %arg2[%add3A_7, %dma_start3A_8] : memref<8192x768xf32, #tpu.memory_space<hbm>> -> memref<64x768xf32, #tpu.memory_space<hbm>>
    %dma_start3A_10 = arith.constant 0 : i32
    %dma_start3A_11 = tpu.memref_slice %arg2[%add3A_7, %dma_start3A_10] : memref<8192x768xf32, #tpu.memory_space<hbm>> -> memref<64x768xf32, #tpu.memory_space<hbm>>
    tpu.enqueue_dma source(%dma_start3A_11 : memref<64x768xf32, #tpu.memory_space<hbm>>) target(%arg14 : memref<64x768xf32, #tpu.memory_space<vmem>>) target_semaphore(%arg16 : memref<!tpu.dma_semaphore, #tpu.memory_space<semaphore_mem>>)
    "tpu.region"() ({
      %run_scoped3A = tpu.sem_alloc : memref<!tpu.dma_semaphore, #tpu.memory_space<semaphore_mem>>
      %dma_start3A_483 = tpu.memref_slice %arg3[%mul3A_2] : memref<8192xi32, #tpu.memory_space<hbm>> -> memref<256xi32, #tpu.memory_space<hbm>>
      %dma_start3A_484 = tpu.memref_slice %arg3[%mul3A_2] : memref<8192xi32, #tpu.memory_space<hbm>> -> memref<256xi32, #tpu.memory_space<hbm>>
      tpu.enqueue_dma source(%dma_start3A_484 : memref<256xi32, #tpu.memory_space<hbm>>) target(%arg8 : memref<256xi32, #tpu.memory_space<vmem>>) target_semaphore(%run_scoped3A : memref<!tpu.dma_semaphore, #tpu.memory_space<semaphore_mem>>)
      %dma_wait3A_485 = tpu.memref_slice %arg3[%mul3A_2] : memref<8192xi32, #tpu.memory_space<hbm>> -> memref<256xi32, #tpu.memory_space<hbm>>
      %dma_wait3A_486 = tpu.memref_slice %arg3[%mul3A_2] : memref<8192xi32, #tpu.memory_space<hbm>> -> memref<256xi32, #tpu.memory_space<hbm>>
      tpu.wait_dma2 semaphore(%run_scoped3A : memref<!tpu.dma_semaphore, #tpu.memory_space<semaphore_mem>>) src(%dma_wait3A_486 : memref<256xi32, #tpu.memory_space<hbm>>) dst(%arg8 : memref<256xi32, #tpu.memory_space<vmem>>)
      tpu.yield
    }) : () -> ()
    "tpu.region"() ({
      %run_scoped3A = tpu.sem_alloc : memref<!tpu.dma_semaphore, #tpu.memory_space<semaphore_mem>>
      %dma_start3A_483 = tpu.memref_slice %arg4[%mul3A_2] : memref<8192xi32, #tpu.memory_space<hbm>> -> memref<256xi32, #tpu.memory_space<hbm>>
      %dma_start3A_484 = tpu.memref_slice %arg4[%mul3A_2] : memref<8192xi32, #tpu.memory_space<hbm>> -> memref<256xi32, #tpu.memory_space<hbm>>
      tpu.enqueue_dma source(%dma_start3A_484 : memref<256xi32, #tpu.memory_space<hbm>>) target(%arg9 : memref<256xi32, #tpu.memory_space<vmem>>) target_semaphore(%run_scoped3A : memref<!tpu.dma_semaphore, #tpu.memory_space<semaphore_mem>>)
      %dma_wait3A_485 = tpu.memref_slice %arg4[%mul3A_2] : memref<8192xi32, #tpu.memory_space<hbm>> -> memref<256xi32, #tpu.memory_space<hbm>>
      %dma_wait3A_486 = tpu.memref_slice %arg4[%mul3A_2] : memref<8192xi32, #tpu.memory_space<hbm>> -> memref<256xi32, #tpu.memory_space<hbm>>
      tpu.wait_dma2 semaphore(%run_scoped3A : memref<!tpu.dma_semaphore, #tpu.memory_space<semaphore_mem>>) src(%dma_wait3A_486 : memref<256xi32, #tpu.memory_space<hbm>>) dst(%arg9 : memref<256xi32, #tpu.memory_space<vmem>>)
      tpu.yield
    }) : () -> ()
    "tpu.region"() ({
      %run_scoped3A = tpu.sem_alloc : memref<!tpu.dma_semaphore, #tpu.memory_space<semaphore_mem>>
      tpu.enqueue_dma source(%arg5 : memref<64xi32, #tpu.memory_space<hbm>>) target(%arg10 : memref<64xi32, #tpu.memory_space<vmem>>) target_semaphore(%run_scoped3A : memref<!tpu.dma_semaphore, #tpu.memory_space<semaphore_mem>>)
      tpu.wait_dma2 semaphore(%run_scoped3A : memref<!tpu.dma_semaphore, #tpu.memory_space<semaphore_mem>>) src(%arg5 : memref<64xi32, #tpu.memory_space<hbm>>) dst(%arg10 : memref<64xi32, #tpu.memory_space<vmem>>)
      tpu.yield
    }) : () -> ()
    %get3A = arith.constant 0 : index
    %get3A_12 = tpu.vector_load %arg10[%get3A] {strides = array<i32>} : memref<64xi32, #tpu.memory_space<vmem>>, vector<16xi32>,
    %add3A_13 = arith.constant 127 : i32
    %add3A_14 = vector.broadcast %add3A_13 : i32 to vector<16xi32>
    %add3A_15 = arith.addi %get3A_12, %add3A_14 : vector<16xi32>
    %jit3A = arith.constant 128 : i32
    %div3A = vector.broadcast %jit3A : i32 to vector<16xi32>
    %div3A_16 = arith.divsi %add3A_15, %div3A : vector<16xi32>
    %sign3A = arith.constant 0 : i32
    %sign3A_17 = vector.broadcast %sign3A : i32 to vector<16xi32>
    %sign3A_18 = arith.cmpi sgt, %add3A_15, %sign3A_17 : vector<16xi32>
    %sign3A_19 = arith.extui %sign3A_18 : vector<16xi1> to vector<16xi32>
    %sign3A_20 = arith.constant 0 : i32
    %sign3A_21 = vector.broadcast %sign3A_20 : i32 to vector<16xi32>
    %sign3A_22 = arith.cmpi slt, %add3A_15, %sign3A_21 : vector<16xi32>
    %sign3A_23 = arith.extui %sign3A_22 : vector<16xi1> to vector<16xi32>
    %sign3A_24 = arith.subi %sign3A_19, %sign3A_23 : vector<16xi32>
    %sign3A_25 = arith.constant 0 : i32
    %sign3A_26 = arith.cmpi sgt, %jit3A, %sign3A_25 : i32
    %sign3A_27 = arith.extui %sign3A_26 : i1 to i32
    %sign3A_28 = arith.constant 0 : i32
    %sign3A_29 = arith.cmpi slt, %jit3A, %sign3A_28 : i32
    %sign3A_30 = arith.extui %sign3A_29 : i1 to i32
    %sign3A_31 = arith.subi %sign3A_27, %sign3A_30 : i32
    %ne3A = vector.broadcast %sign3A_31 : i32 to vector<16xi32>
    %ne3A_32 = arith.cmpi ne, %sign3A_24, %ne3A : vector<16xi32>
    %rem3A = vector.broadcast %jit3A : i32 to vector<16xi32>
    %rem3A_33 = arith.remsi %add3A_15, %rem3A : vector<16xi32>
    %ne3A_34 = arith.constant 0 : i32
    %ne3A_35 = vector.broadcast %ne3A_34 : i32 to vector<16xi32>
    %ne3A_36 = arith.cmpi ne, %rem3A_33, %ne3A_35 : vector<16xi32>
    %and3A = arith.andi %ne3A_32, %ne3A_36 : vector<16xi1>
    %sub3A = arith.constant 1 : i32
    %sub3A_37 = vector.broadcast %sub3A : i32 to vector<16xi32>
    %sub3A_38 = arith.subi %div3A_16, %sub3A_37 : vector<16xi32>
    %select_n3A = arith.select %and3A, %sub3A_38, %div3A_16 : vector<16xi1>, vector<16xi32>
    %mul3A_39 = arith.constant 128 : i32
    %mul3A_40 = vector.broadcast %mul3A_39 : i32 to vector<16xi32>
    %mul3A_41 = arith.muli %select_n3A, %mul3A_40 : vector<16xi32>
    %broadcast_in_dim3A = arith.constant true
    %broadcast_in_dim3A_42 = vector.broadcast %broadcast_in_dim3A : i1 to vector<16xi1>
    %masked_cumsum3A = tpu.scan <sum>, %mul3A_41 masked %broadcast_in_dim3A_42 : vector<16xi32>, vector<16xi1> -> vector<16xi32>
    %sub3A_43 = arith.subi %masked_cumsum3A, %mul3A_41 : vector<16xi32>
    %add3A_44 = arith.constant 0 : i32
    %add3A_45 = vector.broadcast %add3A_44 : i32 to vector<16xi32>
    %add3A_46 = arith.addi %sub3A_43, %add3A_45 : vector<16xi32>
    %swap3A = arith.constant 0 : index
    %swap3A_47 = tpu.vector_load %arg10[%swap3A] {strides = array<i32>} : memref<64xi32, #tpu.memory_space<vmem>>, vector<16xi32>,
    tpu.vector_store %arg10[%swap3A], %add3A_46 {strides = array<i32>} : memref<64xi32, #tpu.memory_space<vmem>>, vector<16xi32>,
    %reduce_sum3A = arith.constant true
    %reduce_sum3A_48 = vector.broadcast %reduce_sum3A : i1 to vector<16xi1>
    %reduce_sum3A_49 = tpu.scan <sum>, %mul3A_41 masked %reduce_sum3A_48 : vector<16xi32>, vector<16xi1> -> vector<16xi32>
    %reduce_sum3A_50 = vector.extract %reduce_sum3A_49[15] : i32 from vector<16xi32>
    %add3A_51 = arith.constant 0 : i32
    %add3A_52 = arith.addi %add3A_51, %reduce_sum3A_50 : i32
    %get3A_53 = arith.constant 16 : index
    %get3A_54 = tpu.vector_load %arg10[%get3A_53] {strides = array<i32>} : memref<64xi32, #tpu.memory_space<vmem>>, vector<16xi32>,
    %add3A_55 = arith.constant 127 : i32
    %add3A_56 = vector.broadcast %add3A_55 : i32 to vector<16xi32>
    %add3A_57 = arith.addi %get3A_54, %add3A_56 : vector<16xi32>
    %jit3A_58 = arith.constant 128 : i32
    %div3A_59 = vector.broadcast %jit3A_58 : i32 to vector<16xi32>
    %div3A_60 = arith.divsi %add3A_57, %div3A_59 : vector<16xi32>
    %sign3A_61 = arith.constant 0 : i32
    %sign3A_62 = vector.broadcast %sign3A_61 : i32 to vector<16xi32>
    %sign3A_63 = arith.cmpi sgt, %add3A_57, %sign3A_62 : vector<16xi32>
    %sign3A_64 = arith.extui %sign3A_63 : vector<16xi1> to vector<16xi32>
    %sign3A_65 = arith.constant 0 : i32
    %sign3A_66 = vector.broadcast %sign3A_65 : i32 to vector<16xi32>
    %sign3A_67 = arith.cmpi slt, %add3A_57, %sign3A_66 : vector<16xi32>
    %sign3A_68 = arith.extui %sign3A_67 : vector<16xi1> to vector<16xi32>
    %sign3A_69 = arith.subi %sign3A_64, %sign3A_68 : vector<16xi32>
    %sign3A_70 = arith.constant 0 : i32
    %sign3A_71 = arith.cmpi sgt, %jit3A_58, %sign3A_70 : i32
    %sign3A_72 = arith.extui %sign3A_71 : i1 to i32
    %sign3A_73 = arith.constant 0 : i32
    %sign3A_74 = arith.cmpi slt, %jit3A_58, %sign3A_73 : i32
    %sign3A_75 = arith.extui %sign3A_74 : i1 to i32
    %sign3A_76 = arith.subi %sign3A_72, %sign3A_75 : i32
    %ne3A_77 = vector.broadcast %sign3A_76 : i32 to vector<16xi32>
    %ne3A_78 = arith.cmpi ne, %sign3A_69, %ne3A_77 : vector<16xi32>
    %rem3A_79 = vector.broadcast %jit3A_58 : i32 to vector<16xi32>
    %rem3A_80 = arith.remsi %add3A_57, %rem3A_79 : vector<16xi32>
    %ne3A_81 = arith.constant 0 : i32
    %ne3A_82 = vector.broadcast %ne3A_81 : i32 to vector<16xi32>
    %ne3A_83 = arith.cmpi ne, %rem3A_80, %ne3A_82 : vector<16xi32>
    %and3A_84 = arith.andi %ne3A_78, %ne3A_83 : vector<16xi1>
    %sub3A_85 = arith.constant 1 : i32
    %sub3A_86 = vector.broadcast %sub3A_85 : i32 to vector<16xi32>
    %sub3A_87 = arith.subi %div3A_60, %sub3A_86 : vector<16xi32>
    %select_n3A_88 = arith.select %and3A_84, %sub3A_87, %div3A_60 : vector<16xi1>, vector<16xi32>
    %mul3A_89 = arith.constant 128 : i32
    %mul3A_90 = vector.broadcast %mul3A_89 : i32 to vector<16xi32>
    %mul3A_91 = arith.muli %select_n3A_88, %mul3A_90 : vector<16xi32>
    %broadcast_in_dim3A_92 = arith.constant true
    %broadcast_in_dim3A_93 = vector.broadcast %broadcast_in_dim3A_92 : i1 to vector<16xi1>
    %masked_cumsum3A_94 = tpu.scan <sum>, %mul3A_91 masked %broadcast_in_dim3A_93 : vector<16xi32>, vector<16xi1> -> vector<16xi32>
    %sub3A_95 = arith.subi %masked_cumsum3A_94, %mul3A_91 : vector<16xi32>
    %add3A_96 = vector.broadcast %add3A_52 : i32 to vector<16xi32>
    %add3A_97 = arith.addi %sub3A_95, %add3A_96 : vector<16xi32>
    %swap3A_98 = arith.constant 16 : index
    %swap3A_99 = tpu.vector_load %arg10[%swap3A_98] {strides = array<i32>} : memref<64xi32, #tpu.memory_space<vmem>>, vector<16xi32>,
    tpu.vector_store %arg10[%swap3A_98], %add3A_97 {strides = array<i32>} : memref<64xi32, #tpu.memory_space<vmem>>, vector<16xi32>,
    %reduce_sum3A_100 = arith.constant true
    %reduce_sum3A_101 = vector.broadcast %reduce_sum3A_100 : i1 to vector<16xi1>
    %reduce_sum3A_102 = tpu.scan <sum>, %mul3A_91 masked %reduce_sum3A_101 : vector<16xi32>, vector<16xi1> -> vector<16xi32>
    %reduce_sum3A_103 = vector.extract %reduce_sum3A_102[15] : i32 from vector<16xi32>
    %add3A_104 = arith.addi %add3A_52, %reduce_sum3A_103 : i32
    %get3A_105 = arith.constant 32 : index
    %get3A_106 = tpu.vector_load %arg10[%get3A_105] {strides = array<i32>} : memref<64xi32, #tpu.memory_space<vmem>>, vector<16xi32>,
    %add3A_107 = arith.constant 127 : i32
    %add3A_108 = vector.broadcast %add3A_107 : i32 to vector<16xi32>
    %add3A_109 = arith.addi %get3A_106, %add3A_108 : vector<16xi32>
    %jit3A_110 = arith.constant 128 : i32
    %div3A_111 = vector.broadcast %jit3A_110 : i32 to vector<16xi32>
    %div3A_112 = arith.divsi %add3A_109, %div3A_111 : vector<16xi32>
    %sign3A_113 = arith.constant 0 : i32
    %sign3A_114 = vector.broadcast %sign3A_113 : i32 to vector<16xi32>
    %sign3A_115 = arith.cmpi sgt, %add3A_109, %sign3A_114 : vector<16xi32>
    %sign3A_116 = arith.extui %sign3A_115 : vector<16xi1> to vector<16xi32>
    %sign3A_117 = arith.constant 0 : i32
    %sign3A_118 = vector.broadcast %sign3A_117 : i32 to vector<16xi32>
    %sign3A_119 = arith.cmpi slt, %add3A_109, %sign3A_118 : vector<16xi32>
    %sign3A_120 = arith.extui %sign3A_119 : vector<16xi1> to vector<16xi32>
    %sign3A_121 = arith.subi %sign3A_116, %sign3A_120 : vector<16xi32>
    %sign3A_122 = arith.constant 0 : i32
    %sign3A_123 = arith.cmpi sgt, %jit3A_110, %sign3A_122 : i32
    %sign3A_124 = arith.extui %sign3A_123 : i1 to i32
    %sign3A_125 = arith.constant 0 : i32
    %sign3A_126 = arith.cmpi slt, %jit3A_110, %sign3A_125 : i32
    %sign3A_127 = arith.extui %sign3A_126 : i1 to i32
    %sign3A_128 = arith.subi %sign3A_124, %sign3A_127 : i32
    %ne3A_129 = vector.broadcast %sign3A_128 : i32 to vector<16xi32>
    %ne3A_130 = arith.cmpi ne, %sign3A_121, %ne3A_129 : vector<16xi32>
    %rem3A_131 = vector.broadcast %jit3A_110 : i32 to vector<16xi32>
    %rem3A_132 = arith.remsi %add3A_109, %rem3A_131 : vector<16xi32>
    %ne3A_133 = arith.constant 0 : i32
    %ne3A_134 = vector.broadcast %ne3A_133 : i32 to vector<16xi32>
    %ne3A_135 = arith.cmpi ne, %rem3A_132, %ne3A_134 : vector<16xi32>
    %and3A_136 = arith.andi %ne3A_130, %ne3A_135 : vector<16xi1>
    %sub3A_137 = arith.constant 1 : i32
    %sub3A_138 = vector.broadcast %sub3A_137 : i32 to vector<16xi32>
    %sub3A_139 = arith.subi %div3A_112, %sub3A_138 : vector<16xi32>
    %select_n3A_140 = arith.select %and3A_136, %sub3A_139, %div3A_112 : vector<16xi1>, vector<16xi32>
    %mul3A_141 = arith.constant 128 : i32
    %mul3A_142 = vector.broadcast %mul3A_141 : i32 to vector<16xi32>
    %mul3A_143 = arith.muli %select_n3A_140, %mul3A_142 : vector<16xi32>
    %broadcast_in_dim3A_144 = arith.constant true
    %broadcast_in_dim3A_145 = vector.broadcast %broadcast_in_dim3A_144 : i1 to vector<16xi1>
    %masked_cumsum3A_146 = tpu.scan <sum>, %mul3A_143 masked %broadcast_in_dim3A_145 : vector<16xi32>, vector<16xi1> -> vector<16xi32>
    %sub3A_147 = arith.subi %masked_cumsum3A_146, %mul3A_143 : vector<16xi32>
    %add3A_148 = vector.broadcast %add3A_104 : i32 to vector<16xi32>
    %add3A_149 = arith.addi %sub3A_147, %add3A_148 : vector<16xi32>
    %swap3A_150 = arith.constant 32 : index
    %swap3A_151 = tpu.vector_load %arg10[%swap3A_150] {strides = array<i32>} : memref<64xi32, #tpu.memory_space<vmem>>, vector<16xi32>,
    tpu.vector_store %arg10[%swap3A_150], %add3A_149 {strides = array<i32>} : memref<64xi32, #tpu.memory_space<vmem>>, vector<16xi32>,
    %reduce_sum3A_152 = arith.constant true
    %reduce_sum3A_153 = vector.broadcast %reduce_sum3A_152 : i1 to vector<16xi1>
    %reduce_sum3A_154 = tpu.scan <sum>, %mul3A_143 masked %reduce_sum3A_153 : vector<16xi32>, vector<16xi1> -> vector<16xi32>
    %reduce_sum3A_155 = vector.extract %reduce_sum3A_154[15] : i32 from vector<16xi32>
    %add3A_156 = arith.addi %add3A_104, %reduce_sum3A_155 : i32
    %get3A_157 = arith.constant 48 : index
    %get3A_158 = tpu.vector_load %arg10[%get3A_157] {strides = array<i32>} : memref<64xi32, #tpu.memory_space<vmem>>, vector<16xi32>,
    %add3A_159 = arith.constant 127 : i32
    %add3A_160 = vector.broadcast %add3A_159 : i32 to vector<16xi32>
    %add3A_161 = arith.addi %get3A_158, %add3A_160 : vector<16xi32>
    %jit3A_162 = arith.constant 128 : i32
    %div3A_163 = vector.broadcast %jit3A_162 : i32 to vector<16xi32>
    %div3A_164 = arith.divsi %add3A_161, %div3A_163 : vector<16xi32>
    %sign3A_165 = arith.constant 0 : i32
    %sign3A_166 = vector.broadcast %sign3A_165 : i32 to vector<16xi32>
    %sign3A_167 = arith.cmpi sgt, %add3A_161, %sign3A_166 : vector<16xi32>
    %sign3A_168 = arith.extui %sign3A_167 : vector<16xi1> to vector<16xi32>
    %sign3A_169 = arith.constant 0 : i32
    %sign3A_170 = vector.broadcast %sign3A_169 : i32 to vector<16xi32>
    %sign3A_171 = arith.cmpi slt, %add3A_161, %sign3A_170 : vector<16xi32>
    %sign3A_172 = arith.extui %sign3A_171 : vector<16xi1> to vector<16xi32>
    %sign3A_173 = arith.subi %sign3A_168, %sign3A_172 : vector<16xi32>
    %sign3A_174 = arith.constant 0 : i32
    %sign3A_175 = arith.cmpi sgt, %jit3A_162, %sign3A_174 : i32
    %sign3A_176 = arith.extui %sign3A_175 : i1 to i32
    %sign3A_177 = arith.constant 0 : i32
    %sign3A_178 = arith.cmpi slt, %jit3A_162, %sign3A_177 : i32
    %sign3A_179 = arith.extui %sign3A_178 : i1 to i32
    %sign3A_180 = arith.subi %sign3A_176, %sign3A_179 : i32
    %ne3A_181 = vector.broadcast %sign3A_180 : i32 to vector<16xi32>
    %ne3A_182 = arith.cmpi ne, %sign3A_173, %ne3A_181 : vector<16xi32>
    %rem3A_183 = vector.broadcast %jit3A_162 : i32 to vector<16xi32>
    %rem3A_184 = arith.remsi %add3A_161, %rem3A_183 : vector<16xi32>
    %ne3A_185 = arith.constant 0 : i32
    %ne3A_186 = vector.broadcast %ne3A_185 : i32 to vector<16xi32>
    %ne3A_187 = arith.cmpi ne, %rem3A_184, %ne3A_186 : vector<16xi32>
    %and3A_188 = arith.andi %ne3A_182, %ne3A_187 : vector<16xi1>
    %sub3A_189 = arith.constant 1 : i32
    %sub3A_190 = vector.broadcast %sub3A_189 : i32 to vector<16xi32>
    %sub3A_191 = arith.subi %div3A_164, %sub3A_190 : vector<16xi32>
    %select_n3A_192 = arith.select %and3A_188, %sub3A_191, %div3A_164 : vector<16xi1>, vector<16xi32>
    %mul3A_193 = arith.constant 128 : i32
    %mul3A_194 = vector.broadcast %mul3A_193 : i32 to vector<16xi32>
    %mul3A_195 = arith.muli %select_n3A_192, %mul3A_194 : vector<16xi32>
    %broadcast_in_dim3A_196 = arith.constant true
    %broadcast_in_dim3A_197 = vector.broadcast %broadcast_in_dim3A_196 : i1 to vector<16xi1>
    %masked_cumsum3A_198 = tpu.scan <sum>, %mul3A_195 masked %broadcast_in_dim3A_197 : vector<16xi32>, vector<16xi1> -> vector<16xi32>
    %sub3A_199 = arith.subi %masked_cumsum3A_198, %mul3A_195 : vector<16xi32>
    %add3A_200 = vector.broadcast %add3A_156 : i32 to vector<16xi32>
    %add3A_201 = arith.addi %sub3A_199, %add3A_200 : vector<16xi32>
    %swap3A_202 = arith.constant 48 : index
    %swap3A_203 = tpu.vector_load %arg10[%swap3A_202] {strides = array<i32>} : memref<64xi32, #tpu.memory_space<vmem>>, vector<16xi32>,
    tpu.vector_store %arg10[%swap3A_202], %add3A_201 {strides = array<i32>} : memref<64xi32, #tpu.memory_space<vmem>>, vector<16xi32>,
    %reduce_sum3A_204 = arith.constant true
    %reduce_sum3A_205 = vector.broadcast %reduce_sum3A_204 : i1 to vector<16xi1>
    %reduce_sum3A_206 = tpu.scan <sum>, %mul3A_195 masked %reduce_sum3A_205 : vector<16xi32>, vector<16xi1> -> vector<16xi32>
    %reduce_sum3A_207 = vector.extract %reduce_sum3A_206[15] : i32 from vector<16xi32>
    %add3A_208 = arith.addi %add3A_156, %reduce_sum3A_207 : i32
    %get3A_209 = arith.constant 0 : index
    %get3A_210 = tpu.vector_load %arg8[%get3A_209] {strides = array<i32>} : memref<256xi32, #tpu.memory_space<vmem>>, vector<16xi32>,
    %get3A_211 = arith.constant 0 : index
    %get3A_212 = tpu.vector_load %arg9[%get3A_211] {strides = array<i32>} : memref<256xi32, #tpu.memory_space<vmem>>, vector<16xi32>,
    %gather3A = tpu.vector_load_idx %arg10[%get3A_210] : memref<64xi32, #tpu.memory_space<vmem>>[vector<16xi32>], vector<16xi32>,
    %add3A_213 = arith.addi %gather3A, %get3A_212 : vector<16xi32>
    %swap3A_214 = arith.constant 0 : i32
    %swap3A_215 = arith.index_cast %swap3A_214 : i32 to index
    %swap3A_216 = arith.constant 0 : index
    %swap3A_217 = tpu.vector_load %arg12[%swap3A_215, %swap3A_216] {strides = array<i32>} : memref<4x64xi32, #tpu.memory_space<vmem>>, vector<16xi32>,
    tpu.vector_store %arg12[%swap3A_215, %swap3A_216], %add3A_213 {strides = array<i32>} : memref<4x64xi32, #tpu.memory_space<vmem>>, vector<16xi32>,
    %swap3A_218 = arith.constant 0 : index
    %swap3A_219 = tpu.vector_load %arg11[%swap3A_218] {strides = array<i32>} : memref<256xi32, #tpu.memory_space<vmem>>, vector<16xi32>,
    tpu.vector_store %arg11[%swap3A_218], %add3A_213 {strides = array<i32>} : memref<256xi32, #tpu.memory_space<vmem>>, vector<16xi32>,
    %get3A_220 = arith.constant 16 : index
    %get3A_221 = tpu.vector_load %arg8[%get3A_220] {strides = array<i32>} : memref<256xi32, #tpu.memory_space<vmem>>, vector<16xi32>,
    %get3A_222 = arith.constant 16 : index
    %get3A_223 = tpu.vector_load %arg9[%get3A_222] {strides = array<i32>} : memref<256xi32, #tpu.memory_space<vmem>>, vector<16xi32>,
    %gather3A_224 = tpu.vector_load_idx %arg10[%get3A_221] : memref<64xi32, #tpu.memory_space<vmem>>[vector<16xi32>], vector<16xi32>,
    %add3A_225 = arith.addi %gather3A_224, %get3A_223 : vector<16xi32>
    %swap3A_226 = arith.constant 0 : i32
    %swap3A_227 = arith.index_cast %swap3A_226 : i32 to index
    %swap3A_228 = arith.constant 16 : index
    %swap3A_229 = tpu.vector_load %arg12[%swap3A_227, %swap3A_228] {strides = array<i32>} : memref<4x64xi32, #tpu.memory_space<vmem>>, vector<16xi32>,
    tpu.vector_store %arg12[%swap3A_227, %swap3A_228], %add3A_225 {strides = array<i32>} : memref<4x64xi32, #tpu.memory_space<vmem>>, vector<16xi32>,
    %swap3A_230 = arith.constant 16 : index
    %swap3A_231 = tpu.vector_load %arg11[%swap3A_230] {strides = array<i32>} : memref<256xi32, #tpu.memory_space<vmem>>, vector<16xi32>,
    tpu.vector_store %arg11[%swap3A_230], %add3A_225 {strides = array<i32>} : memref<256xi32, #tpu.memory_space<vmem>>, vector<16xi32>,
    %get3A_232 = arith.constant 32 : index
    %get3A_233 = tpu.vector_load %arg8[%get3A_232] {strides = array<i32>} : memref<256xi32, #tpu.memory_space<vmem>>, vector<16xi32>,
    %get3A_234 = arith.constant 32 : index
    %get3A_235 = tpu.vector_load %arg9[%get3A_234] {strides = array<i32>} : memref<256xi32, #tpu.memory_space<vmem>>, vector<16xi32>,
    %gather3A_236 = tpu.vector_load_idx %arg10[%get3A_233] : memref<64xi32, #tpu.memory_space<vmem>>[vector<16xi32>], vector<16xi32>,
    %add3A_237 = arith.addi %gather3A_236, %get3A_235 : vector<16xi32>
    %swap3A_238 = arith.constant 0 : i32
    %swap3A_239 = arith.index_cast %swap3A_238 : i32 to index
    %swap3A_240 = arith.constant 32 : index
    %swap3A_241 = tpu.vector_load %arg12[%swap3A_239, %swap3A_240] {strides = array<i32>} : memref<4x64xi32, #tpu.memory_space<vmem>>, vector<16xi32>,
    tpu.vector_store %arg12[%swap3A_239, %swap3A_240], %add3A_237 {strides = array<i32>} : memref<4x64xi32, #tpu.memory_space<vmem>>, vector<16xi32>,
    %swap3A_242 = arith.constant 32 : index
    %swap3A_243 = tpu.vector_load %arg11[%swap3A_242] {strides = array<i32>} : memref<256xi32, #tpu.memory_space<vmem>>, vector<16xi32>,
    tpu.vector_store %arg11[%swap3A_242], %add3A_237 {strides = array<i32>} : memref<256xi32, #tpu.memory_space<vmem>>, vector<16xi32>,
    %get3A_244 = arith.constant 48 : index
    %get3A_245 = tpu.vector_load %arg8[%get3A_244] {strides = array<i32>} : memref<256xi32, #tpu.memory_space<vmem>>, vector<16xi32>,
    %get3A_246 = arith.constant 48 : index
    %get3A_247 = tpu.vector_load %arg9[%get3A_246] {strides = array<i32>} : memref<256xi32, #tpu.memory_space<vmem>>, vector<16xi32>,
    %gather3A_248 = tpu.vector_load_idx %arg10[%get3A_245] : memref<64xi32, #tpu.memory_space<vmem>>[vector<16xi32>], vector<16xi32>,
    %add3A_249 = arith.addi %gather3A_248, %get3A_247 : vector<16xi32>
    %swap3A_250 = arith.constant 0 : i32
    %swap3A_251 = arith.index_cast %swap3A_250 : i32 to index
    %swap3A_252 = arith.constant 48 : index
    %swap3A_253 = tpu.vector_load %arg12[%swap3A_251, %swap3A_252] {strides = array<i32>} : memref<4x64xi32, #tpu.memory_space<vmem>>, vector<16xi32>,
    tpu.vector_store %arg12[%swap3A_251, %swap3A_252], %add3A_249 {strides = array<i32>} : memref<4x64xi32, #tpu.memory_space<vmem>>, vector<16xi32>,
    %swap3A_254 = arith.constant 48 : index
    %swap3A_255 = tpu.vector_load %arg11[%swap3A_254] {strides = array<i32>} : memref<256xi32, #tpu.memory_space<vmem>>, vector<16xi32>,
    tpu.vector_store %arg11[%swap3A_254], %add3A_249 {strides = array<i32>} : memref<256xi32, #tpu.memory_space<vmem>>, vector<16xi32>,
    %get3A_256 = arith.constant 64 : index
    %get3A_257 = tpu.vector_load %arg8[%get3A_256] {strides = array<i32>} : memref<256xi32, #tpu.memory_space<vmem>>, vector<16xi32>,
    %get3A_258 = arith.constant 64 : index
    %get3A_259 = tpu.vector_load %arg9[%get3A_258] {strides = array<i32>} : memref<256xi32, #tpu.memory_space<vmem>>, vector<16xi32>,
    %gather3A_260 = tpu.vector_load_idx %arg10[%get3A_257] : memref<64xi32, #tpu.memory_space<vmem>>[vector<16xi32>], vector<16xi32>,
    %add3A_261 = arith.addi %gather3A_260, %get3A_259 : vector<16xi32>
    %swap3A_262 = arith.constant 1 : i32
    %swap3A_263 = arith.index_cast %swap3A_262 : i32 to index
    %swap3A_264 = arith.constant 0 : index
    %swap3A_265 = tpu.vector_load %arg12[%swap3A_263, %swap3A_264] {strides = array<i32>} : memref<4x64xi32, #tpu.memory_space<vmem>>, vector<16xi32>,
    tpu.vector_store %arg12[%swap3A_263, %swap3A_264], %add3A_261 {strides = array<i32>} : memref<4x64xi32, #tpu.memory_space<vmem>>, vector<16xi32>,
    %swap3A_266 = arith.constant 64 : index
    %swap3A_267 = tpu.vector_load %arg11[%swap3A_266] {strides = array<i32>} : memref<256xi32, #tpu.memory_space<vmem>>, vector<16xi32>,
    tpu.vector_store %arg11[%swap3A_266], %add3A_261 {strides = array<i32>} : memref<256xi32, #tpu.memory_space<vmem>>, vector<16xi32>,
    %get3A_268 = arith.constant 80 : index
    %get3A_269 = tpu.vector_load %arg8[%get3A_268] {strides = array<i32>} : memref<256xi32, #tpu.memory_space<vmem>>, vector<16xi32>,
    %get3A_270 = arith.constant 80 : index
    %get3A_271 = tpu.vector_load %arg9[%get3A_270] {strides = array<i32>} : memref<256xi32, #tpu.memory_space<vmem>>, vector<16xi32>,
    %gather3A_272 = tpu.vector_load_idx %arg10[%get3A_269] : memref<64xi32, #tpu.memory_space<vmem>>[vector<16xi32>], vector<16xi32>,
    %add3A_273 = arith.addi %gather3A_272, %get3A_271 : vector<16xi32>
    %swap3A_274 = arith.constant 1 : i32
    %swap3A_275 = arith.index_cast %swap3A_274 : i32 to index
    %swap3A_276 = arith.constant 16 : index
    %swap3A_277 = tpu.vector_load %arg12[%swap3A_275, %swap3A_276] {strides = array<i32>} : memref<4x64xi32, #tpu.memory_space<vmem>>, vector<16xi32>,
    tpu.vector_store %arg12[%swap3A_275, %swap3A_276], %add3A_273 {strides = array<i32>} : memref<4x64xi32, #tpu.memory_space<vmem>>, vector<16xi32>,
    %swap3A_278 = arith.constant 80 : index
    %swap3A_279 = tpu.vector_load %arg11[%swap3A_278] {strides = array<i32>} : memref<256xi32, #tpu.memory_space<vmem>>, vector<16xi32>,
    tpu.vector_store %arg11[%swap3A_278], %add3A_273 {strides = array<i32>} : memref<256xi32, #tpu.memory_space<vmem>>, vector<16xi32>,
    %get3A_280 = arith.constant 96 : index
    %get3A_281 = tpu.vector_load %arg8[%get3A_280] {strides = array<i32>} : memref<256xi32, #tpu.memory_space<vmem>>, vector<16xi32>,
    %get3A_282 = arith.constant 96 : index
    %get3A_283 = tpu.vector_load %arg9[%get3A_282] {strides = array<i32>} : memref<256xi32, #tpu.memory_space<vmem>>, vector<16xi32>,
    %gather3A_284 = tpu.vector_load_idx %arg10[%get3A_281] : memref<64xi32, #tpu.memory_space<vmem>>[vector<16xi32>], vector<16xi32>,
    %add3A_285 = arith.addi %gather3A_284, %get3A_283 : vector<16xi32>
    %swap3A_286 = arith.constant 1 : i32
    %swap3A_287 = arith.index_cast %swap3A_286 : i32 to index
    %swap3A_288 = arith.constant 32 : index
    %swap3A_289 = tpu.vector_load %arg12[%swap3A_287, %swap3A_288] {strides = array<i32>} : memref<4x64xi32, #tpu.memory_space<vmem>>, vector<16xi32>,
    tpu.vector_store %arg12[%swap3A_287, %swap3A_288], %add3A_285 {strides = array<i32>} : memref<4x64xi32, #tpu.memory_space<vmem>>, vector<16xi32>,
    %swap3A_290 = arith.constant 96 : index
    %swap3A_291 = tpu.vector_load %arg11[%swap3A_290] {strides = array<i32>} : memref<256xi32, #tpu.memory_space<vmem>>, vector<16xi32>,
    tpu.vector_store %arg11[%swap3A_290], %add3A_285 {strides = array<i32>} : memref<256xi32, #tpu.memory_space<vmem>>, vector<16xi32>,
    %get3A_292 = arith.constant 112 : index
    %get3A_293 = tpu.vector_load %arg8[%get3A_292] {strides = array<i32>} : memref<256xi32, #tpu.memory_space<vmem>>, vector<16xi32>,
    %get3A_294 = arith.constant 112 : index
    %get3A_295 = tpu.vector_load %arg9[%get3A_294] {strides = array<i32>} : memref<256xi32, #tpu.memory_space<vmem>>, vector<16xi32>,
    %gather3A_296 = tpu.vector_load_idx %arg10[%get3A_293] : memref<64xi32, #tpu.memory_space<vmem>>[vector<16xi32>], vector<16xi32>,
    %add3A_297 = arith.addi %gather3A_296, %get3A_295 : vector<16xi32>
    %swap3A_298 = arith.constant 1 : i32
    %swap3A_299 = arith.index_cast %swap3A_298 : i32 to index
    %swap3A_300 = arith.constant 48 : index
    %swap3A_301 = tpu.vector_load %arg12[%swap3A_299, %swap3A_300] {strides = array<i32>} : memref<4x64xi32, #tpu.memory_space<vmem>>, vector<16xi32>,
    tpu.vector_store %arg12[%swap3A_299, %swap3A_300], %add3A_297 {strides = array<i32>} : memref<4x64xi32, #tpu.memory_space<vmem>>, vector<16xi32>,
    %swap3A_302 = arith.constant 112 : index
    %swap3A_303 = tpu.vector_load %arg11[%swap3A_302] {strides = array<i32>} : memref<256xi32, #tpu.memory_space<vmem>>, vector<16xi32>,
    tpu.vector_store %arg11[%swap3A_302], %add3A_297 {strides = array<i32>} : memref<256xi32, #tpu.memory_space<vmem>>, vector<16xi32>,
    %get3A_304 = arith.constant 128 : index
    %get3A_305 = tpu.vector_load %arg8[%get3A_304] {strides = array<i32>} : memref<256xi32, #tpu.memory_space<vmem>>, vector<16xi32>,
    %get3A_306 = arith.constant 128 : index
    %get3A_307 = tpu.vector_load %arg9[%get3A_306] {strides = array<i32>} : memref<256xi32, #tpu.memory_space<vmem>>, vector<16xi32>,
    %gather3A_308 = tpu.vector_load_idx %arg10[%get3A_305] : memref<64xi32, #tpu.memory_space<vmem>>[vector<16xi32>], vector<16xi32>,
    %add3A_309 = arith.addi %gather3A_308, %get3A_307 : vector<16xi32>
    %swap3A_310 = arith.constant 2 : i32
    %swap3A_311 = arith.index_cast %swap3A_310 : i32 to index
    %swap3A_312 = arith.constant 0 : index
    %swap3A_313 = tpu.vector_load %arg12[%swap3A_311, %swap3A_312] {strides = array<i32>} : memref<4x64xi32, #tpu.memory_space<vmem>>, vector<16xi32>,
    tpu.vector_store %arg12[%swap3A_311, %swap3A_312], %add3A_309 {strides = array<i32>} : memref<4x64xi32, #tpu.memory_space<vmem>>, vector<16xi32>,
    %swap3A_314 = arith.constant 128 : index
    %swap3A_315 = tpu.vector_load %arg11[%swap3A_314] {strides = array<i32>} : memref<256xi32, #tpu.memory_space<vmem>>, vector<16xi32>,
    tpu.vector_store %arg11[%swap3A_314], %add3A_309 {strides = array<i32>} : memref<256xi32, #tpu.memory_space<vmem>>, vector<16xi32>,
    %get3A_316 = arith.constant 144 : index
    %get3A_317 = tpu.vector_load %arg8[%get3A_316] {strides = array<i32>} : memref<256xi32, #tpu.memory_space<vmem>>, vector<16xi32>,
    %get3A_318 = arith.constant 144 : index
    %get3A_319 = tpu.vector_load %arg9[%get3A_318] {strides = array<i32>} : memref<256xi32, #tpu.memory_space<vmem>>, vector<16xi32>,
    %gather3A_320 = tpu.vector_load_idx %arg10[%get3A_317] : memref<64xi32, #tpu.memory_space<vmem>>[vector<16xi32>], vector<16xi32>,
    %add3A_321 = arith.addi %gather3A_320, %get3A_319 : vector<16xi32>
    %swap3A_322 = arith.constant 2 : i32
    %swap3A_323 = arith.index_cast %swap3A_322 : i32 to index
    %swap3A_324 = arith.constant 16 : index
    %swap3A_325 = tpu.vector_load %arg12[%swap3A_323, %swap3A_324] {strides = array<i32>} : memref<4x64xi32, #tpu.memory_space<vmem>>, vector<16xi32>,
    tpu.vector_store %arg12[%swap3A_323, %swap3A_324], %add3A_321 {strides = array<i32>} : memref<4x64xi32, #tpu.memory_space<vmem>>, vector<16xi32>,
    %swap3A_326 = arith.constant 144 : index
    %swap3A_327 = tpu.vector_load %arg11[%swap3A_326] {strides = array<i32>} : memref<256xi32, #tpu.memory_space<vmem>>, vector<16xi32>,
    tpu.vector_store %arg11[%swap3A_326], %add3A_321 {strides = array<i32>} : memref<256xi32, #tpu.memory_space<vmem>>, vector<16xi32>,
    %get3A_328 = arith.constant 160 : index
    %get3A_329 = tpu.vector_load %arg8[%get3A_328] {strides = array<i32>} : memref<256xi32, #tpu.memory_space<vmem>>, vector<16xi32>,
    %get3A_330 = arith.constant 160 : index
    %get3A_331 = tpu.vector_load %arg9[%get3A_330] {strides = array<i32>} : memref<256xi32, #tpu.memory_space<vmem>>, vector<16xi32>,
    %gather3A_332 = tpu.vector_load_idx %arg10[%get3A_329] : memref<64xi32, #tpu.memory_space<vmem>>[vector<16xi32>], vector<16xi32>,
    %add3A_333 = arith.addi %gather3A_332, %get3A_331 : vector<16xi32>
    %swap3A_334 = arith.constant 2 : i32
    %swap3A_335 = arith.index_cast %swap3A_334 : i32 to index
    %swap3A_336 = arith.constant 32 : index
    %swap3A_337 = tpu.vector_load %arg12[%swap3A_335, %swap3A_336] {strides = array<i32>} : memref<4x64xi32, #tpu.memory_space<vmem>>, vector<16xi32>,
    tpu.vector_store %arg12[%swap3A_335, %swap3A_336], %add3A_333 {strides = array<i32>} : memref<4x64xi32, #tpu.memory_space<vmem>>, vector<16xi32>,
    %swap3A_338 = arith.constant 160 : index
    %swap3A_339 = tpu.vector_load %arg11[%swap3A_338] {strides = array<i32>} : memref<256xi32, #tpu.memory_space<vmem>>, vector<16xi32>,
    tpu.vector_store %arg11[%swap3A_338], %add3A_333 {strides = array<i32>} : memref<256xi32, #tpu.memory_space<vmem>>, vector<16xi32>,
    %get3A_340 = arith.constant 176 : index
    %get3A_341 = tpu.vector_load %arg8[%get3A_340] {strides = array<i32>} : memref<256xi32, #tpu.memory_space<vmem>>, vector<16xi32>,
    %get3A_342 = arith.constant 176 : index
    %get3A_343 = tpu.vector_load %arg9[%get3A_342] {strides = array<i32>} : memref<256xi32, #tpu.memory_space<vmem>>, vector<16xi32>,
    %gather3A_344 = tpu.vector_load_idx %arg10[%get3A_341] : memref<64xi32, #tpu.memory_space<vmem>>[vector<16xi32>], vector<16xi32>,
    %add3A_345 = arith.addi %gather3A_344, %get3A_343 : vector<16xi32>
    %swap3A_346 = arith.constant 2 : i32
    %swap3A_347 = arith.index_cast %swap3A_346 : i32 to index
    %swap3A_348 = arith.constant 48 : index
    %swap3A_349 = tpu.vector_load %arg12[%swap3A_347, %swap3A_348] {strides = array<i32>} : memref<4x64xi32, #tpu.memory_space<vmem>>, vector<16xi32>,
    tpu.vector_store %arg12[%swap3A_347, %swap3A_348], %add3A_345 {strides = array<i32>} : memref<4x64xi32, #tpu.memory_space<vmem>>, vector<16xi32>,
    %swap3A_350 = arith.constant 176 : index
    %swap3A_351 = tpu.vector_load %arg11[%swap3A_350] {strides = array<i32>} : memref<256xi32, #tpu.memory_space<vmem>>, vector<16xi32>,
    tpu.vector_store %arg11[%swap3A_350], %add3A_345 {strides = array<i32>} : memref<256xi32, #tpu.memory_space<vmem>>, vector<16xi32>,
    %get3A_352 = arith.constant 192 : index
    %get3A_353 = tpu.vector_load %arg8[%get3A_352] {strides = array<i32>} : memref<256xi32, #tpu.memory_space<vmem>>, vector<16xi32>,
    %get3A_354 = arith.constant 192 : index
    %get3A_355 = tpu.vector_load %arg9[%get3A_354] {strides = array<i32>} : memref<256xi32, #tpu.memory_space<vmem>>, vector<16xi32>,
    %gather3A_356 = tpu.vector_load_idx %arg10[%get3A_353] : memref<64xi32, #tpu.memory_space<vmem>>[vector<16xi32>], vector<16xi32>,
    %add3A_357 = arith.addi %gather3A_356, %get3A_355 : vector<16xi32>
    %swap3A_358 = arith.constant 3 : i32
    %swap3A_359 = arith.index_cast %swap3A_358 : i32 to index
    %swap3A_360 = arith.constant 0 : index
    %swap3A_361 = tpu.vector_load %arg12[%swap3A_359, %swap3A_360] {strides = array<i32>} : memref<4x64xi32, #tpu.memory_space<vmem>>, vector<16xi32>,
    tpu.vector_store %arg12[%swap3A_359, %swap3A_360], %add3A_357 {strides = array<i32>} : memref<4x64xi32, #tpu.memory_space<vmem>>, vector<16xi32>,
    %swap3A_362 = arith.constant 192 : index
    %swap3A_363 = tpu.vector_load %arg11[%swap3A_362] {strides = array<i32>} : memref<256xi32, #tpu.memory_space<vmem>>, vector<16xi32>,
    tpu.vector_store %arg11[%swap3A_362], %add3A_357 {strides = array<i32>} : memref<256xi32, #tpu.memory_space<vmem>>, vector<16xi32>,
    %get3A_364 = arith.constant 208 : index
    %get3A_365 = tpu.vector_load %arg8[%get3A_364] {strides = array<i32>} : memref<256xi32, #tpu.memory_space<vmem>>, vector<16xi32>,
    %get3A_366 = arith.constant 208 : index
    %get3A_367 = tpu.vector_load %arg9[%get3A_366] {strides = array<i32>} : memref<256xi32, #tpu.memory_space<vmem>>, vector<16xi32>,
    %gather3A_368 = tpu.vector_load_idx %arg10[%get3A_365] : memref<64xi32, #tpu.memory_space<vmem>>[vector<16xi32>], vector<16xi32>,
    %add3A_369 = arith.addi %gather3A_368, %get3A_367 : vector<16xi32>
    %swap3A_370 = arith.constant 3 : i32
    %swap3A_371 = arith.index_cast %swap3A_370 : i32 to index
    %swap3A_372 = arith.constant 16 : index
    %swap3A_373 = tpu.vector_load %arg12[%swap3A_371, %swap3A_372] {strides = array<i32>} : memref<4x64xi32, #tpu.memory_space<vmem>>, vector<16xi32>,
    tpu.vector_store %arg12[%swap3A_371, %swap3A_372], %add3A_369 {strides = array<i32>} : memref<4x64xi32, #tpu.memory_space<vmem>>, vector<16xi32>,
    %swap3A_374 = arith.constant 208 : index
    %swap3A_375 = tpu.vector_load %arg11[%swap3A_374] {strides = array<i32>} : memref<256xi32, #tpu.memory_space<vmem>>, vector<16xi32>,
    tpu.vector_store %arg11[%swap3A_374], %add3A_369 {strides = array<i32>} : memref<256xi32, #tpu.memory_space<vmem>>, vector<16xi32>,
    %get3A_376 = arith.constant 224 : index
    %get3A_377 = tpu.vector_load %arg8[%get3A_376] {strides = array<i32>} : memref<256xi32, #tpu.memory_space<vmem>>, vector<16xi32>,
    %get3A_378 = arith.constant 224 : index
    %get3A_379 = tpu.vector_load %arg9[%get3A_378] {strides = array<i32>} : memref<256xi32, #tpu.memory_space<vmem>>, vector<16xi32>,
    %gather3A_380 = tpu.vector_load_idx %arg10[%get3A_377] : memref<64xi32, #tpu.memory_space<vmem>>[vector<16xi32>], vector<16xi32>,
    %add3A_381 = arith.addi %gather3A_380, %get3A_379 : vector<16xi32>
    %swap3A_382 = arith.constant 3 : i32
    %swap3A_383 = arith.index_cast %swap3A_382 : i32 to index
    %swap3A_384 = arith.constant 32 : index
    %swap3A_385 = tpu.vector_load %arg12[%swap3A_383, %swap3A_384] {strides = array<i32>} : memref<4x64xi32, #tpu.memory_space<vmem>>, vector<16xi32>,
    tpu.vector_store %arg12[%swap3A_383, %swap3A_384], %add3A_381 {strides = array<i32>} : memref<4x64xi32, #tpu.memory_space<vmem>>, vector<16xi32>,
    %swap3A_386 = arith.constant 224 : index
    %swap3A_387 = tpu.vector_load %arg11[%swap3A_386] {strides = array<i32>} : memref<256xi32, #tpu.memory_space<vmem>>, vector<16xi32>,
    tpu.vector_store %arg11[%swap3A_386], %add3A_381 {strides = array<i32>} : memref<256xi32, #tpu.memory_space<vmem>>, vector<16xi32>,
    %get3A_388 = arith.constant 240 : index
    %get3A_389 = tpu.vector_load %arg8[%get3A_388] {strides = array<i32>} : memref<256xi32, #tpu.memory_space<vmem>>, vector<16xi32>,
    %get3A_390 = arith.constant 240 : index
    %get3A_391 = tpu.vector_load %arg9[%get3A_390] {strides = array<i32>} : memref<256xi32, #tpu.memory_space<vmem>>, vector<16xi32>,
    %gather3A_392 = tpu.vector_load_idx %arg10[%get3A_389] : memref<64xi32, #tpu.memory_space<vmem>>[vector<16xi32>], vector<16xi32>,
    %add3A_393 = arith.addi %gather3A_392, %get3A_391 : vector<16xi32>
    %swap3A_394 = arith.constant 3 : i32
    %swap3A_395 = arith.index_cast %swap3A_394 : i32 to index
    %swap3A_396 = arith.constant 48 : index
    %swap3A_397 = tpu.vector_load %arg12[%swap3A_395, %swap3A_396] {strides = array<i32>} : memref<4x64xi32, #tpu.memory_space<vmem>>, vector<16xi32>,
    tpu.vector_store %arg12[%swap3A_395, %swap3A_396], %add3A_393 {strides = array<i32>} : memref<4x64xi32, #tpu.memory_space<vmem>>, vector<16xi32>,
    %swap3A_398 = arith.constant 240 : index
    %swap3A_399 = tpu.vector_load %arg11[%swap3A_398] {strides = array<i32>} : memref<256xi32, #tpu.memory_space<vmem>>, vector<16xi32>,
    tpu.vector_store %arg11[%swap3A_398], %add3A_393 {strides = array<i32>} : memref<256xi32, #tpu.memory_space<vmem>>, vector<16xi32>,
    "tpu.region"() ({
      %run_scoped3A = tpu.sem_alloc : memref<!tpu.dma_semaphore, #tpu.memory_space<semaphore_mem>>
      %dma_start3A_483 = tpu.memref_slice %arg7[%mul3A_2] : memref<8192xi32, #tpu.memory_space<hbm>> -> memref<256xi32, #tpu.memory_space<hbm>>
      %dma_start3A_484 = tpu.memref_slice %arg7[%mul3A_2] : memref<8192xi32, #tpu.memory_space<hbm>> -> memref<256xi32, #tpu.memory_space<hbm>>
      tpu.enqueue_dma source(%arg11 : memref<256xi32, #tpu.memory_space<vmem>>) target(%dma_start3A_484 : memref<256xi32, #tpu.memory_space<hbm>>) target_semaphore(%run_scoped3A : memref<!tpu.dma_semaphore, #tpu.memory_space<semaphore_mem>>)
      %dma_wait3A_485 = tpu.memref_slice %arg7[%mul3A_2] : memref<8192xi32, #tpu.memory_space<hbm>> -> memref<256xi32, #tpu.memory_space<hbm>>
      %dma_wait3A_486 = tpu.memref_slice %arg7[%mul3A_2] : memref<8192xi32, #tpu.memory_space<hbm>> -> memref<256xi32, #tpu.memory_space<hbm>>
      tpu.wait_dma2 semaphore(%run_scoped3A : memref<!tpu.dma_semaphore, #tpu.memory_space<semaphore_mem>>) src(%arg11 : memref<256xi32, #tpu.memory_space<vmem>>) dst(%dma_wait3A_486 : memref<256xi32, #tpu.memory_space<hbm>>)
      tpu.yield
    }) : () -> ()
    %dma_wait3A = arith.constant 0 : i32
    %dma_wait3A_400 = tpu.memref_slice %arg2[%mul3A_2, %dma_wait3A] : memref<8192x768xf32, #tpu.memory_space<hbm>> -> memref<64x768xf32, #tpu.memory_space<hbm>>
    %dma_wait3A_401 = arith.constant 0 : i32
    %dma_wait3A_402 = tpu.memref_slice %arg2[%mul3A_2, %dma_wait3A_401] : memref<8192x768xf32, #tpu.memory_space<hbm>> -> memref<64x768xf32, #tpu.memory_space<hbm>>
    tpu.wait_dma2 semaphore(%arg15 : memref<!tpu.dma_semaphore, #tpu.memory_space<semaphore_mem>>) src(%dma_wait3A_402 : memref<64x768xf32, #tpu.memory_space<hbm>>) dst(%arg13 : memref<64x768xf32, #tpu.memory_space<vmem>>)
    %dma_start3A_403 = arith.constant 0 : i32
    %dma_start3A_404 = arith.constant 0 : i32
    %dma_start3A_405 = tpu.memref_slice %arg12[%dma_start3A_403, %dma_start3A_404] : memref<4x64xi32, #tpu.memory_space<vmem>> -> memref<1x64xi32, #tpu.memory_space<vmem>>
    %dma_start3A_406 = tpu.memref_squeeze %dma_start3A_405 : memref<1x64xi32, #tpu.memory_space<vmem>> -> memref<64xi32, #tpu.memory_space<vmem>>
    %dma_start3A_407 = arith.constant 0 : i32
    %dma_start3A_408 = arith.constant 0 : i32
    %dma_start3A_409 = tpu.memref_slice %arg6[%dma_start3A_407, %dma_start3A_408] : memref<16384x768xf32, #tpu.memory_space<hbm>> -> memref<16384x768xf32, #tpu.memory_space<hbm>>
    tpu.enqueue_indirect_dma source(%arg13 : memref<64x768xf32, #tpu.memory_space<vmem>>) target(%dma_start3A_409 : memref<16384x768xf32, #tpu.memory_space<hbm>>) offsets(%dma_start3A_406 : memref<64xi32, #tpu.memory_space<vmem>>) semaphore(%arg17 : memref<!tpu.dma_semaphore, #tpu.memory_space<semaphore_mem>>)
    %dma_wait3A_410 = arith.constant 0 : i32
    %dma_wait3A_411 = arith.constant 0 : i32
    %dma_wait3A_412 = tpu.memref_slice %arg12[%dma_wait3A_410, %dma_wait3A_411] : memref<4x64xi32, #tpu.memory_space<vmem>> -> memref<1x64xi32, #tpu.memory_space<vmem>>
    %dma_wait3A_413 = tpu.memref_squeeze %dma_wait3A_412 : memref<1x64xi32, #tpu.memory_space<vmem>> -> memref<64xi32, #tpu.memory_space<vmem>>
    %dma_wait3A_414 = arith.constant 0 : i32
    %dma_wait3A_415 = arith.constant 0 : i32
    %dma_wait3A_416 = tpu.memref_slice %arg6[%dma_wait3A_414, %dma_wait3A_415] : memref<16384x768xf32, #tpu.memory_space<hbm>> -> memref<16384x768xf32, #tpu.memory_space<hbm>>
    tpu.wait_indirect_dma semaphore(%arg17 : memref<!tpu.dma_semaphore, #tpu.memory_space<semaphore_mem>>) src(%arg13 : memref<64x768xf32, #tpu.memory_space<vmem>>) dst(%dma_wait3A_416 : memref<16384x768xf32, #tpu.memory_space<hbm>>)
    %add3A_417 = arith.constant 128 : i32
    %add3A_418 = arith.addi %mul3A_2, %add3A_417 : i32
    %dma_start3A_419 = arith.constant 0 : i32
    %dma_start3A_420 = tpu.memref_slice %arg2[%add3A_418, %dma_start3A_419] : memref<8192x768xf32, #tpu.memory_space<hbm>> -> memref<64x768xf32, #tpu.memory_space<hbm>>
    %dma_start3A_421 = arith.constant 0 : i32
    %dma_start3A_422 = tpu.memref_slice %arg2[%add3A_418, %dma_start3A_421] : memref<8192x768xf32, #tpu.memory_space<hbm>> -> memref<64x768xf32, #tpu.memory_space<hbm>>
    tpu.enqueue_dma source(%dma_start3A_422 : memref<64x768xf32, #tpu.memory_space<hbm>>) target(%arg13 : memref<64x768xf32, #tpu.memory_space<vmem>>) target_semaphore(%arg15 : memref<!tpu.dma_semaphore, #tpu.memory_space<semaphore_mem>>)
    %dma_wait3A_423 = arith.constant 0 : i32
    %dma_wait3A_424 = tpu.memref_slice %arg2[%add3A_7, %dma_wait3A_423] : memref<8192x768xf32, #tpu.memory_space<hbm>> -> memref<64x768xf32, #tpu.memory_space<hbm>>
    %dma_wait3A_425 = arith.constant 0 : i32
    %dma_wait3A_426 = tpu.memref_slice %arg2[%add3A_7, %dma_wait3A_425] : memref<8192x768xf32, #tpu.memory_space<hbm>> -> memref<64x768xf32, #tpu.memory_space<hbm>>
    tpu.wait_dma2 semaphore(%arg16 : memref<!tpu.dma_semaphore, #tpu.memory_space<semaphore_mem>>) src(%dma_wait3A_426 : memref<64x768xf32, #tpu.memory_space<hbm>>) dst(%arg14 : memref<64x768xf32, #tpu.memory_space<vmem>>)
    %dma_start3A_427 = arith.constant 1 : i32
    %dma_start3A_428 = arith.constant 0 : i32
    %dma_start3A_429 = tpu.memref_slice %arg12[%dma_start3A_427, %dma_start3A_428] : memref<4x64xi32, #tpu.memory_space<vmem>> -> memref<1x64xi32, #tpu.memory_space<vmem>>
    %dma_start3A_430 = tpu.memref_squeeze %dma_start3A_429 : memref<1x64xi32, #tpu.memory_space<vmem>> -> memref<64xi32, #tpu.memory_space<vmem>>
    %dma_start3A_431 = arith.constant 0 : i32
    %dma_start3A_432 = arith.constant 0 : i32
    %dma_start3A_433 = tpu.memref_slice %arg6[%dma_start3A_431, %dma_start3A_432] : memref<16384x768xf32, #tpu.memory_space<hbm>> -> memref<16384x768xf32, #tpu.memory_space<hbm>>
    tpu.enqueue_indirect_dma source(%arg14 : memref<64x768xf32, #tpu.memory_space<vmem>>) target(%dma_start3A_433 : memref<16384x768xf32, #tpu.memory_space<hbm>>) offsets(%dma_start3A_430 : memref<64xi32, #tpu.memory_space<vmem>>) semaphore(%arg18 : memref<!tpu.dma_semaphore, #tpu.memory_space<semaphore_mem>>)
    %dma_wait3A_434 = arith.constant 1 : i32
    %dma_wait3A_435 = arith.constant 0 : i32
    %dma_wait3A_436 = tpu.memref_slice %arg12[%dma_wait3A_434, %dma_wait3A_435] : memref<4x64xi32, #tpu.memory_space<vmem>> -> memref<1x64xi32, #tpu.memory_space<vmem>>
    %dma_wait3A_437 = tpu.memref_squeeze %dma_wait3A_436 : memref<1x64xi32, #tpu.memory_space<vmem>> -> memref<64xi32, #tpu.memory_space<vmem>>
    %dma_wait3A_438 = arith.constant 0 : i32
    %dma_wait3A_439 = arith.constant 0 : i32
    %dma_wait3A_440 = tpu.memref_slice %arg6[%dma_wait3A_438, %dma_wait3A_439] : memref<16384x768xf32, #tpu.memory_space<hbm>> -> memref<16384x768xf32, #tpu.memory_space<hbm>>
    tpu.wait_indirect_dma semaphore(%arg18 : memref<!tpu.dma_semaphore, #tpu.memory_space<semaphore_mem>>) src(%arg14 : memref<64x768xf32, #tpu.memory_space<vmem>>) dst(%dma_wait3A_440 : memref<16384x768xf32, #tpu.memory_space<hbm>>)
    %add3A_441 = arith.constant 192 : i32
    %add3A_442 = arith.addi %mul3A_2, %add3A_441 : i32
    %dma_start3A_443 = arith.constant 0 : i32
    %dma_start3A_444 = tpu.memref_slice %arg2[%add3A_442, %dma_start3A_443] : memref<8192x768xf32, #tpu.memory_space<hbm>> -> memref<64x768xf32, #tpu.memory_space<hbm>>
    %dma_start3A_445 = arith.constant 0 : i32
    %dma_start3A_446 = tpu.memref_slice %arg2[%add3A_442, %dma_start3A_445] : memref<8192x768xf32, #tpu.memory_space<hbm>> -> memref<64x768xf32, #tpu.memory_space<hbm>>
    tpu.enqueue_dma source(%dma_start3A_446 : memref<64x768xf32, #tpu.memory_space<hbm>>) target(%arg14 : memref<64x768xf32, #tpu.memory_space<vmem>>) target_semaphore(%arg16 : memref<!tpu.dma_semaphore, #tpu.memory_space<semaphore_mem>>)
    %dma_wait3A_447 = arith.constant 0 : i32
    %dma_wait3A_448 = tpu.memref_slice %arg2[%add3A_418, %dma_wait3A_447] : memref<8192x768xf32, #tpu.memory_space<hbm>> -> memref<64x768xf32, #tpu.memory_space<hbm>>
    %dma_wait3A_449 = arith.constant 0 : i32
    %dma_wait3A_450 = tpu.memref_slice %arg2[%add3A_418, %dma_wait3A_449] : memref<8192x768xf32, #tpu.memory_space<hbm>> -> memref<64x768xf32, #tpu.memory_space<hbm>>
    tpu.wait_dma2 semaphore(%arg15 : memref<!tpu.dma_semaphore, #tpu.memory_space<semaphore_mem>>) src(%dma_wait3A_450 : memref<64x768xf32, #tpu.memory_space<hbm>>) dst(%arg13 : memref<64x768xf32, #tpu.memory_space<vmem>>)
    %dma_start3A_451 = arith.constant 2 : i32
    %dma_start3A_452 = arith.constant 0 : i32
    %dma_start3A_453 = tpu.memref_slice %arg12[%dma_start3A_451, %dma_start3A_452] : memref<4x64xi32, #tpu.memory_space<vmem>> -> memref<1x64xi32, #tpu.memory_space<vmem>>
    %dma_start3A_454 = tpu.memref_squeeze %dma_start3A_453 : memref<1x64xi32, #tpu.memory_space<vmem>> -> memref<64xi32, #tpu.memory_space<vmem>>
    %dma_start3A_455 = arith.constant 0 : i32
    %dma_start3A_456 = arith.constant 0 : i32
    %dma_start3A_457 = tpu.memref_slice %arg6[%dma_start3A_455, %dma_start3A_456] : memref<16384x768xf32, #tpu.memory_space<hbm>> -> memref<16384x768xf32, #tpu.memory_space<hbm>>
    tpu.enqueue_indirect_dma source(%arg13 : memref<64x768xf32, #tpu.memory_space<vmem>>) target(%dma_start3A_457 : memref<16384x768xf32, #tpu.memory_space<hbm>>) offsets(%dma_start3A_454 : memref<64xi32, #tpu.memory_space<vmem>>) semaphore(%arg17 : memref<!tpu.dma_semaphore, #tpu.memory_space<semaphore_mem>>)
    %dma_wait3A_458 = arith.constant 0 : i32
    %dma_wait3A_459 = tpu.memref_slice %arg2[%add3A_442, %dma_wait3A_458] : memref<8192x768xf32, #tpu.memory_space<hbm>> -> memref<64x768xf32, #tpu.memory_space<hbm>>
    %dma_wait3A_460 = arith.constant 0 : i32
    %dma_wait3A_461 = tpu.memref_slice %arg2[%add3A_442, %dma_wait3A_460] : memref<8192x768xf32, #tpu.memory_space<hbm>> -> memref<64x768xf32, #tpu.memory_space<hbm>>
    tpu.wait_dma2 semaphore(%arg16 : memref<!tpu.dma_semaphore, #tpu.memory_space<semaphore_mem>>) src(%dma_wait3A_461 : memref<64x768xf32, #tpu.memory_space<hbm>>) dst(%arg14 : memref<64x768xf32, #tpu.memory_space<vmem>>)
    %dma_start3A_462 = arith.constant 3 : i32
    %dma_start3A_463 = arith.constant 0 : i32
    %dma_start3A_464 = tpu.memref_slice %arg12[%dma_start3A_462, %dma_start3A_463] : memref<4x64xi32, #tpu.memory_space<vmem>> -> memref<1x64xi32, #tpu.memory_space<vmem>>
    %dma_start3A_465 = tpu.memref_squeeze %dma_start3A_464 : memref<1x64xi32, #tpu.memory_space<vmem>> -> memref<64xi32, #tpu.memory_space<vmem>>
    %dma_start3A_466 = arith.constant 0 : i32
    %dma_start3A_467 = arith.constant 0 : i32
    %dma_start3A_468 = tpu.memref_slice %arg6[%dma_start3A_466, %dma_start3A_467] : memref<16384x768xf32, #tpu.memory_space<hbm>> -> memref<16384x768xf32, #tpu.memory_space<hbm>>
    tpu.enqueue_indirect_dma source(%arg14 : memref<64x768xf32, #tpu.memory_space<vmem>>) target(%dma_start3A_468 : memref<16384x768xf32, #tpu.memory_space<hbm>>) offsets(%dma_start3A_465 : memref<64xi32, #tpu.memory_space<vmem>>) semaphore(%arg18 : memref<!tpu.dma_semaphore, #tpu.memory_space<semaphore_mem>>)
    %dma_wait3A_469 = arith.constant 2 : i32
    %dma_wait3A_470 = arith.constant 0 : i32
    %dma_wait3A_471 = tpu.memref_slice %arg12[%dma_wait3A_469, %dma_wait3A_470] : memref<4x64xi32, #tpu.memory_space<vmem>> -> memref<1x64xi32, #tpu.memory_space<vmem>>
    %dma_wait3A_472 = tpu.memref_squeeze %dma_wait3A_471 : memref<1x64xi32, #tpu.memory_space<vmem>> -> memref<64xi32, #tpu.memory_space<vmem>>
    %dma_wait3A_473 = arith.constant 0 : i32
    %dma_wait3A_474 = arith.constant 0 : i32
    %dma_wait3A_475 = tpu.memref_slice %arg6[%dma_wait3A_473, %dma_wait3A_474] : memref<16384x768xf32, #tpu.memory_space<hbm>> -> memref<16384x768xf32, #tpu.memory_space<hbm>>
    tpu.wait_indirect_dma semaphore(%arg17 : memref<!tpu.dma_semaphore, #tpu.memory_space<semaphore_mem>>) src(%arg13 : memref<64x768xf32, #tpu.memory_space<vmem>>) dst(%dma_wait3A_475 : memref<16384x768xf32, #tpu.memory_space<hbm>>)
    %dma_wait3A_476 = arith.constant 3 : i32
    %dma_wait3A_477 = arith.constant 0 : i32
    %dma_wait3A_478 = tpu.memref_slice %arg12[%dma_wait3A_476, %dma_wait3A_477] : memref<4x64xi32, #tpu.memory_space<vmem>> -> memref<1x64xi32, #tpu.memory_space<vmem>>
    %dma_wait3A_479 = tpu.memref_squeeze %dma_wait3A_478 : memref<1x64xi32, #tpu.memory_space<vmem>> -> memref<64xi32, #tpu.memory_space<vmem>>
    %dma_wait3A_480 = arith.constant 0 : i32
    %dma_wait3A_481 = arith.constant 0 : i32
    %dma_wait3A_482 = tpu.memref_slice %arg6[%dma_wait3A_480, %dma_wait3A_481] : memref<16384x768xf32, #tpu.memory_space<hbm>> -> memref<16384x768xf32, #tpu.memory_space<hbm>>
    tpu.wait_indirect_dma semaphore(%arg18 : memref<!tpu.dma_semaphore, #tpu.memory_space<semaphore_mem>>) src(%arg14 : memref<64x768xf32, #tpu.memory_space<vmem>>) dst(%dma_wait3A_482 : memref<16384x768xf32, #tpu.memory_space<hbm>>)
    return
  }
}

module attributes {stable_mosaic.version = 14 : i64} {
  func.func @_routing_body(%arg0: i32, %arg1: memref<512x768xf32, #tpu.memory_space<vmem>>, %arg2: memref<64x768xf32, #tpu.memory_space<vmem>>, %arg3: memref<1x64xf32, #tpu.memory_space<vmem>>, %arg4: memref<1x512x1xi32, #tpu.memory_space<vmem>>, %arg5: memref<1x512x1xi32, #tpu.memory_space<vmem>>, %arg6: memref<1x64xi32, #tpu.memory_space<vmem>>, %arg7: memref<1x64xf32, #tpu.memory_space<vmem>>) attributes {dimension_semantics = [#tpu.dimension_semantics<arbitrary>], iteration_bounds = array<i64: 16>, scalar_prefetch = 0 : i64, scratch_operands = 1 : i64, tpu.core_type = #tpu.core_type<tc>, window_params = [{transform_indices = @transform_0, window_bounds = array<i64: 512, 768>}, {pipeline_mode = #tpu.pipeline_mode<synchronous>, transform_indices = @transform_1, window_bounds = array<i64: 64, 768>}, {pipeline_mode = #tpu.pipeline_mode<synchronous>, transform_indices = @transform_2, window_bounds = array<i64: 1, 64>}, {transform_indices = @transform_3, window_bounds = array<i64: 1, 512, 1>}, {transform_indices = @transform_4, window_bounds = array<i64: 1, 512, 1>}, {pipeline_mode = #tpu.pipeline_mode<synchronous>, transform_indices = @transform_5, window_bounds = array<i64: 1, 64>}]} {
    %eq3A = arith.constant 0 : i32
    %eq3A_0 = arith.cmpi eq, %arg0, %eq3A : i32
    %convert_element_type3A = arith.extui %eq3A_0 : i1 to i32
    %cond3A = arith.constant 0 : i32
    %cond3A_1 = arith.cmpi ne, %convert_element_type3A, %cond3A : i32
    scf.if %cond3A_1 {
      %broadcast_in_dim3A_64 = arith.constant 0.000000e+00 : f32
      %broadcast_in_dim3A_65 = vector.broadcast %broadcast_in_dim3A_64 : f32 to vector<1x64xf32>
      %swap3A_66 = arith.constant 0 : index
      %swap3A_67 = arith.constant 0 : index
      %swap3A_68 = vector.load %arg7[%swap3A_66, %swap3A_67] : memref<1x64xf32, #tpu.memory_space<vmem>>, vector<1x64xf32>
      tpu.vector_store %arg7[%swap3A_66, %swap3A_67], %broadcast_in_dim3A_65 {strides = array<i32>} : memref<1x64xf32, #tpu.memory_space<vmem>>, vector<1x64xf32>,
    } else {
    }
    %get3A = arith.constant 0 : index
    %get3A_2 = arith.constant 0 : index
    %get3A_3 = vector.load %arg1[%get3A, %get3A_2] : memref<512x768xf32, #tpu.memory_space<vmem>>, vector<512x768xf32>
    %get3A_4 = arith.constant 0 : index
    %get3A_5 = arith.constant 0 : index
    %get3A_6 = vector.load %arg2[%get3A_4, %get3A_5] : memref<64x768xf32, #tpu.memory_space<vmem>>, vector<64x768xf32>
    %dot_general3A = arith.constant dense<0.000000e+00> : vector<512x64xf32>
    %dot_general3A_7 = tpu.matmul %get3A_3, %get3A_6, %dot_general3A {dimension_numbers = #tpu.dot_dimension_numbers<[1], [1], [0], [0], [0, 0, 1, 0], [], []>, transpose_lhs_hint = false} : vector<512x768xf32>, vector<64x768xf32>, vector<512x64xf32> -> vector<512x64xf32>
    %get3A_8 = arith.constant 0 : index
    %get3A_9 = arith.constant 0 : index
    %get3A_10 = vector.load %arg3[%get3A_8, %get3A_9] : memref<1x64xf32, #tpu.memory_space<vmem>>, vector<1x64xf32>
    %add3A = vector.broadcast %get3A_10 : vector<1x64xf32> to vector<512x64xf32>
    %add3A_11 = arith.addf %dot_general3A_7, %add3A : vector<512x64xf32>
    %iota3A = tpu.iota {dimensions = array<i32: 1>} : vector<512x64xi32>
    %reduce_max3A = arith.constant dense<0xFF800000> : vector<512xf32>
    %reduce_max3A_12 = vector.multi_reduction <maximumf>, %add3A_11, %reduce_max3A [1] : vector<512x64xf32> to vector<512xf32>
    %broadcast_in_dim3A = vector.shape_cast %reduce_max3A_12 : vector<512xf32> to vector<512x1xf32>
    %eq3A_13 = vector.broadcast %broadcast_in_dim3A : vector<512x1xf32> to vector<512x64xf32>
    %eq3A_14 = arith.cmpf oeq, %add3A_11, %eq3A_13 : vector<512x64xf32>
    %jit3A = arith.constant 64 : i32
    %broadcast_in_dim3A_15 = vector.broadcast %jit3A : i32 to vector<512x64xi32>
    %select_n3A = arith.select %eq3A_14, %iota3A, %broadcast_in_dim3A_15 : vector<512x64xi1>, vector<512x64xi32>
    %reduce_min3A = arith.constant dense<2147483647> : vector<512xi32>
    %reduce_min3A_16 = vector.multi_reduction <minsi>, %select_n3A, %reduce_min3A [1] : vector<512x64xi32> to vector<512xi32>
    %broadcast_in_dim3A_17 = vector.shape_cast %reduce_min3A_16 : vector<512xi32> to vector<512x1xi32>
    %eq3A_18 = vector.broadcast %broadcast_in_dim3A_17 : vector<512x1xi32> to vector<512x64xi32>
    %eq3A_19 = arith.cmpi eq, %iota3A, %eq3A_18 : vector<512x64xi32>
    %convert_element_type3A_20 = arith.extui %eq3A_19 : vector<512x64xi1> to vector<512x64xi32>
    %convert_element_type3A_21 = arith.sitofp %convert_element_type3A_20 : vector<512x64xi32> to vector<512x64xf32>
    %iota3A_22 = tpu.iota {dimensions = array<i32: 0>} : vector<512x512xi32>
    %iota3A_23 = tpu.iota {dimensions = array<i32: 1>} : vector<512x512xi32>
    %gt3A = arith.cmpi sgt, %iota3A_22, %iota3A_23 : vector<512x512xi32>
    %convert_element_type3A_24 = arith.extui %gt3A : vector<512x512xi1> to vector<512x512xi32>
    %convert_element_type3A_25 = arith.sitofp %convert_element_type3A_24 : vector<512x512xi32> to vector<512x512xf32>
    %dot_general3A_26 = arith.constant dense<0.000000e+00> : vector<512x64xf32>
    %dot_general3A_27 = tpu.matmul %convert_element_type3A_25, %convert_element_type3A_21, %dot_general3A_26 {dimension_numbers = #tpu.dot_dimension_numbers<[1], [0], [0], [1], [0, 0, 1, 1], [], []>, transpose_lhs_hint = false} : vector<512x512xf32>, vector<512x64xf32>, vector<512x64xf32> -> vector<512x64xf32>
    %get3A_28 = arith.constant 0 : index
    %get3A_29 = arith.constant 0 : index
    %get3A_30 = vector.load %arg7[%get3A_28, %get3A_29] : memref<1x64xf32, #tpu.memory_space<vmem>>, vector<1x64xf32>
    %add3A_31 = vector.broadcast %get3A_30 : vector<1x64xf32> to vector<512x64xf32>
    %add3A_32 = arith.addf %dot_general3A_27, %add3A_31 : vector<512x64xf32>
    %mul3A = arith.mulf %convert_element_type3A_21, %add3A_32 : vector<512x64xf32>
    %reduce_sum3A = arith.constant dense<0.000000e+00> : vector<512xf32>
    %reduce_sum3A_33 = vector.multi_reduction <add>, %mul3A, %reduce_sum3A [1] : vector<512x64xf32> to vector<512xf32>
    %broadcast_in_dim3A_34 = vector.shape_cast %reduce_sum3A_33 : vector<512xf32> to vector<512x1xf32>
    %get3A_35 = arith.constant 0 : index
    %get3A_36 = arith.constant 0 : index
    %get3A_37 = vector.load %arg7[%get3A_35, %get3A_36] : memref<1x64xf32, #tpu.memory_space<vmem>>, vector<1x64xf32>
    %reduce_sum3A_38 = arith.constant dense<0.000000e+00> : vector<64xf32>
    %reduce_sum3A_39 = vector.multi_reduction <add>, %convert_element_type3A_21, %reduce_sum3A_38 [0] : vector<512x64xf32> to vector<64xf32>
    %broadcast_in_dim3A_40 = vector.shape_cast %reduce_sum3A_39 : vector<64xf32> to vector<1x64xf32>
    %add3A_41 = arith.addf %get3A_37, %broadcast_in_dim3A_40 : vector<1x64xf32>
    %swap3A = arith.constant 0 : index
    %swap3A_42 = arith.constant 0 : index
    %swap3A_43 = vector.load %arg7[%swap3A, %swap3A_42] : memref<1x64xf32, #tpu.memory_space<vmem>>, vector<1x64xf32>
    tpu.vector_store %arg7[%swap3A, %swap3A_42], %add3A_41 {strides = array<i32>} : memref<1x64xf32, #tpu.memory_space<vmem>>, vector<1x64xf32>,
    %swap3A_44 = arith.constant 0 : index
    %swap3A_45 = arith.constant 0 : index
    %swap3A_46 = arith.constant 0 : index
    %swap3A_47 = vector.load %arg4[%swap3A_44, %swap3A_45, %swap3A_46] : memref<1x512x1xi32, #tpu.memory_space<vmem>>, vector<1x512x1xi32>
    %swap3A_48 = vector.shape_cast %swap3A_47 : vector<1x512x1xi32> to vector<512x1xi32>
    %swap3A_49 = vector.shape_cast %broadcast_in_dim3A_17 : vector<512x1xi32> to vector<1x512x1xi32>
    tpu.vector_store %arg4[%swap3A_44, %swap3A_45, %swap3A_46], %swap3A_49 {strides = array<i32>} : memref<1x512x1xi32, #tpu.memory_space<vmem>>, vector<1x512x1xi32>,
    %convert_element_type3A_50 = arith.fptosi %broadcast_in_dim3A_34 : vector<512x1xf32> to vector<512x1xi32>
    %swap3A_51 = arith.constant 0 : index
    %swap3A_52 = arith.constant 0 : index
    %swap3A_53 = arith.constant 0 : index
    %swap3A_54 = vector.load %arg5[%swap3A_51, %swap3A_52, %swap3A_53] : memref<1x512x1xi32, #tpu.memory_space<vmem>>, vector<1x512x1xi32>
    %swap3A_55 = vector.shape_cast %swap3A_54 : vector<1x512x1xi32> to vector<512x1xi32>
    %swap3A_56 = vector.shape_cast %convert_element_type3A_50 : vector<512x1xi32> to vector<1x512x1xi32>
    tpu.vector_store %arg5[%swap3A_51, %swap3A_52, %swap3A_53], %swap3A_56 {strides = array<i32>} : memref<1x512x1xi32, #tpu.memory_space<vmem>>, vector<1x512x1xi32>,
    %get3A_57 = arith.constant 0 : index
    %get3A_58 = arith.constant 0 : index
    %get3A_59 = vector.load %arg7[%get3A_57, %get3A_58] : memref<1x64xf32, #tpu.memory_space<vmem>>, vector<1x64xf32>
    %convert_element_type3A_60 = arith.fptosi %get3A_59 : vector<1x64xf32> to vector<1x64xi32>
    %swap3A_61 = arith.constant 0 : index
    %swap3A_62 = arith.constant 0 : index
    %swap3A_63 = vector.load %arg6[%swap3A_61, %swap3A_62] : memref<1x64xi32, #tpu.memory_space<vmem>>, vector<1x64xi32>
    tpu.vector_store %arg6[%swap3A_61, %swap3A_62], %convert_element_type3A_60 {strides = array<i32>} : memref<1x64xi32, #tpu.memory_space<vmem>>, vector<1x64xi32>,
    return
  }
  func.func @transform_0(%arg0: i32) -> (i32, i32) {
    %c0_i32 = arith.constant 0 : i32
    %c0_i32_0 = arith.constant 0 : i32
    return %arg0, %c0_i32 : i32, i32
  }
  func.func @transform_1(%arg0: i32) -> (i32, i32) {
    %c0_i32 = arith.constant 0 : i32
    %c0_i32_0 = arith.constant 0 : i32
    %c0_i32_1 = arith.constant 0 : i32
    return %c0_i32, %c0_i32_0 : i32, i32
  }
  func.func @transform_2(%arg0: i32) -> (i32, i32) {
    %c0_i32 = arith.constant 0 : i32
    %c0_i32_0 = arith.constant 0 : i32
    %c0_i32_1 = arith.constant 0 : i32
    return %c0_i32, %c0_i32_0 : i32, i32
  }
  func.func @transform_3(%arg0: i32) -> (i32, i32, i32) {
    %c0_i32 = arith.constant 0 : i32
    %c0_i32_0 = arith.constant 0 : i32
    %c0_i32_1 = arith.constant 0 : i32
    return %arg0, %c0_i32, %c0_i32_0 : i32, i32, i32
  }
  func.func @transform_4(%arg0: i32) -> (i32, i32, i32) {
    %c0_i32 = arith.constant 0 : i32
    %c0_i32_0 = arith.constant 0 : i32
    %c0_i32_1 = arith.constant 0 : i32
    return %arg0, %c0_i32, %c0_i32_0 : i32, i32, i32
  }
  func.func @transform_5(%arg0: i32) -> (i32, i32) {
    %c0_i32 = arith.constant 0 : i32
    %c0_i32_0 = arith.constant 0 : i32
    %c0_i32_1 = arith.constant 0 : i32
    return %c0_i32, %c0_i32_0 : i32, i32
  }
}

module attributes {stable_mosaic.version = 14 : i64} {
  func.func @_ffn_body(%arg0: i32, %arg1: memref<3x128xi32, #tpu.memory_space<smem>>, %arg2: memref<128x768xf32, #tpu.memory_space<vmem>>, %arg3: memref<1x768x768xf32, #tpu.memory_space<vmem>>, %arg4: memref<1x1x768xf32, #tpu.memory_space<vmem>>, %arg5: memref<1x768x768xf32, #tpu.memory_space<vmem>>, %arg6: memref<1x1x768xf32, #tpu.memory_space<vmem>>, %arg7: memref<128x768xf32, #tpu.memory_space<vmem>>) attributes {dimension_semantics = [#tpu.dimension_semantics<arbitrary>], iteration_bounds = array<i64: 128>, scalar_prefetch = 1 : i64, scratch_operands = 0 : i64, tpu.core_type = #tpu.core_type<tc>, window_params = [{transform_indices = @transform_0, window_bounds = array<i64: 128, 768>}, {transform_indices = @transform_1, window_bounds = array<i64: 1, 768, 768>}, {transform_indices = @transform_2, window_bounds = array<i64: 1, 1, 768>}, {transform_indices = @transform_3, window_bounds = array<i64: 1, 768, 768>}, {transform_indices = @transform_4, window_bounds = array<i64: 1, 1, 768>}, {transform_indices = @transform_5, window_bounds = array<i64: 128, 768>}]} {
    %get3A = arith.constant 0 : index
    %get3A_0 = arith.constant 0 : index
    %get3A_1 = vector.load %arg2[%get3A, %get3A_0] : memref<128x768xf32, #tpu.memory_space<vmem>>, vector<128x768xf32>
    %get3A_2 = arith.constant 0 : index
    %get3A_3 = arith.constant 0 : index
    %get3A_4 = arith.constant 0 : index
    %get3A_5 = vector.load %arg3[%get3A_2, %get3A_3, %get3A_4] : memref<1x768x768xf32, #tpu.memory_space<vmem>>, vector<1x768x768xf32>
    %get3A_6 = vector.shape_cast %get3A_5 : vector<1x768x768xf32> to vector<768x768xf32>
    %dot_general3A = arith.constant dense<0.000000e+00> : vector<128x768xf32>
    %dot_general3A_7 = tpu.matmul %get3A_1, %get3A_6, %dot_general3A {dimension_numbers = #tpu.dot_dimension_numbers<[1], [1], [0], [0], [0, 0, 1, 0], [], []>, transpose_lhs_hint = false} : vector<128x768xf32>, vector<768x768xf32>, vector<128x768xf32> -> vector<128x768xf32>
    %get3A_8 = arith.constant 0 : index
    %get3A_9 = arith.constant 0 : index
    %get3A_10 = arith.constant 0 : index
    %get3A_11 = vector.load %arg4[%get3A_8, %get3A_9, %get3A_10] : memref<1x1x768xf32, #tpu.memory_space<vmem>>, vector<1x1x768xf32>
    %get3A_12 = vector.shape_cast %get3A_11 : vector<1x1x768xf32> to vector<1x768xf32>
    %add3A = vector.broadcast %get3A_12 : vector<1x768xf32> to vector<128x768xf32>
    %add3A_13 = arith.addf %dot_general3A_7, %add3A : vector<128x768xf32>
    %max3A = arith.constant 0.000000e+00 : f32
    %max3A_14 = vector.broadcast %max3A : f32 to vector<128x768xf32>
    %max3A_15 = arith.maximumf %add3A_13, %max3A_14 : vector<128x768xf32>
    %get3A_16 = arith.constant 0 : index
    %get3A_17 = arith.constant 0 : index
    %get3A_18 = arith.constant 0 : index
    %get3A_19 = vector.load %arg5[%get3A_16, %get3A_17, %get3A_18] : memref<1x768x768xf32, #tpu.memory_space<vmem>>, vector<1x768x768xf32>
    %get3A_20 = vector.shape_cast %get3A_19 : vector<1x768x768xf32> to vector<768x768xf32>
    %dot_general3A_21 = arith.constant dense<0.000000e+00> : vector<128x768xf32>
    %dot_general3A_22 = tpu.matmul %max3A_15, %get3A_20, %dot_general3A_21 {dimension_numbers = #tpu.dot_dimension_numbers<[1], [1], [0], [0], [0, 0, 1, 0], [], []>, transpose_lhs_hint = false} : vector<128x768xf32>, vector<768x768xf32>, vector<128x768xf32> -> vector<128x768xf32>
    %get3A_23 = arith.constant 0 : index
    %get3A_24 = arith.constant 0 : index
    %get3A_25 = arith.constant 0 : index
    %get3A_26 = vector.load %arg6[%get3A_23, %get3A_24, %get3A_25] : memref<1x1x768xf32, #tpu.memory_space<vmem>>, vector<1x1x768xf32>
    %get3A_27 = vector.shape_cast %get3A_26 : vector<1x1x768xf32> to vector<1x768xf32>
    %add3A_28 = vector.broadcast %get3A_27 : vector<1x768xf32> to vector<128x768xf32>
    %add3A_29 = arith.addf %dot_general3A_22, %add3A_28 : vector<128x768xf32>
    %swap3A = arith.constant 0 : index
    %swap3A_30 = arith.constant 0 : index
    %swap3A_31 = vector.load %arg7[%swap3A, %swap3A_30] : memref<128x768xf32, #tpu.memory_space<vmem>>, vector<128x768xf32>
    tpu.vector_store %arg7[%swap3A, %swap3A_30], %add3A_29 {strides = array<i32>} : memref<128x768xf32, #tpu.memory_space<vmem>>, vector<128x768xf32>,
    return
  }
  func.func @transform_0(%arg0: i32, %arg1: memref<3x128xi32, #tpu.memory_space<smem>>) -> (i32, i32) {
    %get3A = arith.constant 1 : index
    %get3A_0 = arith.index_cast %arg0 : i32 to index
    %get3A_1 = memref.load %arg1[%get3A, %get3A_0] : memref<3x128xi32, #tpu.memory_space<smem>>
    %c0_i32 = arith.constant 0 : i32
    %c0_i32_2 = arith.constant 0 : i32
    return %get3A_1, %c0_i32 : i32, i32
  }
  func.func @transform_1(%arg0: i32, %arg1: memref<3x128xi32, #tpu.memory_space<smem>>) -> (i32, i32, i32) {
    %get3A = arith.constant 0 : index
    %get3A_0 = arith.index_cast %arg0 : i32 to index
    %get3A_1 = memref.load %arg1[%get3A, %get3A_0] : memref<3x128xi32, #tpu.memory_space<smem>>
    %c0_i32 = arith.constant 0 : i32
    %c0_i32_2 = arith.constant 0 : i32
    %c0_i32_3 = arith.constant 0 : i32
    return %get3A_1, %c0_i32, %c0_i32_2 : i32, i32, i32
  }
  func.func @transform_2(%arg0: i32, %arg1: memref<3x128xi32, #tpu.memory_space<smem>>) -> (i32, i32, i32) {
    %get3A = arith.constant 0 : index
    %get3A_0 = arith.index_cast %arg0 : i32 to index
    %get3A_1 = memref.load %arg1[%get3A, %get3A_0] : memref<3x128xi32, #tpu.memory_space<smem>>
    %c0_i32 = arith.constant 0 : i32
    %c0_i32_2 = arith.constant 0 : i32
    %c0_i32_3 = arith.constant 0 : i32
    return %get3A_1, %c0_i32, %c0_i32_2 : i32, i32, i32
  }
  func.func @transform_3(%arg0: i32, %arg1: memref<3x128xi32, #tpu.memory_space<smem>>) -> (i32, i32, i32) {
    %get3A = arith.constant 0 : index
    %get3A_0 = arith.index_cast %arg0 : i32 to index
    %get3A_1 = memref.load %arg1[%get3A, %get3A_0] : memref<3x128xi32, #tpu.memory_space<smem>>
    %c0_i32 = arith.constant 0 : i32
    %c0_i32_2 = arith.constant 0 : i32
    %c0_i32_3 = arith.constant 0 : i32
    return %get3A_1, %c0_i32, %c0_i32_2 : i32, i32, i32
  }
  func.func @transform_4(%arg0: i32, %arg1: memref<3x128xi32, #tpu.memory_space<smem>>) -> (i32, i32, i32) {
    %get3A = arith.constant 0 : index
    %get3A_0 = arith.index_cast %arg0 : i32 to index
    %get3A_1 = memref.load %arg1[%get3A, %get3A_0] : memref<3x128xi32, #tpu.memory_space<smem>>
    %c0_i32 = arith.constant 0 : i32
    %c0_i32_2 = arith.constant 0 : i32
    %c0_i32_3 = arith.constant 0 : i32
    return %get3A_1, %c0_i32, %c0_i32_2 : i32, i32, i32
  }
  func.func @transform_5(%arg0: i32, %arg1: memref<3x128xi32, #tpu.memory_space<smem>>) -> (i32, i32) {
    %get3A = arith.constant 2 : index
    %get3A_0 = arith.index_cast %arg0 : i32 to index
    %get3A_1 = memref.load %arg1[%get3A, %get3A_0] : memref<3x128xi32, #tpu.memory_space<smem>>
    %c0_i32 = arith.constant 0 : i32
    %c0_i32_2 = arith.constant 0 : i32
    return %get3A_1, %c0_i32 : i32, i32
  }
}

</mosaic_0001>

<sc_bundles>
// kernel: kernel.6.cloned.1.call-start
scs
__scs_entry_jumppad:
0x0: {  	(pc) =	sbr.rel $0x88, $3  }
0x1: {  	(tag) =	ssettag $0x0;
	lr =	simm.s32 $0x1  }
0x2: {  	[smem:$0x3F9A] =	sst lr;
	_ =	strace $0xD0000000  }
0x3: {  	_ = 	snop  }
0x4: {  	_ = 	snop  }
0x5: {  	_ = 	snop  }
0x6: {  	_ = 	snop  }
0x7: {  	_ = 	snop  }
__scs_overlays_trampoline_lowered:
0x8: {  	[smem:$0x3FA9] =	sst s0  }
0x9: {  	[smem:$0x3FAA] =	sst s1  }
0xa: {  	[smem:$0x3FAB] =	sst s2  }
0xb: {  	[smem:$0x3FAC] =	sst s3  }
0xc: {  	[smem:$0x3FAD] =	sst s4  }
0xd: {  	[smem:$0x3FAE] =	sst s5  }
0xe: {  	[smem:$0x3FAF] =	sst s6  }
0xf: {  	[smem:$0x3FB0] =	sst s7  }
0x10: {  	[smem:$0x3FB1] =	sst s8  }
0x11: {  	[smem:$0x3FB2] =	sst s9;
	s0 =	simm.s32 @!p0 $0x0  }
0x12: {  	s1 =	sld [smem:$0x3F98];
	s0 =	simm.s32 @p0 $0x1  }
0x13: {  	[smem:$0x3FB3] =	sst s0;
	s0 =	simm.s32 @!p1 $0x0  }
0x14: {  	s2 =	sld [smem:$0x3F97];
	s0 =	simm.s32 @p1 $0x1  }
0x15: {  	[smem:$0x3FB4] =	sst s0;
	s0 =	simm.s32 @!p2 $0x0  }
0x16: {  	s3 =	sld [smem:$0x3FDB];
	s0 =	simm.s32 @p2 $0x1  }
0x17: {  	s4 =	simm.s32 $0x1BF5;
	[smem:$0x3FB6] =	sst s0  }
0x18: {  	s0 =	sld [smem:$0x3F99];
	_ =	swait.ge [sflag:s4], $0x0  }
0x19: {  	s7 =	sld [smem:$0x3F9A]  }
0x1a: {  	s8 =	sadd.s32 $0xFFFFE003, lr  }
0x1b: {  	s9 =	sadd.s32 $0xFFFFFEF7, lr;
	s5 =	simm.s32 $0xFFFFFFFF;
	p2 =	slt.u32 s8, $0xFFFFF086  }
0x1c: {  	p1 =	slt.u32 s9, $0xF7A;
	s5 =	simm.s32 @!p2 $0x0  }
0x1d: {  	s5 =	simm.s32 @p1 $0x1;
	p0 =	seq.s32 s7, s2  }
0x1e: {  	s7 =	smul.u32 @!p0 $0xF7A, s2;
	p2 =	seq.s32 @!p0 s5, $0x0  }
0x1f: {  	s9 =	smul.u32 $0xF7A, s1;
	s8 =	simm.s32 @!p0 $0x1BF5;
	p2 =	por !p2, p0  }
0x20: {  	[sflag:s8] =	ssyncset.s32 @!p0 $0xFFFFF086;
	s6 =	sadd.s32 @!p0 s3, s7;
	s7 =	simm.s32 @!p0 $0x108  }
0x21: {  	s3 =	sadd.s32 s3, s9;
	s6 =	sadd.s32 @!p0 $0x88, s6;
	s7 =	simm.s32 @p2 $0x1082  }
0x22: {  	[simem:s7], [sflag:s8] =	dma.local @!p0 [hbm:s6], $0xF7A  }
0x23: {  	s9 =	sor.u32 $0xD0000000, s2;
	s6 =	simm.s32 $0x108;
	_ =	swait.ge @!p0 [sflag:s8], $0x0  }
0x24: {  	s3 =	sadd.s32 $0x88, s3;
	s6 =	simm.s32 @!p1 $0x1082;
	[sflag:s4] =	ssyncset.s32 $0xFFFFF086  }
0x25: {  	[simem:s6], [sflag:s4] =	dma.local [hbm:s3], $0xF7A  }
0x26: {  	[smem:$0x3F9A] =	sst s1;
	(tag) =	ssettag s2;
	_ =	strace s9  }
0x27: {  	s1 =	sld [smem:$0x3FAA]  }
0x28: {  	s2 =	sld [smem:$0x3FAB]  }
0x29: {  	s4 =	sld [smem:$0x3FAD]  }
0x2a: {  	p0 =	seq.s32 s5, $0x0;
	s5 =	sld [smem:$0x3FAE]  }
0x2b: {  	s6 =	sld [smem:$0x3FAF]  }
0x2c: {  	s7 =	sld [smem:$0x3FB0]  }
0x2d: {  	s3 =	simm.s32 $0x108;
	s8 =	sld [smem:$0x3FB1]  }
0x2e: {  	s3 =	simm.s32 @!p0 $0x1082;
	s9 =	sld [smem:$0x3FB2]  }
0x2f: {  	lr =	sadd.s32 s0, s3;
	s0 =	sld [smem:$0x3FA9]  }
0x30: {  	s3 =	sld [smem:$0x3FAC]  }
0x31: {  	[smem:$0x3FB5] =	sst s10  }
0x32: {  	s10 =	sld [smem:$0x3FB3];
	_ =	sdelay $0x3  }
0x33: {  	p0 =	seq.s32 s10, $0x1;
	s10 =	sld [smem:$0x3FB5];
	_ =	sdelay $0x3  }
0x34: {  	[smem:$0x3FB5] =	sst s10  }
0x35: {  	s10 =	sld [smem:$0x3FB4];
	_ =	sdelay $0x3  }
0x36: {  	p1 =	seq.s32 s10, $0x1;
	s10 =	sld [smem:$0x3FB5];
	_ =	sdelay $0x3  }
0x37: {  	[smem:$0x3FB5] =	sst s10  }
0x38: {  	s10 =	sld [smem:$0x3FB6]  }
0x39: {  	_ = 	snop;
	(pc) =	sbr.ind lr, $3  }
0x3a: {  	_ = 	snop  }
0x3b: {  	_ = 	snop  }
0x3c: {  	p2 =	seq.s32 s10, $0x1;
	s10 =	sld [smem:$0x3FB5]  }
0x3d: {  	_ =	shalt  }
0x3e: {  	_ =	shalt  }
0x3f: {  	_ =	shalt  }
0x40: {  	_ =	shalt  }
0x41: {  	_ =	shalt  }
0x42: {  	_ =	shalt  }
0x43: {  	_ =	shalt  }
0x44: {  	_ =	shalt  }
0x45: {  	_ =	shalt  }
0x46: {  	_ =	shalt  }
0x47: {  	_ =	shalt  }
0x48: {  	_ =	shalt  }
0x49: {  	_ =	shalt  }
0x4a: {  	_ =	shalt  }
0x4b: {  	_ =	shalt  }
0x4c: {  	_ =	shalt  }
0x4d: {  	_ =	shalt  }
0x4e: {  	_ =	shalt  }
0x4f: {  	_ =	shalt  }
0x50: {  	_ =	shalt  }
0x51: {  	_ =	shalt  }
0x52: {  	_ =	shalt  }
0x53: {  	_ =	shalt  }
0x54: {  	_ =	shalt  }
0x55: {  	_ =	shalt  }
0x56: {  	_ =	shalt  }
0x57: {  	_ =	shalt  }
0x58: {  	_ =	shalt  }
0x59: {  	_ =	shalt  }
0x5a: {  	_ =	shalt  }
0x5b: {  	_ =	shalt  }
0x5c: {  	_ =	shalt  }
0x5d: {  	_ =	shalt  }
0x5e: {  	_ =	shalt  }
0x5f: {  	_ =	shalt  }
0x60: {  	_ =	shalt  }
0x61: {  	_ =	shalt  }
0x62: {  	_ =	shalt  }
0x63: {  	_ =	shalt  }
0x64: {  	_ =	shalt  }
0x65: {  	_ =	shalt  }
0x66: {  	_ =	shalt  }
0x67: {  	_ =	shalt  }
0x68: {  	_ =	shalt  }
0x69: {  	_ =	shalt  }
0x6a: {  	_ =	shalt  }
0x6b: {  	_ =	shalt  }
0x6c: {  	_ =	shalt  }
0x6d: {  	_ =	shalt  }
0x6e: {  	_ =	shalt  }
0x6f: {  	_ =	shalt  }
0x70: {  	_ =	shalt  }
0x71: {  	_ =	shalt  }
0x72: {  	_ =	shalt  }
0x73: {  	_ =	shalt  }
0x74: {  	_ =	shalt  }
0x75: {  	_ =	shalt  }
0x76: {  	_ =	shalt  }
0x77: {  	_ =	shalt  }
0x78: {  	_ =	shalt  }
0x79: {  	_ =	shalt  }
0x7a: {  	_ =	shalt  }
0x7b: {  	_ =	shalt  }
0x7c: {  	_ =	shalt  }
0x7d: {  	_ =	shalt  }
0x7e: {  	_ =	shalt  }
0x7f: {  	_ =	shalt  }
0x80: {  	_ =	shalt  }
0x81: {  	_ =	shalt  }
0x82: {  	_ =	shalt  }
0x83: {  	_ =	shalt  }
0x84: {  	_ =	shalt  }
0x85: {  	_ =	shalt  }
0x86: {  	_ =	shalt  }
0x87: {  	_ =	shalt  }
.Lfunc_end0:
.L_simem_size_0:
called_computation.1_lowered:
.L_overlay_start_0:
0x88: {  	s2 =	sld [smem:$0x3FD9]  }
0x89: {  	s3 =	sld [smem:$0x3FFE];
	_ =	sdelay $0x1  }
0x8a: {  	s1 =	srdreg.scid  }
0x8b: {  	s0 =	sand.u32 $0x1, s1  }
0x8c: {  	s17 =	sshll.u32 s0, $0xA;
	s2 =	sadd.s32 s3, s2  }
0x8d: {  	s2 =	sadd.s32 s2, s17  }
0x8e: {  	[smem:$0x3FC1] =	sst s2  }
0x8f: {  	_ = 	snop  }
0x90: {  	s18 =	sld [smem:$0x3FC9]  }
0x91: {  	s4 =	sld [smem:$0x3FD0];
	(tm) =	ssettm $0x1  }
0x92: {  	s19 =	sld [smem:$0x3FFB];
	_ =	sdelay $0x3  }
0x93: {  	_ =	strace s19  }
0x94: {  	s2 =	sld [smem:$0x3FFC];
	_ =	sdelay $0x3  }
0x95: {  	_ =	strace s2  }
0x96: {  	s2 =	sld [smem:$0x3FFD];
	_ =	sdelay $0x3  }
0x97: {  	_ =	strace s2  }
0x98: {  	_ =	strace $0x8FFFFFFF  }
0x99: {  	s20 =	sld [smem:$0x3FDB];
	_ =	sdelay $0x1  }
0x9a: {  	s5 =	simm.s32 $_scs_section_size  }
0x9b: {  	s6 =	simm.s32 $_size__tile_overlayer_lowered;
	s7 =	simm.s32 $_tile_overlayer_lowered  }
0x9c: {  	s8 =	simm.s32 $0x1BFF;
	s21 =	sshll.u32 s7, $0x1;
	s5 =	sadd.s32 s5, s20  }
0x9d: {  	s22 =	simm.s32 $0x0;
	s6 =	sshll.u32 s6, $0x1;
	s7 =	sadd.s32 s21, s5  }
0x9e: {  	[timem:s22], [sflag:s8] =	dma.local [hbm:s7], s6  }
0x9f: {  	_ =	swait.ge [sflag:s8], s6  }
0xa0: {  	s6 =	ssub.s32 $0x0, s6;
	[sflag:s8] =	ssyncset.done $0x0  }
0xa1: {  	[sflag:s8] =	ssyncadd.s32 s6;
	_ =	sdelay $0x1  }
0xa2: {  	s23 =	simm.s32 $0x1B8B  }
0xa3: {  	_ =	swait.ge [sflag:s23], $0x1  }
0xa4: {  	[sflag:s23] =	ssyncset.done $0x0  }
0xa5: {  	[sflag:s23] =	ssyncadd.s32 $0xFFFFFFFF  }
0xa6: {  	s6 =	sld [smem:$0x0]  }
0xa7: {  	s7 =	sand.u32 $0xFFFFFFFE, s1  }
0xa8: {  	p0 =	sne.s32 s1, s7  }
0xa9: {  	s7 =	sshll.u32 @p0 s7, $0xE  }
0xaa: {  	s7 =	sadd.s32 @p0 $0x11B8D, s7;
	s8 =	sshll.u32 @p0 s6, $0x11  }
0xab: {  	s7 =	sor.u32 @p0 s8, s7  }
0xac: {  	[sflag:s7] =	ssyncadd.remote.s32 @p0 $0x1;
	_ =	sdelay $0x1  }
0xad: {  	s7 =	simm.s32 @p0 $0x1B8D  }
0xae: {  	_ =	swait.eq @p0 [sflag:s7], $0x1  }
0xaf: {  	[sflag:s7] =	ssyncadd.s32 @p0 $0xFFFFFFFF  }
0xb0: {  	s8 =	sshll.u32 @!p0 s1, $0xE  }
0xb1: {  	s8 =	sor.u32 @!p0 $0x4000, s8;
	s7 =	simm.s32 @!p0 $0x1B8D  }
0xb2: {  	s6 =	sshll.u32 @!p0 s6, $0x11;
	s8 =	sadd.s32 @!p0 $0x11B8D, s8;
	_ =	swait.eq @!p0 [sflag:s7], $0x1  }
0xb3: {  	s6 =	sor.u32 @!p0 s6, s8;
	[sflag:s7] =	ssyncadd.s32 @!p0 $0xFFFFFFFF  }
0xb4: {  	s25 =	simm.s32 $0x1B8E;
	s24 =	sld [smem:$0x3FFE];
	[sflag:s6] =	ssyncadd.remote.s32 @!p0 $0x1  }
0xb5: {  	s26 =	simm.s32 $execute0_lowered;
	[smem:$0x3FD2] =	sst s25  }
0xb6: {  	s7 =	sshll.u32 s26, $0x1;
	_ =	strace $0x80000049;
	[dreg:$0x1] =	wrdreg $0xFFFFFFFF  }
0xb7: {  	s28 =	simm.s32 $_size_execute0_lowered;
	s5 =	sadd.s32 s5, s7;
	[dreg:$0x0] =	wrdreg $0x0  }
0xb8: {  	s7 =	sshll.u32 s28, $0x1;
	[dreg:$0x2] =	wrdreg s5  }
0xb9: {  	[dreg:$0x3] =	wrdreg s7  }
0xba: {  	[dreg:$0x4] =	wrdreg $0xC0  }
0xbb: {  	_ =	task [dreg:s22], $0x5FFFF  }
0xbc: {  	[dreg:$0x1] =	wrdreg $0xFFFFFFFF  }
0xbd: {  	[dreg:$0x0] =	wrdreg $0x60  }
0xbe: {  	[dreg:$0x2] =	wrdreg s18  }
0xbf: {  	[dreg:$0x3] =	wrdreg s4  }
0xc0: {  	[dreg:$0x4] =	wrdreg s24  }
0xc1: {  	[dreg:$0x5] =	wrdreg $0xA  }
0xc2: {  	_ =	task.clear_ibuf [dreg:s22], $0x6FFFF;
	_ =	strace $0x90000049  }
0xc3: {  	s29 =	simm.s32 $0xA;
	_ =	strace $0x8000004B  }
0xc4: {  	_ =	swait.ge [sflag:s29], $0x1  }
0xc5: {  	[sflag:s29] =	ssyncadd.s32 $0xFFFFFFFF  }
0xc6: {  	_ =	strace $0x9000004B  }
0xc7: {  	_ =	sfence  }
0xc8: {  	s30 =	sld [smem:$0x0];
	_ =	sdelay $0x2  }
0xc9: {  	s31 =	sshll.u32 s1, $0xD;
	s1 =	sshrl.u32 s1, $0x2  }
0xca: {  	s4 =	sand.u32 $0x4000, s31;
	s1 =	sadd.s32 s1, s30  }
0xcb: {  	s0 =	sor.u32 s4, s0;
	s1 =	sshll.u32 s1, $0x11  }
0xcc: {  	s0 =	sor.u32 s1, s0  }
0xcd: {  	s0 =	sadd.s32 $0x8F2B, s0  }
0xce: {  	[sflag:s0] =	ssyncadd.remote.s32 $0x1  }
0xcf: {  	_ =	sfence.sel $0xFFFF  }
0xd0: {  	[dreg:$0x0] =	wrdreg $0xFFFFFFFF;
	(pc) =	sbr.abs _section_cstart, $3  }
0xd1: {  	[dreg:$0x1] =	wrdreg $0xFFFFFFFF  }
0xd2: {  	_ =	task.clear_ibuf [dreg:s22], $0x2FFFF;
	_ =	strace $0x9FFFFFFF  }
0xd3: {  	(tm) =	ssettm $0x7FFFFFFF  }
tec
execute0_lowered:
.L_overlay_start_1:
0x0: {  	(tag) =	ssettag $0x1  }
0x1: {  	s0 =	rddreg [dreg:$0x0]  }
0x2: {  	s1 =	srdreg.scid;
	s2 =	rddreg [dreg:$0x1]  }
0x3: {  	s3 =	stileid.u32;
	s10 =	rddreg [dreg:$0x2];
	s25 =	simm.s32 $0x100  }
0x4: {  	s12 =	simm.s32 $0x200;
	s26 =	simm.s32 $0x280;
	s16 =	simm.s32 $0x1  }
0x5: {  	s11 =	simm.s32 $0x2;
	s13 =	simm.s32 $0xED80;
	s14 =	simm.s32 $0xF580  }
0x6: {  	s15 =	simm.s32 $0xFD80;
	s17 =	simm.s32 $0x10580;
	s18 =	simm.s32 $0x10D80  }
0x7: {  	s19 =	simm.s32 $0x11580;
	s28 =	simm.s32 $0x14D80;
	s29 =	simm.s32 $0x15580  }
0x8: {  	s30 =	simm.s32 $0x15D80;
	s31 =	simm.s32 $0x16580;
	s1 =	sand.u32 $0x1, s1  }
0x9: {  	s4 =	sshll.u32 s3, $0x6;
	s3 =	simm.s32 $0x0;
	s5 =	sshll.u32 s1, $0x5  }
0xa: {  	[smem:$0x7FF] =	sst s3;
	s1 =	ssub.s32 $0x2, s1;
	s5 =	sor.u32 s5, s4  }
0xb: {  	_ =	strace $0x8000004A;
	s4 =	sadd.s32 $0xE00, s10;
	[dreg:$0xa] =	wrdreg s25  }
0xc: {  	s20 =	sshrl.u32 s1, $0x1;
	[dreg:$0xb] =	wrdreg s26;
	s25 =	simm.s32 $0x13D80  }
0xd: {  	s26 =	simm.s32 $0x14580;
	s6 =	smul.u32 $0x300, s5;
	s7 =	sadd.s32 s5, s10  }
0xe: {  	s9 =	smul.u32 $0x1800, s5;
	s1 =	ssub.s32 s1, s20;
	s2 =	sadd.s32 s2, s5  }
0xf: {  	s5 =	simm.s32 $0x5;
	s20 =	simm.s32 $0x11D80;
	[dreg:$0x5] =	wrdreg s2  }
0x10: {  	s21 =	sadd.s32 $0x600, s7;
	s23 =	sadd.s32 $0x180E00, s7;
	s7 =	sadd.s32 $0x1000, s10  }
0x11: {  	s8 =	sadd.s32 s0, s6;
	s22 =	sshrl.u32 s9, $0x3;
	[dreg:$0x6] =	wrdreg s21  }
0x12: {  	[dreg:$0x7] =	wrdreg s23;
	s6 =	sadd.s32 $0xF00, s10;
	s9 =	simm.s32 $0xDD80  }
0x13: {  	[dreg:$0xc] =	wrdreg s8;
	s8 =	sadd.s32 $0x1800, s8;
	s0 =	sadd.s32 s0, s22  }
0x14: {  	v3 =	vlaneseq.u32;
	s10 =	simm.s32 $0xE580;
	[dreg:$0x4] =	wrdreg s8;
	s24 =	sadd.s32 $0x3000, s0  }
0x15: {  	v0 =	vimm.s32 $0x0;
	vm0 =	vmmov $0xffff;
	v2 =	vshrl.u32 v3, $0x3;
	s21 =	simm.s32 $0x12580;
	s0 =	sadd.s32 $0x4800, s0;
	[dreg:$0x8] =	wrdreg s24  }
0x16: {  	v1 =	vand.u32 $0x7, v3;
	v3 =	vor.u32 $0x8, v3;
	v2 =	vmul.u32 $0x8, v2;
	s22 =	simm.s32 $0x12D80;
	s8 =	smax.u32 s1, $0x1;
	[dreg:$0x9] =	wrdreg s0  }
.LBB2_1:
0x17: {  	s24 =	rddreg [dreg:$0xc];
	s0 =	simm.s32 $0x580  }
0x18: {  	[tilespmem:s0], [sflag:$0x1] =	stream.linear.gather [hbm4b:s24+s3], $0xC000, $0x38;
	[tilespmem:$0x18580] =	vst v63  }
0x19: {  	s23 =	rddreg [dreg:$0x4];
	s2 =	simm.s32 $0xC580  }
0x1a: {  	[tilespmem:s2], [sflag:$0x2] =	stream.linear.gather [hbm4b:s23+s3], $0xC000, $0x38;
	[tilespmem:$0x18580] =	vst v63  }
0x1b: {  	s1 =	rddreg [dreg:$0x5]  }
0x1c: {  	[tilespmem:s3], [sflag:$0x5] =	stream.linear.gather [hbm4b:s1+s3], $0x100, $0x38;
	[tilespmem:$0x18580] =	vst v63  }
0x1d: {  	_ =	swait.ge [sflag:s5], $0x100  }
0x1e: {  	s1 =	rddreg [dreg:$0x6];
	[sflag:s5] =	ssyncset.done $0x0  }
0x1f: {  	s2 =	rddreg [dreg:$0xa];
	[sflag:s5] =	ssyncadd.s32 $0xFFFFFF00  }
0x20: {  	[tilespmem:s2], [sflag:$0x5] =	stream.linear.gather [hbm4b:s1+s3], $0x100, $0x38;
	[tilespmem:$0x18580] =	vst v63  }
0x21: {  	_ =	swait.ge [sflag:s5], $0x100  }
0x22: {  	[sflag:s5] =	ssyncset.done $0x0  }
0x23: {  	[sflag:s5] =	ssyncadd.s32 $0xFFFFFF00  }
0x24: {  	s0 =	rddreg [dreg:$0x2]  }
0x25: {  	[tilespmem:s12], [sflag:$0x5] =	stream.linear.gather [hbm4b:s0+s3], $0x80, $0x38;
	[tilespmem:$0x18580] =	vst v63  }
0x26: {  	_ =	swait.ge [sflag:s5], $0x80  }
0x27: {  	[sflag:s5] =	ssyncset.done $0x0  }
0x28: {  	[sflag:s5] =	ssyncadd.s32 $0xFFFFFF80  }
0x29: {  	v4 =	vld [tilespmem:$0x200]  }
0x2a: {  	v5 =	vld [tilespmem:$0x210];
	_ =	sdelay $0x3  }
0x2b: {  	v36 =	vld [tilespmem:$0x220];
	v4 =	vadd.s32 $0x7F, v4  }
0x2c: {  	v5 =	vadd.s32 $0x7F, v5;
	v6 =	vshra.s32 v4, $0x1F  }
0x2d: {  	v7 =	vand.u32 $0x7F, v4;
	vm1 =	vlt.s32 v4, $0x1;
	v38 =	vshra.s32 v5, $0x1F  }
0x2e: {  	v8 =	vand.u32 $0x7F, v5;
	v6 =	vshrl.u32 v6, $0x19;
	vm2 =	vne.s32 v7, $0x0  }
0x2f: {  	v7 =	vshrl.u32 v38, $0x19;
	v4 =	vadd.s32 v6, v4;
	vm1 =	vmand vm1, vm2  }
0x30: {  	vm2 =	vne.s32 v8, $0x0;
	v6 =	vadd.s32 $0x7F, v36;
	v4 =	vshrl.u32 v4, $0x7  }
0x31: {  	v37 =	vsel vm1, $0xFFFFFFFF, v0;
	vm1 =	vlt.s32 v5, $0x1;
	v5 =	vadd.s32 v7, v5  }
0x32: {  	v40 =	vshra.s32 v6, $0x1F;
	v9 =	vand.u32 $0x7F, v6;
	v4 =	vadd.s32 v37, v4  }
0x33: {  	vm1 =	vmand vm1, vm2;
	v8 =	vshrl.u32 v40, $0x19;
	vm2 =	vne.s32 v9, $0x0  }
0x34: {  	v5 =	vshrl.u32 v5, $0x7;
	v39 =	vsel vm1, $0xFFFFFFFF, v0;
	vm1 =	vlt.s32 v6, $0x1  }
0x35: {  	v4 =	vshll.u32 v4, $0x7;
	v6 =	vadd.s32 v8, v6;
	vm1 =	vmand vm1, vm2  }
0x36: {  	v5 =	vadd.s32 v39, v5;
	v6 =	vshrl.u32 v6, $0x7;
	v41 =	vsel vm1, $0xFFFFFFFF, v0  }
0x37: {  	(xrf0) =	vadd.scan.msk.s32 $0xffff, v4;
	v5 =	vshll.u32 v5, $0x7;
	v6 =	vadd.s32 v41, v6  }
0x38: {  	(xrf0) =	vadd.scan.msk.s32 $0xffff, v5;
	v6 =	vshll.u32 v6, $0x7  }
0x39: {  	(xrf0) =	vadd.scan.msk.s32 $0xffff, v6;
	_ =	sdelay $0x3  }
0x3a: {  	v43 =	vld [tilespmem:$0x230];
	v42, _, _ =	vpop (xrf0)  }
0x3b: {  	(v2sf) =	vpush v42, $0xF;
	v44, _, _ =	vpop (xrf0)  }
0x3c: {  	(v2sf) =	vpush v44, $0xF;
	v10, _, _ =	vpop (xrf0)  }
0x3d: {  	(v2sf) =	vpush v10, $0xF;
	_ =	sdelay $0x1  }
0x3e: {  	v8 =	vadd.s32 $0x7F, v43  }
0x3f: {  	v11 =	vshra.s32 v8, $0x1F;
	v12 =	vand.u32 $0x7F, v8  }
0x40: {  	v11 =	vshrl.u32 v11, $0x19;
	vm1 =	vlt.s32 v8, $0x1;
	vm2 =	vne.s32 v12, $0x0  }
0x41: {  	v8 =	vadd.s32 v11, v8;
	vm1 =	vmand vm1, vm2  }
0x42: {  	v8 =	vshrl.u32 v8, $0x7;
	v45 =	vsel vm1, $0xFFFFFFFF, v0  }
0x43: {  	v8 =	vadd.s32 v45, v8  }
0x44: {  	v8 =	vshll.u32 v8, $0x7  }
0x45: {  	(xrf0) =	vadd.scan.msk.s32 $0xffff, v8;
	_ =	sdelay $0x1  }
0x46: {  	v46 =	vld [tilespmem:$0x0]  }
0x47: {  	v47 =	vbroadcast v42, $0xF  }
0x48: {  	s1 =	spop (v2sf)  }
0x49: {  	v4 =	vsub.s32 v42, v4;
	v5 =	vsub.s32 v47, v5;
	s2 =	spop (v2sf)  }
0x4a: {  	[tilespmem:$0x200] =	vst v4;
	v4 =	vadd.s32 v44, v5;
	v5 =	vsub.s32 v10, v6;
	v48, _, _ =	vpop (xrf0);
	s23 =	sadd.s32 s1, s2;
	s0 =	spop (v2sf)  }
0x4b: {  	[tilespmem:$0x210] =	vst v4;
	v4 =	vsub.s32 v48, v8;
	v5 =	vadd.s32 s23, v5;
	s23 =	sadd.s32 s23, s0  }
0x4c: {  	v49 =	vld [tilespmem:$0x10];
	[tilespmem:$0x220] =	vst v5;
	v4 =	vadd.s32 s23, v4  }
0x4d: {  	[tilespmem:$0x230] =	vst v4;
	v4 =	vld [tilespmem:$0x100]  }
0x4e: {  	v5 =	vld.idx.msk [tilespmem:v46+s12+$0x0], $0xffff;
	_ =	sdelay $0x4  }
0x4f: {  	v4 =	vadd.s32 v4, v5  }
0x50: {  	v50 =	vld [tilespmem:$0x20];
	[tilespmem:$0x380] =	vst v4  }
0x51: {  	[tilespmem:$0x280] =	vst v4;
	v4 =	vld [tilespmem:$0x110]  }
0x52: {  	v5 =	vld.idx.msk [tilespmem:v49+s12+$0x0], $0xffff;
	_ =	sdelay $0x4  }
0x53: {  	v4 =	vadd.s32 v4, v5  }
0x54: {  	v51 =	vld [tilespmem:$0x30];
	[tilespmem:$0x390] =	vst v4  }
0x55: {  	[tilespmem:$0x290] =	vst v4;
	v4 =	vld [tilespmem:$0x120]  }
0x56: {  	v5 =	vld.idx.msk [tilespmem:v50+s12+$0x0], $0xffff;
	_ =	sdelay $0x4  }
0x57: {  	v4 =	vadd.s32 v4, v5  }
0x58: {  	v52 =	vld [tilespmem:$0x40];
	[tilespmem:$0x3A0] =	vst v4  }
0x59: {  	[tilespmem:$0x2A0] =	vst v4;
	v4 =	vld [tilespmem:$0x130]  }
0x5a: {  	v5 =	vld.idx.msk [tilespmem:v51+s12+$0x0], $0xffff;
	_ =	sdelay $0x4  }
0x5b: {  	v4 =	vadd.s32 v4, v5  }
0x5c: {  	v53 =	vld [tilespmem:$0x50];
	[tilespmem:$0x3B0] =	vst v4  }
0x5d: {  	[tilespmem:$0x2B0] =	vst v4;
	v4 =	vld [tilespmem:$0x140]  }
0x5e: {  	v5 =	vld.idx.msk [tilespmem:v52+s12+$0x0], $0xffff;
	_ =	sdelay $0x4  }
0x5f: {  	v4 =	vadd.s32 v4, v5  }
0x60: {  	v54 =	vld [tilespmem:$0x60];
	[tilespmem:$0x400] =	vst v4  }
0x61: {  	[tilespmem:$0x2C0] =	vst v4;
	v4 =	vld [tilespmem:$0x150]  }
0x62: {  	v5 =	vld.idx.msk [tilespmem:v53+s12+$0x0], $0xffff;
	_ =	sdelay $0x4  }
0x63: {  	v4 =	vadd.s32 v4, v5  }
0x64: {  	v55 =	vld [tilespmem:$0x70];
	[tilespmem:$0x410] =	vst v4  }
0x65: {  	[tilespmem:$0x2D0] =	vst v4;
	v4 =	vld [tilespmem:$0x160]  }
0x66: {  	v5 =	vld.idx.msk [tilespmem:v54+s12+$0x0], $0xffff;
	_ =	sdelay $0x4  }
0x67: {  	v4 =	vadd.s32 v4, v5  }
0x68: {  	v56 =	vld [tilespmem:$0x80];
	[tilespmem:$0x420] =	vst v4  }
0x69: {  	[tilespmem:$0x2E0] =	vst v4;
	v4 =	vld [tilespmem:$0x170]  }
0x6a: {  	v5 =	vld.idx.msk [tilespmem:v55+s12+$0x0], $0xffff;
	_ =	sdelay $0x4  }
0x6b: {  	v4 =	vadd.s32 v4, v5  }
0x6c: {  	v57 =	vld [tilespmem:$0x90];
	[tilespmem:$0x430] =	vst v4  }
0x6d: {  	[tilespmem:$0x2F0] =	vst v4;
	v4 =	vld [tilespmem:$0x180]  }
0x6e: {  	v5 =	vld.idx.msk [tilespmem:v56+s12+$0x0], $0xffff;
	_ =	sdelay $0x4  }
0x6f: {  	v4 =	vadd.s32 v4, v5  }
0x70: {  	v58 =	vld [tilespmem:$0xA0];
	[tilespmem:$0x480] =	vst v4  }
0x71: {  	[tilespmem:$0x300] =	vst v4;
	v4 =	vld [tilespmem:$0x190]  }
0x72: {  	v5 =	vld.idx.msk [tilespmem:v57+s12+$0x0], $0xffff;
	_ =	sdelay $0x4  }
0x73: {  	v4 =	vadd.s32 v4, v5  }
0x74: {  	v59 =	vld [tilespmem:$0xB0];
	[tilespmem:$0x490] =	vst v4  }
0x75: {  	[tilespmem:$0x310] =	vst v4;
	v4 =	vld [tilespmem:$0x1A0]  }
0x76: {  	v5 =	vld.idx.msk [tilespmem:v58+s12+$0x0], $0xffff;
	_ =	sdelay $0x4  }
0x77: {  	v4 =	vadd.s32 v4, v5  }
0x78: {  	v60 =	vld [tilespmem:$0xC0];
	[tilespmem:$0x4A0] =	vst v4  }
0x79: {  	[tilespmem:$0x320] =	vst v4;
	v4 =	vld [tilespmem:$0x1B0]  }
0x7a: {  	v5 =	vld.idx.msk [tilespmem:v59+s12+$0x0], $0xffff;
	_ =	sdelay $0x4  }
0x7b: {  	v4 =	vadd.s32 v4, v5  }
0x7c: {  	v61 =	vld [tilespmem:$0xD0];
	[tilespmem:$0x4B0] =	vst v4  }
0x7d: {  	[tilespmem:$0x330] =	vst v4;
	v4 =	vld [tilespmem:$0x1C0]  }
0x7e: {  	v5 =	vld.idx.msk [tilespmem:v60+s12+$0x0], $0xffff;
	_ =	sdelay $0x4  }
0x7f: {  	v4 =	vadd.s32 v4, v5  }
0x80: {  	v62 =	vld [tilespmem:$0xE0];
	[tilespmem:$0x500] =	vst v4  }
0x81: {  	[tilespmem:$0x340] =	vst v4;
	v4 =	vld [tilespmem:$0x1D0]  }
0x82: {  	v5 =	vld.idx.msk [tilespmem:v61+s12+$0x0], $0xffff;
	_ =	sdelay $0x4  }
0x83: {  	v4 =	vadd.s32 v4, v5  }
0x84: {  	v63 =	vld [tilespmem:$0xF0];
	[tilespmem:$0x510] =	vst v4  }
0x85: {  	[tilespmem:$0x350] =	vst v4;
	v4 =	vld [tilespmem:$0x1E0]  }
0x86: {  	v5 =	vld.idx.msk [tilespmem:v62+s12+$0x0], $0xffff;
	_ =	sdelay $0x4  }
0x87: {  	v4 =	vadd.s32 v4, v5  }
0x88: {  	[tilespmem:$0x520] =	vst v4  }
0x89: {  	[tilespmem:$0x360] =	vst v4;
	v4 =	vld [tilespmem:$0x1F0]  }
0x8a: {  	v5 =	vld.idx.msk [tilespmem:v63+s12+$0x0], $0xffff;
	_ =	sdelay $0x4  }
0x8b: {  	v4 =	vadd.s32 v4, v5  }
0x8c: {  	s1 =	rddreg [dreg:$0x7];
	[tilespmem:$0x530] =	vst v4  }
0x8d: {  	s2 =	rddreg [dreg:$0xb];
	[tilespmem:$0x370] =	vst v4  }
0x8e: {  	[hbm4b:s1+s3] =	stream.linear.scatter [tilespmem:s2], [sflag:$0x5], $0x100, $0x38;
	[tilespmem:$0x18580] =	vst v63  }
0x8f: {  	_ =	swait.ge [sflag:s5], $0x100  }
0x90: {  	[sflag:s5] =	ssyncset.done $0x0  }
0x91: {  	[sflag:s5] =	ssyncadd.s32 $0xFFFFFF00  }
0x92: {  	_ =	swait.ge [sflag:s16], $0xC000  }
0x93: {  	[sflag:s16] =	ssyncset.done $0x0  }
0x94: {  	[sflag:s16] =	ssyncadd.s32 $0xFFFF4000  }
0x95: {  	v4 =	vld [tilespmem:$0x380];
	_ =	sdelay $0x4  }
0x96: {  	v5 =	vshrl.u32 v4, $0x3  }
0x97: {  	v5 =	vmul.u32 $0x30, v5  }
0x98: {  	v4 =	vand.u32 $0x7, v4  }
0x99: {  	v4 =	vor.u32 v4, v5  }
0x9a: {  	v5 =	vperm.xlane v4, v1;
	_ =	sdelay $0x1  }
0x9b: {  	v5 =	vadd.s32 v2, v5;
	_ =	sdelay $0x3  }
0x9c: {  	s1 =	simm.s32 $0x580;
	v4 =	vperm.xlane v4, v3  }
0x9d: {  	[hbm4b:s4+s3] =	stream.indirect_vreg.scatter [tilespmem:s1], [sflag:$0x3], $0x80, v5, vm0, $0xb8;
	[tilespmem:$0x18580] =	vst v63  }
0x9e: {  	s23 =	simm.s32 $0xD80;
	v4 =	vadd.s32 v2, v4  }
0x9f: {  	[hbm4b:s6+s3] =	stream.indirect_vreg.scatter [tilespmem:s23], [sflag:$0x3], $0x80, v5, vm0, $0xb8;
	[tilespmem:$0x18580] =	vst v63  }
0xa0: {  	s24 =	simm.s32 $0x1580  }
0xa1: {  	[hbm4b:s7+s3] =	stream.indirect_vreg.scatter [tilespmem:s24], [sflag:$0x3], $0x80, v5, vm0, $0xb8;
	[tilespmem:$0x18580] =	vst v63  }
0xa2: {  	s2 =	simm.s32 $0x1D80  }
0xa3: {  	[hbm4b:s4+s3] =	stream.indirect_vreg.scatter [tilespmem:s2], [sflag:$0x3], $0x80, v4, vm0, $0xb8;
	[tilespmem:$0x18580] =	vst v63  }
0xa4: {  	s23 =	simm.s32 $0x2580  }
0xa5: {  	[hbm4b:s6+s3] =	stream.indirect_vreg.scatter [tilespmem:s23], [sflag:$0x3], $0x80, v4, vm0, $0xb8;
	[tilespmem:$0x18580] =	vst v63  }
0xa6: {  	s24 =	simm.s32 $0x2D80  }
0xa7: {  	[hbm4b:s7+s3] =	stream.indirect_vreg.scatter [tilespmem:s24], [sflag:$0x3], $0x80, v4, vm0, $0xb8;
	[tilespmem:$0x18580] =	vst v63  }
0xa8: {  	v4 =	vld [tilespmem:$0x390];
	_ =	sdelay $0x4  }
0xa9: {  	v5 =	vshrl.u32 v4, $0x3  }
0xaa: {  	v5 =	vmul.u32 $0x30, v5  }
0xab: {  	v4 =	vand.u32 $0x7, v4  }
0xac: {  	v4 =	vor.u32 v4, v5  }
0xad: {  	v5 =	vperm.xlane v4, v1;
	_ =	sdelay $0x1  }
0xae: {  	v5 =	vadd.s32 v2, v5;
	_ =	sdelay $0x3  }
0xaf: {  	s2 =	simm.s32 $0x3580;
	v4 =	vperm.xlane v4, v3  }
0xb0: {  	[hbm4b:s4+s3] =	stream.indirect_vreg.scatter [tilespmem:s2], [sflag:$0x3], $0x80, v5, vm0, $0xb8;
	[tilespmem:$0x18580] =	vst v63  }
0xb1: {  	s23 =	simm.s32 $0x3D80;
	v4 =	vadd.s32 v2, v4  }
0xb2: {  	[hbm4b:s6+s3] =	stream.indirect_vreg.scatter [tilespmem:s23], [sflag:$0x3], $0x80, v5, vm0, $0xb8;
	[tilespmem:$0x18580] =	vst v63  }
0xb3: {  	s24 =	simm.s32 $0x4580  }
0xb4: {  	[hbm4b:s7+s3] =	stream.indirect_vreg.scatter [tilespmem:s24], [sflag:$0x3], $0x80, v5, vm0, $0xb8;
	[tilespmem:$0x18580] =	vst v63  }
0xb5: {  	s2 =	simm.s32 $0x4D80  }
0xb6: {  	[hbm4b:s4+s3] =	stream.indirect_vreg.scatter [tilespmem:s2], [sflag:$0x3], $0x80, v4, vm0, $0xb8;
	[tilespmem:$0x18580] =	vst v63  }
0xb7: {  	s23 =	simm.s32 $0x5580  }
0xb8: {  	[hbm4b:s6+s3] =	stream.indirect_vreg.scatter [tilespmem:s23], [sflag:$0x3], $0x80, v4, vm0, $0xb8;
	[tilespmem:$0x18580] =	vst v63  }
0xb9: {  	s24 =	simm.s32 $0x5D80  }
0xba: {  	[hbm4b:s7+s3] =	stream.indirect_vreg.scatter [tilespmem:s24], [sflag:$0x3], $0x80, v4, vm0, $0xb8;
	[tilespmem:$0x18580] =	vst v63  }
0xbb: {  	v4 =	vld [tilespmem:$0x3A0];
	_ =	sdelay $0x4  }
0xbc: {  	v5 =	vshrl.u32 v4, $0x3  }
0xbd: {  	v5 =	vmul.u32 $0x30, v5  }
0xbe: {  	v4 =	vand.u32 $0x7, v4  }
0xbf: {  	v4 =	vor.u32 v4, v5  }
0xc0: {  	v5 =	vperm.xlane v4, v1;
	_ =	sdelay $0x1  }
0xc1: {  	v5 =	vadd.s32 v2, v5;
	_ =	sdelay $0x3  }
0xc2: {  	s2 =	simm.s32 $0x6580;
	v4 =	vperm.xlane v4, v3  }
0xc3: {  	[hbm4b:s4+s3] =	stream.indirect_vreg.scatter [tilespmem:s2], [sflag:$0x3], $0x80, v5, vm0, $0xb8;
	[tilespmem:$0x18580] =	vst v63  }
0xc4: {  	s23 =	simm.s32 $0x6D80;
	v4 =	vadd.s32 v2, v4  }
0xc5: {  	[hbm4b:s6+s3] =	stream.indirect_vreg.scatter [tilespmem:s23], [sflag:$0x3], $0x80, v5, vm0, $0xb8;
	[tilespmem:$0x18580] =	vst v63  }
0xc6: {  	s24 =	simm.s32 $0x7580  }
0xc7: {  	[hbm4b:s7+s3] =	stream.indirect_vreg.scatter [tilespmem:s24], [sflag:$0x3], $0x80, v5, vm0, $0xb8;
	[tilespmem:$0x18580] =	vst v63  }
0xc8: {  	s2 =	simm.s32 $0x7D80  }
0xc9: {  	[hbm4b:s4+s3] =	stream.indirect_vreg.scatter [tilespmem:s2], [sflag:$0x3], $0x80, v4, vm0, $0xb8;
	[tilespmem:$0x18580] =	vst v63  }
0xca: {  	s23 =	simm.s32 $0x8580  }
0xcb: {  	[hbm4b:s6+s3] =	stream.indirect_vreg.scatter [tilespmem:s23], [sflag:$0x3], $0x80, v4, vm0, $0xb8;
	[tilespmem:$0x18580] =	vst v63  }
0xcc: {  	s24 =	simm.s32 $0x8D80  }
0xcd: {  	[hbm4b:s7+s3] =	stream.indirect_vreg.scatter [tilespmem:s24], [sflag:$0x3], $0x80, v4, vm0, $0xb8;
	[tilespmem:$0x18580] =	vst v63  }
0xce: {  	v4 =	vld [tilespmem:$0x3B0];
	_ =	sdelay $0x4  }
0xcf: {  	v5 =	vshrl.u32 v4, $0x3  }
0xd0: {  	v5 =	vmul.u32 $0x30, v5  }
0xd1: {  	v4 =	vand.u32 $0x7, v4  }
0xd2: {  	v4 =	vor.u32 v4, v5  }
0xd3: {  	v5 =	vperm.xlane v4, v1;
	_ =	sdelay $0x1  }
0xd4: {  	v5 =	vadd.s32 v2, v5;
	_ =	sdelay $0x3  }
0xd5: {  	s2 =	simm.s32 $0x9580;
	v4 =	vperm.xlane v4, v3  }
0xd6: {  	[hbm4b:s4+s3] =	stream.indirect_vreg.scatter [tilespmem:s2], [sflag:$0x3], $0x80, v5, vm0, $0xb8;
	[tilespmem:$0x18580] =	vst v63  }
0xd7: {  	s23 =	simm.s32 $0x9D80;
	v4 =	vadd.s32 v2, v4  }
0xd8: {  	[hbm4b:s6+s3] =	stream.indirect_vreg.scatter [tilespmem:s23], [sflag:$0x3], $0x80, v5, vm0, $0xb8;
	[tilespmem:$0x18580] =	vst v63  }
0xd9: {  	s24 =	simm.s32 $0xA580  }
0xda: {  	[hbm4b:s7+s3] =	stream.indirect_vreg.scatter [tilespmem:s24], [sflag:$0x3], $0x80, v5, vm0, $0xb8;
	[tilespmem:$0x18580] =	vst v63  }
0xdb: {  	s2 =	simm.s32 $0xAD80  }
0xdc: {  	[hbm4b:s4+s3] =	stream.indirect_vreg.scatter [tilespmem:s2], [sflag:$0x3], $0x80, v4, vm0, $0xb8;
	[tilespmem:$0x18580] =	vst v63  }
0xdd: {  	s23 =	simm.s32 $0xB580  }
0xde: {  	[hbm4b:s6+s3] =	stream.indirect_vreg.scatter [tilespmem:s23], [sflag:$0x3], $0x80, v4, vm0, $0xb8;
	[tilespmem:$0x18580] =	vst v63  }
0xdf: {  	s0 =	simm.s32 $0x3;
	s24 =	simm.s32 $0xBD80  }
0xe0: {  	[hbm4b:s7+s3] =	stream.indirect_vreg.scatter [tilespmem:s24], [sflag:$0x3], $0x80, v4, vm0, $0xb8;
	[tilespmem:$0x18580] =	vst v63  }
0xe1: {  	_ =	swait.ge [sflag:s0], $0xC000  }
0xe2: {  	[sflag:s0] =	ssyncset.done $0x0  }
0xe3: {  	s2 =	rddreg [dreg:$0x8];
	[sflag:s0] =	ssyncadd.s32 $0xFFFF4000  }
0xe4: {  	[tilespmem:s1], [sflag:$0x1] =	stream.linear.gather [hbm4b:s2+s3], $0xC000, $0x38;
	[tilespmem:$0x18580] =	vst v63  }
0xe5: {  	_ =	swait.ge [sflag:s11], $0xC000  }
0xe6: {  	[sflag:s11] =	ssyncset.done $0x0  }
0xe7: {  	[sflag:s11] =	ssyncadd.s32 $0xFFFF4000  }
0xe8: {  	v4 =	vld [tilespmem:$0x400];
	_ =	sdelay $0x4  }
0xe9: {  	v5 =	vshrl.u32 v4, $0x3  }
0xea: {  	v5 =	vmul.u32 $0x30, v5  }
0xeb: {  	v4 =	vand.u32 $0x7, v4  }
0xec: {  	v4 =	vor.u32 v4, v5  }
0xed: {  	v5 =	vperm.xlane v4, v1;
	_ =	sdelay $0x1  }
0xee: {  	v5 =	vadd.s32 v2, v5;
	_ =	sdelay $0x3  }
0xef: {  	s2 =	simm.s32 $0xC580;
	v4 =	vperm.xlane v4, v3  }
0xf0: {  	[hbm4b:s4+s3] =	stream.indirect_vreg.scatter [tilespmem:s2], [sflag:$0x4], $0x80, v5, vm0, $0xb8;
	[tilespmem:$0x18580] =	vst v63  }
0xf1: {  	s23 =	simm.s32 $0xCD80;
	v4 =	vadd.s32 v2, v4  }
0xf2: {  	[hbm4b:s6+s3] =	stream.indirect_vreg.scatter [tilespmem:s23], [sflag:$0x4], $0x80, v5, vm0, $0xb8;
	[tilespmem:$0x18580] =	vst v63  }
0xf3: {  	s24 =	simm.s32 $0xD580  }
0xf4: {  	[hbm4b:s7+s3] =	stream.indirect_vreg.scatter [tilespmem:s24], [sflag:$0x4], $0x80, v5, vm0, $0xb8;
	[tilespmem:$0x18580] =	vst v63  }
0xf5: {  	_ = 	snop  }
0xf6: {  	[hbm4b:s4+s3] =	stream.indirect_vreg.scatter [tilespmem:s9], [sflag:$0x4], $0x80, v4, vm0, $0xb8;
	[tilespmem:$0x18580] =	vst v63  }
0xf7: {  	_ = 	snop  }
0xf8: {  	[hbm4b:s6+s3] =	stream.indirect_vreg.scatter [tilespmem:s10], [sflag:$0x4], $0x80, v4, vm0, $0xb8;
	[tilespmem:$0x18580] =	vst v63  }
0xf9: {  	_ = 	snop  }
0xfa: {  	[hbm4b:s7+s3] =	stream.indirect_vreg.scatter [tilespmem:s13], [sflag:$0x4], $0x80, v4, vm0, $0xb8;
	[tilespmem:$0x18580] =	vst v63  }
0xfb: {  	v4 =	vld [tilespmem:$0x410];
	_ =	sdelay $0x4  }
0xfc: {  	v5 =	vshrl.u32 v4, $0x3  }
0xfd: {  	v5 =	vmul.u32 $0x30, v5  }
0xfe: {  	v4 =	vand.u32 $0x7, v4  }
0xff: {  	v4 =	vor.u32 v4, v5  }
0x100: {  	v5 =	vperm.xlane v4, v1;
	_ =	sdelay $0x1  }
0x101: {  	v5 =	vadd.s32 v2, v5;
	_ =	sdelay $0x3  }
0x102: {  	v4 =	vperm.xlane v4, v3  }
0x103: {  	[hbm4b:s4+s3] =	stream.indirect_vreg.scatter [tilespmem:s14], [sflag:$0x4], $0x80, v5, vm0, $0xb8;
	[tilespmem:$0x18580] =	vst v63  }
0x104: {  	v4 =	vadd.s32 v2, v4  }
0x105: {  	[hbm4b:s6+s3] =	stream.indirect_vreg.scatter [tilespmem:s15], [sflag:$0x4], $0x80, v5, vm0, $0xb8;
	[tilespmem:$0x18580] =	vst v63  }
0x106: {  	_ = 	snop  }
0x107: {  	[hbm4b:s7+s3] =	stream.indirect_vreg.scatter [tilespmem:s17], [sflag:$0x4], $0x80, v5, vm0, $0xb8;
	[tilespmem:$0x18580] =	vst v63  }
0x108: {  	_ = 	snop  }
0x109: {  	[hbm4b:s4+s3] =	stream.indirect_vreg.scatter [tilespmem:s18], [sflag:$0x4], $0x80, v4, vm0, $0xb8;
	[tilespmem:$0x18580] =	vst v63  }
0x10a: {  	_ = 	snop  }
0x10b: {  	[hbm4b:s6+s3] =	stream.indirect_vreg.scatter [tilespmem:s19], [sflag:$0x4], $0x80, v4, vm0, $0xb8;
	[tilespmem:$0x18580] =	vst v63  }
0x10c: {  	_ = 	snop  }
0x10d: {  	[hbm4b:s7+s3] =	stream.indirect_vreg.scatter [tilespmem:s20], [sflag:$0x4], $0x80, v4, vm0, $0xb8;
	[tilespmem:$0x18580] =	vst v63  }
0x10e: {  	v4 =	vld [tilespmem:$0x420];
	_ =	sdelay $0x4  }
0x10f: {  	v5 =	vshrl.u32 v4, $0x3  }
0x110: {  	v5 =	vmul.u32 $0x30, v5  }
0x111: {  	v4 =	vand.u32 $0x7, v4  }
0x112: {  	v4 =	vor.u32 v4, v5  }
0x113: {  	v5 =	vperm.xlane v4, v1;
	_ =	sdelay $0x1  }
0x114: {  	v5 =	vadd.s32 v2, v5;
	_ =	sdelay $0x3  }
0x115: {  	v4 =	vperm.xlane v4, v3  }
0x116: {  	[hbm4b:s4+s3] =	stream.indirect_vreg.scatter [tilespmem:s21], [sflag:$0x4], $0x80, v5, vm0, $0xb8;
	[tilespmem:$0x18580] =	vst v63  }
0x117: {  	v4 =	vadd.s32 v2, v4  }
0x118: {  	[hbm4b:s6+s3] =	stream.indirect_vreg.scatter [tilespmem:s22], [sflag:$0x4], $0x80, v5, vm0, $0xb8;
	[tilespmem:$0x18580] =	vst v63  }
0x119: {  	s24 =	simm.s32 $0x13580  }
0x11a: {  	[hbm4b:s7+s3] =	stream.indirect_vreg.scatter [tilespmem:s24], [sflag:$0x4], $0x80, v5, vm0, $0xb8;
	[tilespmem:$0x18580] =	vst v63  }
0x11b: {  	_ = 	snop  }
0x11c: {  	[hbm4b:s4+s3] =	stream.indirect_vreg.scatter [tilespmem:s25], [sflag:$0x4], $0x80, v4, vm0, $0xb8;
	[tilespmem:$0x18580] =	vst v63  }
0x11d: {  	_ = 	snop  }
0x11e: {  	[hbm4b:s6+s3] =	stream.indirect_vreg.scatter [tilespmem:s26], [sflag:$0x4], $0x80, v4, vm0, $0xb8;
	[tilespmem:$0x18580] =	vst v63  }
0x11f: {  	_ = 	snop  }
0x120: {  	[hbm4b:s7+s3] =	stream.indirect_vreg.scatter [tilespmem:s28], [sflag:$0x4], $0x80, v4, vm0, $0xb8;
	[tilespmem:$0x18580] =	vst v63  }
0x121: {  	v4 =	vld [tilespmem:$0x430];
	_ =	sdelay $0x4  }
0x122: {  	v5 =	vshrl.u32 v4, $0x3  }
0x123: {  	v5 =	vmul.u32 $0x30, v5  }
0x124: {  	v4 =	vand.u32 $0x7, v4  }
0x125: {  	v4 =	vor.u32 v4, v5  }
0x126: {  	v5 =	vperm.xlane v4, v1;
	_ =	sdelay $0x1  }
0x127: {  	v5 =	vadd.s32 v2, v5;
	_ =	sdelay $0x3  }
0x128: {  	v4 =	vperm.xlane v4, v3  }
0x129: {  	[hbm4b:s4+s3] =	stream.indirect_vreg.scatter [tilespmem:s29], [sflag:$0x4], $0x80, v5, vm0, $0xb8;
	[tilespmem:$0x18580] =	vst v63  }
0x12a: {  	v4 =	vadd.s32 v2, v4  }
0x12b: {  	[hbm4b:s6+s3] =	stream.indirect_vreg.scatter [tilespmem:s30], [sflag:$0x4], $0x80, v5, vm0, $0xb8;
	[tilespmem:$0x18580] =	vst v63  }
0x12c: {  	_ = 	snop  }
0x12d: {  	[hbm4b:s7+s3] =	stream.indirect_vreg.scatter [tilespmem:s31], [sflag:$0x4], $0x80, v5, vm0, $0xb8;
	[tilespmem:$0x18580] =	vst v63  }
0x12e: {  	s23 =	simm.s32 $0x16D80  }
0x12f: {  	[hbm4b:s4+s3] =	stream.indirect_vreg.scatter [tilespmem:s23], [sflag:$0x4], $0x80, v4, vm0, $0xb8;
	[tilespmem:$0x18580] =	vst v63  }
0x130: {  	s23 =	simm.s32 $0x17580  }
0x131: {  	[hbm4b:s6+s3] =	stream.indirect_vreg.scatter [tilespmem:s23], [sflag:$0x4], $0x80, v4, vm0, $0xb8;
	[tilespmem:$0x18580] =	vst v63  }
0x132: {  	s1 =	simm.s32 $0x4;
	s23 =	simm.s32 $0x17D80  }
0x133: {  	[hbm4b:s7+s3] =	stream.indirect_vreg.scatter [tilespmem:s23], [sflag:$0x4], $0x80, v4, vm0, $0xb8;
	[tilespmem:$0x18580] =	vst v63  }
0x134: {  	_ =	swait.ge [sflag:s1], $0xC000  }
0x135: {  	[sflag:s1] =	ssyncset.done $0x0  }
0x136: {  	s23 =	rddreg [dreg:$0x9];
	[sflag:s1] =	ssyncadd.s32 $0xFFFF4000  }
0x137: {  	[tilespmem:s2], [sflag:$0x2] =	stream.linear.gather [hbm4b:s23+s3], $0xC000, $0x38;
	[tilespmem:$0x18580] =	vst v63  }
0x138: {  	_ =	swait.ge [sflag:s16], $0xC000  }
0x139: {  	[sflag:s16] =	ssyncset.done $0x0  }
0x13a: {  	[sflag:s16] =	ssyncadd.s32 $0xFFFF4000  }
0x13b: {  	v4 =	vld [tilespmem:$0x480];
	_ =	sdelay $0x4  }
0x13c: {  	v5 =	vshrl.u32 v4, $0x3  }
0x13d: {  	v5 =	vmul.u32 $0x30, v5  }
0x13e: {  	v4 =	vand.u32 $0x7, v4  }
0x13f: {  	v4 =	vor.u32 v4, v5  }
0x140: {  	v5 =	vperm.xlane v4, v1;
	_ =	sdelay $0x1  }
0x141: {  	v5 =	vadd.s32 v2, v5;
	_ =	sdelay $0x3  }
0x142: {  	s2 =	simm.s32 $0x580;
	v4 =	vperm.xlane v4, v3  }
0x143: {  	[hbm4b:s4+s3] =	stream.indirect_vreg.scatter [tilespmem:s2], [sflag:$0x3], $0x80, v5, vm0, $0xb8;
	[tilespmem:$0x18580] =	vst v63  }
0x144: {  	v4 =	vadd.s32 v2, v4;
	s2 =	simm.s32 $0xD80  }
0x145: {  	[hbm4b:s6+s3] =	stream.indirect_vreg.scatter [tilespmem:s2], [sflag:$0x3], $0x80, v5, vm0, $0xb8;
	[tilespmem:$0x18580] =	vst v63  }
0x146: {  	s2 =	simm.s32 $0x1580  }
0x147: {  	[hbm4b:s7+s3] =	stream.indirect_vreg.scatter [tilespmem:s2], [sflag:$0x3], $0x80, v5, vm0, $0xb8;
	[tilespmem:$0x18580] =	vst v63  }
0x148: {  	s2 =	simm.s32 $0x1D80  }
0x149: {  	[hbm4b:s4+s3] =	stream.indirect_vreg.scatter [tilespmem:s2], [sflag:$0x3], $0x80, v4, vm0, $0xb8;
	[tilespmem:$0x18580] =	vst v63  }
0x14a: {  	s2 =	simm.s32 $0x2580  }
0x14b: {  	[hbm4b:s6+s3] =	stream.indirect_vreg.scatter [tilespmem:s2], [sflag:$0x3], $0x80, v4, vm0, $0xb8;
	[tilespmem:$0x18580] =	vst v63  }
0x14c: {  	s2 =	simm.s32 $0x2D80  }
0x14d: {  	[hbm4b:s7+s3] =	stream.indirect_vreg.scatter [tilespmem:s2], [sflag:$0x3], $0x80, v4, vm0, $0xb8;
	[tilespmem:$0x18580] =	vst v63  }
0x14e: {  	v4 =	vld [tilespmem:$0x490];
	_ =	sdelay $0x4  }
0x14f: {  	v5 =	vshrl.u32 v4, $0x3  }
0x150: {  	v5 =	vmul.u32 $0x30, v5  }
0x151: {  	v4 =	vand.u32 $0x7, v4  }
0x152: {  	v4 =	vor.u32 v4, v5  }
0x153: {  	v5 =	vperm.xlane v4, v1;
	_ =	sdelay $0x1  }
0x154: {  	v5 =	vadd.s32 v2, v5;
	_ =	sdelay $0x3  }
0x155: {  	s2 =	simm.s32 $0x3580;
	v4 =	vperm.xlane v4, v3  }
0x156: {  	[hbm4b:s4+s3] =	stream.indirect_vreg.scatter [tilespmem:s2], [sflag:$0x3], $0x80, v5, vm0, $0xb8;
	[tilespmem:$0x18580] =	vst v63  }
0x157: {  	v4 =	vadd.s32 v2, v4;
	s2 =	simm.s32 $0x3D80  }
0x158: {  	[hbm4b:s6+s3] =	stream.indirect_vreg.scatter [tilespmem:s2], [sflag:$0x3], $0x80, v5, vm0, $0xb8;
	[tilespmem:$0x18580] =	vst v63  }
0x159: {  	s2 =	simm.s32 $0x4580  }
0x15a: {  	[hbm4b:s7+s3] =	stream.indirect_vreg.scatter [tilespmem:s2], [sflag:$0x3], $0x80, v5, vm0, $0xb8;
	[tilespmem:$0x18580] =	vst v63  }
0x15b: {  	s2 =	simm.s32 $0x4D80  }
0x15c: {  	[hbm4b:s4+s3] =	stream.indirect_vreg.scatter [tilespmem:s2], [sflag:$0x3], $0x80, v4, vm0, $0xb8;
	[tilespmem:$0x18580] =	vst v63  }
0x15d: {  	s2 =	simm.s32 $0x5580  }
0x15e: {  	[hbm4b:s6+s3] =	stream.indirect_vreg.scatter [tilespmem:s2], [sflag:$0x3], $0x80, v4, vm0, $0xb8;
	[tilespmem:$0x18580] =	vst v63  }
0x15f: {  	s2 =	simm.s32 $0x5D80  }
0x160: {  	[hbm4b:s7+s3] =	stream.indirect_vreg.scatter [tilespmem:s2], [sflag:$0x3], $0x80, v4, vm0, $0xb8;
	[tilespmem:$0x18580] =	vst v63  }
0x161: {  	v4 =	vld [tilespmem:$0x4A0];
	_ =	sdelay $0x4  }
0x162: {  	v5 =	vshrl.u32 v4, $0x3  }
0x163: {  	v5 =	vmul.u32 $0x30, v5  }
0x164: {  	v4 =	vand.u32 $0x7, v4  }
0x165: {  	v4 =	vor.u32 v4, v5  }
0x166: {  	v5 =	vperm.xlane v4, v1;
	_ =	sdelay $0x1  }
0x167: {  	v5 =	vadd.s32 v2, v5;
	_ =	sdelay $0x3  }
0x168: {  	s2 =	simm.s32 $0x6580;
	v4 =	vperm.xlane v4, v3  }
0x169: {  	[hbm4b:s4+s3] =	stream.indirect_vreg.scatter [tilespmem:s2], [sflag:$0x3], $0x80, v5, vm0, $0xb8;
	[tilespmem:$0x18580] =	vst v63  }
0x16a: {  	v4 =	vadd.s32 v2, v4;
	s2 =	simm.s32 $0x6D80  }
0x16b: {  	[hbm4b:s6+s3] =	stream.indirect_vreg.scatter [tilespmem:s2], [sflag:$0x3], $0x80, v5, vm0, $0xb8;
	[tilespmem:$0x18580] =	vst v63  }
0x16c: {  	s2 =	simm.s32 $0x7580  }
0x16d: {  	[hbm4b:s7+s3] =	stream.indirect_vreg.scatter [tilespmem:s2], [sflag:$0x3], $0x80, v5, vm0, $0xb8;
	[tilespmem:$0x18580] =	vst v63  }
0x16e: {  	s2 =	simm.s32 $0x7D80  }
0x16f: {  	[hbm4b:s4+s3] =	stream.indirect_vreg.scatter [tilespmem:s2], [sflag:$0x3], $0x80, v4, vm0, $0xb8;
	[tilespmem:$0x18580] =	vst v63  }
0x170: {  	s2 =	simm.s32 $0x8580  }
0x171: {  	[hbm4b:s6+s3] =	stream.indirect_vreg.scatter [tilespmem:s2], [sflag:$0x3], $0x80, v4, vm0, $0xb8;
	[tilespmem:$0x18580] =	vst v63  }
0x172: {  	s2 =	simm.s32 $0x8D80  }
0x173: {  	[hbm4b:s7+s3] =	stream.indirect_vreg.scatter [tilespmem:s2], [sflag:$0x3], $0x80, v4, vm0, $0xb8;
	[tilespmem:$0x18580] =	vst v63  }
0x174: {  	v4 =	vld [tilespmem:$0x4B0];
	_ =	sdelay $0x4  }
0x175: {  	v5 =	vshrl.u32 v4, $0x3  }
0x176: {  	v5 =	vmul.u32 $0x30, v5  }
0x177: {  	v4 =	vand.u32 $0x7, v4  }
0x178: {  	v4 =	vor.u32 v4, v5  }
0x179: {  	v5 =	vperm.xlane v4, v1;
	_ =	sdelay $0x1  }
0x17a: {  	v5 =	vadd.s32 v2, v5;
	_ =	sdelay $0x3  }
0x17b: {  	s2 =	simm.s32 $0x9580;
	v4 =	vperm.xlane v4, v3  }
0x17c: {  	[hbm4b:s4+s3] =	stream.indirect_vreg.scatter [tilespmem:s2], [sflag:$0x3], $0x80, v5, vm0, $0xb8;
	[tilespmem:$0x18580] =	vst v63  }
0x17d: {  	v4 =	vadd.s32 v2, v4;
	s2 =	simm.s32 $0x9D80  }
0x17e: {  	[hbm4b:s6+s3] =	stream.indirect_vreg.scatter [tilespmem:s2], [sflag:$0x3], $0x80, v5, vm0, $0xb8;
	[tilespmem:$0x18580] =	vst v63  }
0x17f: {  	s2 =	simm.s32 $0xA580  }
0x180: {  	[hbm4b:s7+s3] =	stream.indirect_vreg.scatter [tilespmem:s2], [sflag:$0x3], $0x80, v5, vm0, $0xb8;
	[tilespmem:$0x18580] =	vst v63  }
0x181: {  	s2 =	simm.s32 $0xAD80  }
0x182: {  	[hbm4b:s4+s3] =	stream.indirect_vreg.scatter [tilespmem:s2], [sflag:$0x3], $0x80, v4, vm0, $0xb8;
	[tilespmem:$0x18580] =	vst v63  }
0x183: {  	s2 =	simm.s32 $0xB580  }
0x184: {  	[hbm4b:s6+s3] =	stream.indirect_vreg.scatter [tilespmem:s2], [sflag:$0x3], $0x80, v4, vm0, $0xb8;
	[tilespmem:$0x18580] =	vst v63  }
0x185: {  	s2 =	simm.s32 $0xBD80  }
0x186: {  	[hbm4b:s7+s3] =	stream.indirect_vreg.scatter [tilespmem:s2], [sflag:$0x3], $0x80, v4, vm0, $0xb8;
	[tilespmem:$0x18580] =	vst v63  }
0x187: {  	_ =	swait.ge [sflag:s11], $0xC000  }
0x188: {  	[sflag:s11] =	ssyncset.done $0x0  }
0x189: {  	[sflag:s11] =	ssyncadd.s32 $0xFFFF4000  }
0x18a: {  	v4 =	vld [tilespmem:$0x500];
	_ =	sdelay $0x4  }
0x18b: {  	v5 =	vshrl.u32 v4, $0x3  }
0x18c: {  	v5 =	vmul.u32 $0x30, v5  }
0x18d: {  	v4 =	vand.u32 $0x7, v4  }
0x18e: {  	v4 =	vor.u32 v4, v5  }
0x18f: {  	v5 =	vperm.xlane v4, v1;
	_ =	sdelay $0x1  }
0x190: {  	v5 =	vadd.s32 v2, v5;
	_ =	sdelay $0x3  }
0x191: {  	s23 =	simm.s32 $0xC580;
	v4 =	vperm.xlane v4, v3  }
0x192: {  	[hbm4b:s4+s3] =	stream.indirect_vreg.scatter [tilespmem:s23], [sflag:$0x4], $0x80, v5, vm0, $0xb8;
	[tilespmem:$0x18580] =	vst v63  }
0x193: {  	v4 =	vadd.s32 v2, v4;
	s23 =	simm.s32 $0xCD80  }
0x194: {  	[hbm4b:s6+s3] =	stream.indirect_vreg.scatter [tilespmem:s23], [sflag:$0x4], $0x80, v5, vm0, $0xb8;
	[tilespmem:$0x18580] =	vst v63  }
0x195: {  	s23 =	simm.s32 $0xD580  }
0x196: {  	[hbm4b:s7+s3] =	stream.indirect_vreg.scatter [tilespmem:s23], [sflag:$0x4], $0x80, v5, vm0, $0xb8;
	[tilespmem:$0x18580] =	vst v63  }
0x197: {  	_ = 	snop  }
0x198: {  	[hbm4b:s4+s3] =	stream.indirect_vreg.scatter [tilespmem:s9], [sflag:$0x4], $0x80, v4, vm0, $0xb8;
	[tilespmem:$0x18580] =	vst v63  }
0x199: {  	_ = 	snop  }
0x19a: {  	[hbm4b:s6+s3] =	stream.indirect_vreg.scatter [tilespmem:s10], [sflag:$0x4], $0x80, v4, vm0, $0xb8;
	[tilespmem:$0x18580] =	vst v63  }
0x19b: {  	_ = 	snop  }
0x19c: {  	[hbm4b:s7+s3] =	stream.indirect_vreg.scatter [tilespmem:s13], [sflag:$0x4], $0x80, v4, vm0, $0xb8;
	[tilespmem:$0x18580] =	vst v63  }
0x19d: {  	v4 =	vld [tilespmem:$0x510];
	_ =	sdelay $0x4  }
0x19e: {  	v5 =	vshrl.u32 v4, $0x3  }
0x19f: {  	v5 =	vmul.u32 $0x30, v5  }
0x1a0: {  	v4 =	vand.u32 $0x7, v4  }
0x1a1: {  	v4 =	vor.u32 v4, v5  }
0x1a2: {  	v5 =	vperm.xlane v4, v1;
	_ =	sdelay $0x1  }
0x1a3: {  	v5 =	vadd.s32 v2, v5;
	_ =	sdelay $0x3  }
0x1a4: {  	v4 =	vperm.xlane v4, v3  }
0x1a5: {  	[hbm4b:s4+s3] =	stream.indirect_vreg.scatter [tilespmem:s14], [sflag:$0x4], $0x80, v5, vm0, $0xb8;
	[tilespmem:$0x18580] =	vst v63  }
0x1a6: {  	v4 =	vadd.s32 v2, v4  }
0x1a7: {  	[hbm4b:s6+s3] =	stream.indirect_vreg.scatter [tilespmem:s15], [sflag:$0x4], $0x80, v5, vm0, $0xb8;
	[tilespmem:$0x18580] =	vst v63  }
0x1a8: {  	_ = 	snop  }
0x1a9: {  	[hbm4b:s7+s3] =	stream.indirect_vreg.scatter [tilespmem:s17], [sflag:$0x4], $0x80, v5, vm0, $0xb8;
	[tilespmem:$0x18580] =	vst v63  }
0x1aa: {  	_ = 	snop  }
0x1ab: {  	[hbm4b:s4+s3] =	stream.indirect_vreg.scatter [tilespmem:s18], [sflag:$0x4], $0x80, v4, vm0, $0xb8;
	[tilespmem:$0x18580] =	vst v63  }
0x1ac: {  	_ = 	snop  }
0x1ad: {  	[hbm4b:s6+s3] =	stream.indirect_vreg.scatter [tilespmem:s19], [sflag:$0x4], $0x80, v4, vm0, $0xb8;
	[tilespmem:$0x18580] =	vst v63  }
0x1ae: {  	_ = 	snop  }
0x1af: {  	[hbm4b:s7+s3] =	stream.indirect_vreg.scatter [tilespmem:s20], [sflag:$0x4], $0x80, v4, vm0, $0xb8;
	[tilespmem:$0x18580] =	vst v63  }
0x1b0: {  	v4 =	vld [tilespmem:$0x520];
	_ =	sdelay $0x4  }
0x1b1: {  	v5 =	vshrl.u32 v4, $0x3  }
0x1b2: {  	v5 =	vmul.u32 $0x30, v5  }
0x1b3: {  	v4 =	vand.u32 $0x7, v4  }
0x1b4: {  	v4 =	vor.u32 v4, v5  }
0x1b5: {  	v5 =	vperm.xlane v4, v1;
	_ =	sdelay $0x1  }
0x1b6: {  	v5 =	vadd.s32 v2, v5;
	_ =	sdelay $0x3  }
0x1b7: {  	v4 =	vperm.xlane v4, v3  }
0x1b8: {  	[hbm4b:s4+s3] =	stream.indirect_vreg.scatter [tilespmem:s21], [sflag:$0x4], $0x80, v5, vm0, $0xb8;
	[tilespmem:$0x18580] =	vst v63  }
0x1b9: {  	v4 =	vadd.s32 v2, v4  }
0x1ba: {  	[hbm4b:s6+s3] =	stream.indirect_vreg.scatter [tilespmem:s22], [sflag:$0x4], $0x80, v5, vm0, $0xb8;
	[tilespmem:$0x18580] =	vst v63  }
0x1bb: {  	_ = 	snop  }
0x1bc: {  	[hbm4b:s7+s3] =	stream.indirect_vreg.scatter [tilespmem:s24], [sflag:$0x4], $0x80, v5, vm0, $0xb8;
	[tilespmem:$0x18580] =	vst v63  }
0x1bd: {  	_ = 	snop  }
0x1be: {  	[hbm4b:s4+s3] =	stream.indirect_vreg.scatter [tilespmem:s25], [sflag:$0x4], $0x80, v4, vm0, $0xb8;
	[tilespmem:$0x18580] =	vst v63  }
0x1bf: {  	_ = 	snop  }
0x1c0: {  	[hbm4b:s6+s3] =	stream.indirect_vreg.scatter [tilespmem:s26], [sflag:$0x4], $0x80, v4, vm0, $0xb8;
	[tilespmem:$0x18580] =	vst v63  }
0x1c1: {  	_ = 	snop  }
0x1c2: {  	[hbm4b:s7+s3] =	stream.indirect_vreg.scatter [tilespmem:s28], [sflag:$0x4], $0x80, v4, vm0, $0xb8;
	[tilespmem:$0x18580] =	vst v63  }
0x1c3: {  	v4 =	vld [tilespmem:$0x530];
	_ =	sdelay $0x4  }
0x1c4: {  	v5 =	vshrl.u32 v4, $0x3  }
0x1c5: {  	v5 =	vmul.u32 $0x30, v5  }
0x1c6: {  	v4 =	vand.u32 $0x7, v4  }
0x1c7: {  	v4 =	vor.u32 v4, v5  }
0x1c8: {  	v5 =	vperm.xlane v4, v1;
	_ =	sdelay $0x1  }
0x1c9: {  	v5 =	vadd.s32 v2, v5;
	_ =	sdelay $0x3  }
0x1ca: {  	v4 =	vperm.xlane v4, v3  }
0x1cb: {  	[hbm4b:s4+s3] =	stream.indirect_vreg.scatter [tilespmem:s29], [sflag:$0x4], $0x80, v5, vm0, $0xb8;
	[tilespmem:$0x18580] =	vst v63  }
0x1cc: {  	v4 =	vadd.s32 v2, v4  }
0x1cd: {  	[hbm4b:s6+s3] =	stream.indirect_vreg.scatter [tilespmem:s30], [sflag:$0x4], $0x80, v5, vm0, $0xb8;
	[tilespmem:$0x18580] =	vst v63  }
0x1ce: {  	_ = 	snop  }
0x1cf: {  	[hbm4b:s7+s3] =	stream.indirect_vreg.scatter [tilespmem:s31], [sflag:$0x4], $0x80, v5, vm0, $0xb8;
	[tilespmem:$0x18580] =	vst v63  }
0x1d0: {  	s24 =	simm.s32 $0x16D80  }
0x1d1: {  	[hbm4b:s4+s3] =	stream.indirect_vreg.scatter [tilespmem:s24], [sflag:$0x4], $0x80, v4, vm0, $0xb8;
	[tilespmem:$0x18580] =	vst v63  }
0x1d2: {  	s23 =	simm.s32 $0x17580  }
0x1d3: {  	[hbm4b:s6+s3] =	stream.indirect_vreg.scatter [tilespmem:s23], [sflag:$0x4], $0x80, v4, vm0, $0xb8;
	[tilespmem:$0x18580] =	vst v63  }
0x1d4: {  	s24 =	simm.s32 $0x17D80  }
0x1d5: {  	[hbm4b:s7+s3] =	stream.indirect_vreg.scatter [tilespmem:s24], [sflag:$0x4], $0x80, v4, vm0, $0xb8;
	[tilespmem:$0x18580] =	vst v63  }
0x1d6: {  	p0 =	sne.s32 s8, $0x1;
	_ =	swait.ge [sflag:s0], $0xC000  }
.Ltmp0:
0x1d7: {  	[sflag:s0] =	ssyncset.done $0x0;
	(pc) =	sbr.rel @p0 .LBB2_1-.Ltmp0, $4  }
0x1d8: {  	[sflag:s0] =	ssyncadd.s32 $0xFFFF4000  }
0x1d9: {  	_ =	swait.ge [sflag:s1], $0xC000  }
0x1da: {  	[sflag:s1] =	ssyncset.done $0x0  }
0x1db: {  	s8 =	sadd.s32 $0xFFFFFFFF, s8;
	[sflag:s1] =	ssyncadd.s32 $0xFFFF4000  }
0x1dc: {  	_ =	sfence.sel $0x180000  }
0x1dd: {  	[bflag:$0x0] =	sbarrier.arrive $0xFFFF  }
0x1de: {  	_ =	strace $0x9000004A  }
0x1df: {  	s0 =	stileid.u32;
	[bflag:$0x2] =	sbarrier.arrive $0xFFFF  }
0x1e0: {  	p0 =	sne.s32 s0, $0x0;
	s0 =	rddreg [dreg:$0x3]  }
0x1e1: {  	s0 =	sadd.s32 @!p0 $0x100000, s0  }
0x1e2: {  	[sflag:s0] =	ssyncadd.tile.s32 @!p0 $0x1;
	_ =	shalt  }
.Lfunc_end2:
_tile_overlayer_lowered:
.L_overlay_start_2:
0x1e3: {  	(tag) =	ssettag $0x2  }
0x1e4: {  	s0 =	rddreg [dreg:$0x0];
	s2 =	stileid.u32  }
0x1e5: {  	s1 =	rddreg [dreg:$0x1];
	p0 =	sne.s32 s2, $0x0  }
0x1e6: {  	s3 =	rddreg [dreg:$0x2];
	[bflag:$0x3] =	sbarrier.arrive $0xFFFF;
	s2 =	simm.s32 @!p0 $0x1C05  }
0x1e7: {  	[timem:s3], [sflag:s2] =	dma.local @!p0 [hbm:s0], s1  }
0x1e8: {  	s0 =	simm.s32 @!p0 $0x5  }
0x1e9: {  	_ =	swait.ge @!p0 [sflag:s0], s1  }
0x1ea: {  	s1 =	ssub.s32 @!p0 $0x0, s1;
	[sflag:s0] =	ssyncset.done @!p0 $0x0  }
0x1eb: {  	[sflag:s0] =	ssyncadd.s32 @!p0 s1  }
0x1ec: {  	[bflag:$0x3] =	sbarrier.arrive $0xFFFF  }
0x1ed: {  	_ =	shalt  }

// kernel: kernel.9.cloned.1.call-start
scs
__scs_entry_jumppad:
0x0: {  	(pc) =	sbr.rel $0x88, $3  }
0x1: {  	(tag) =	ssettag $0x0;
	lr =	simm.s32 $0x1  }
0x2: {  	[smem:$0x3F9A] =	sst lr;
	_ =	strace $0xD0000000  }
0x3: {  	_ = 	snop  }
0x4: {  	_ = 	snop  }
0x5: {  	_ = 	snop  }
0x6: {  	_ = 	snop  }
0x7: {  	_ = 	snop  }
__scs_overlays_trampoline_lowered:
0x8: {  	[smem:$0x3FA9] =	sst s0  }
0x9: {  	[smem:$0x3FAA] =	sst s1  }
0xa: {  	[smem:$0x3FAB] =	sst s2  }
0xb: {  	[smem:$0x3FAC] =	sst s3  }
0xc: {  	[smem:$0x3FAD] =	sst s4  }
0xd: {  	[smem:$0x3FAE] =	sst s5  }
0xe: {  	[smem:$0x3FAF] =	sst s6  }
0xf: {  	[smem:$0x3FB0] =	sst s7  }
0x10: {  	[smem:$0x3FB1] =	sst s8  }
0x11: {  	[smem:$0x3FB2] =	sst s9;
	s0 =	simm.s32 @!p0 $0x0  }
0x12: {  	s1 =	sld [smem:$0x3F98];
	s0 =	simm.s32 @p0 $0x1  }
0x13: {  	[smem:$0x3FB3] =	sst s0;
	s0 =	simm.s32 @!p1 $0x0  }
0x14: {  	s2 =	sld [smem:$0x3F97];
	s0 =	simm.s32 @p1 $0x1  }
0x15: {  	[smem:$0x3FB4] =	sst s0;
	s0 =	simm.s32 @!p2 $0x0  }
0x16: {  	s3 =	sld [smem:$0x3FDB];
	s0 =	simm.s32 @p2 $0x1  }
0x17: {  	s4 =	simm.s32 $0x1BF5;
	[smem:$0x3FB6] =	sst s0  }
0x18: {  	s0 =	sld [smem:$0x3F99];
	_ =	swait.ge [sflag:s4], $0x0  }
0x19: {  	s7 =	sld [smem:$0x3F9A]  }
0x1a: {  	s8 =	sadd.s32 $0xFFFFE003, lr  }
0x1b: {  	s9 =	sadd.s32 $0xFFFFFEF7, lr;
	s5 =	simm.s32 $0xFFFFFFFF;
	p2 =	slt.u32 s8, $0xFFFFF086  }
0x1c: {  	p1 =	slt.u32 s9, $0xF7A;
	s5 =	simm.s32 @!p2 $0x0  }
0x1d: {  	s5 =	simm.s32 @p1 $0x1;
	p0 =	seq.s32 s7, s2  }
0x1e: {  	s7 =	smul.u32 @!p0 $0xF7A, s2;
	p2 =	seq.s32 @!p0 s5, $0x0  }
0x1f: {  	s9 =	smul.u32 $0xF7A, s1;
	s8 =	simm.s32 @!p0 $0x1BF5;
	p2 =	por !p2, p0  }
0x20: {  	[sflag:s8] =	ssyncset.s32 @!p0 $0xFFFFF086;
	s6 =	sadd.s32 @!p0 s3, s7;
	s7 =	simm.s32 @!p0 $0x108  }
0x21: {  	s3 =	sadd.s32 s3, s9;
	s6 =	sadd.s32 @!p0 $0x88, s6;
	s7 =	simm.s32 @p2 $0x1082  }
0x22: {  	[simem:s7], [sflag:s8] =	dma.local @!p0 [hbm:s6], $0xF7A  }
0x23: {  	s9 =	sor.u32 $0xD0000000, s2;
	s6 =	simm.s32 $0x108;
	_ =	swait.ge @!p0 [sflag:s8], $0x0  }
0x24: {  	s3 =	sadd.s32 $0x88, s3;
	s6 =	simm.s32 @!p1 $0x1082;
	[sflag:s4] =	ssyncset.s32 $0xFFFFF086  }
0x25: {  	[simem:s6], [sflag:s4] =	dma.local [hbm:s3], $0xF7A  }
0x26: {  	[smem:$0x3F9A] =	sst s1;
	(tag) =	ssettag s2;
	_ =	strace s9  }
0x27: {  	s1 =	sld [smem:$0x3FAA]  }
0x28: {  	s2 =	sld [smem:$0x3FAB]  }
0x29: {  	s4 =	sld [smem:$0x3FAD]  }
0x2a: {  	p0 =	seq.s32 s5, $0x0;
	s5 =	sld [smem:$0x3FAE]  }
0x2b: {  	s6 =	sld [smem:$0x3FAF]  }
0x2c: {  	s7 =	sld [smem:$0x3FB0]  }
0x2d: {  	s3 =	simm.s32 $0x108;
	s8 =	sld [smem:$0x3FB1]  }
0x2e: {  	s3 =	simm.s32 @!p0 $0x1082;
	s9 =	sld [smem:$0x3FB2]  }
0x2f: {  	lr =	sadd.s32 s0, s3;
	s0 =	sld [smem:$0x3FA9]  }
0x30: {  	s3 =	sld [smem:$0x3FAC]  }
0x31: {  	[smem:$0x3FB5] =	sst s10  }
0x32: {  	s10 =	sld [smem:$0x3FB3];
	_ =	sdelay $0x3  }
0x33: {  	p0 =	seq.s32 s10, $0x1;
	s10 =	sld [smem:$0x3FB5];
	_ =	sdelay $0x3  }
0x34: {  	[smem:$0x3FB5] =	sst s10  }
0x35: {  	s10 =	sld [smem:$0x3FB4];
	_ =	sdelay $0x3  }
0x36: {  	p1 =	seq.s32 s10, $0x1;
	s10 =	sld [smem:$0x3FB5];
	_ =	sdelay $0x3  }
0x37: {  	[smem:$0x3FB5] =	sst s10  }
0x38: {  	s10 =	sld [smem:$0x3FB6]  }
0x39: {  	_ = 	snop;
	(pc) =	sbr.ind lr, $3  }
0x3a: {  	_ = 	snop  }
0x3b: {  	_ = 	snop  }
0x3c: {  	p2 =	seq.s32 s10, $0x1;
	s10 =	sld [smem:$0x3FB5]  }
0x3d: {  	_ =	shalt  }
0x3e: {  	_ =	shalt  }
0x3f: {  	_ =	shalt  }
0x40: {  	_ =	shalt  }
0x41: {  	_ =	shalt  }
0x42: {  	_ =	shalt  }
0x43: {  	_ =	shalt  }
0x44: {  	_ =	shalt  }
0x45: {  	_ =	shalt  }
0x46: {  	_ =	shalt  }
0x47: {  	_ =	shalt  }
0x48: {  	_ =	shalt  }
0x49: {  	_ =	shalt  }
0x4a: {  	_ =	shalt  }
0x4b: {  	_ =	shalt  }
0x4c: {  	_ =	shalt  }
0x4d: {  	_ =	shalt  }
0x4e: {  	_ =	shalt  }
0x4f: {  	_ =	shalt  }
0x50: {  	_ =	shalt  }
0x51: {  	_ =	shalt  }
0x52: {  	_ =	shalt  }
0x53: {  	_ =	shalt  }
0x54: {  	_ =	shalt  }
0x55: {  	_ =	shalt  }
0x56: {  	_ =	shalt  }
0x57: {  	_ =	shalt  }
0x58: {  	_ =	shalt  }
0x59: {  	_ =	shalt  }
0x5a: {  	_ =	shalt  }
0x5b: {  	_ =	shalt  }
0x5c: {  	_ =	shalt  }
0x5d: {  	_ =	shalt  }
0x5e: {  	_ =	shalt  }
0x5f: {  	_ =	shalt  }
0x60: {  	_ =	shalt  }
0x61: {  	_ =	shalt  }
0x62: {  	_ =	shalt  }
0x63: {  	_ =	shalt  }
0x64: {  	_ =	shalt  }
0x65: {  	_ =	shalt  }
0x66: {  	_ =	shalt  }
0x67: {  	_ =	shalt  }
0x68: {  	_ =	shalt  }
0x69: {  	_ =	shalt  }
0x6a: {  	_ =	shalt  }
0x6b: {  	_ =	shalt  }
0x6c: {  	_ =	shalt  }
0x6d: {  	_ =	shalt  }
0x6e: {  	_ =	shalt  }
0x6f: {  	_ =	shalt  }
0x70: {  	_ =	shalt  }
0x71: {  	_ =	shalt  }
0x72: {  	_ =	shalt  }
0x73: {  	_ =	shalt  }
0x74: {  	_ =	shalt  }
0x75: {  	_ =	shalt  }
0x76: {  	_ =	shalt  }
0x77: {  	_ =	shalt  }
0x78: {  	_ =	shalt  }
0x79: {  	_ =	shalt  }
0x7a: {  	_ =	shalt  }
0x7b: {  	_ =	shalt  }
0x7c: {  	_ =	shalt  }
0x7d: {  	_ =	shalt  }
0x7e: {  	_ =	shalt  }
0x7f: {  	_ =	shalt  }
0x80: {  	_ =	shalt  }
0x81: {  	_ =	shalt  }
0x82: {  	_ =	shalt  }
0x83: {  	_ =	shalt  }
0x84: {  	_ =	shalt  }
0x85: {  	_ =	shalt  }
0x86: {  	_ =	shalt  }
0x87: {  	_ =	shalt  }
.Lfunc_end0:
.L_simem_size_0:
called_computation.2_lowered:
.L_overlay_start_0:
0x88: {  	s2 =	sld [smem:$0x3FD9]  }
0x89: {  	s3 =	sld [smem:$0x3FFE];
	_ =	sdelay $0x1  }
0x8a: {  	s1 =	srdreg.scid  }
0x8b: {  	s0 =	sand.u32 $0x1, s1  }
0x8c: {  	s17 =	sshll.u32 s0, $0xA;
	s2 =	sadd.s32 s3, s2  }
0x8d: {  	s2 =	sadd.s32 s2, s17  }
0x8e: {  	[smem:$0x3FC1] =	sst s2  }
0x8f: {  	_ = 	snop  }
0x90: {  	s2 =	sld [smem:$0x3FD0];
	(tm) =	ssettm $0x1  }
0x91: {  	s18 =	sld [smem:$0x3FFB];
	_ =	sdelay $0x3  }
0x92: {  	_ =	strace s18  }
0x93: {  	s3 =	sld [smem:$0x3FFC];
	_ =	sdelay $0x3  }
0x94: {  	_ =	strace s3  }
0x95: {  	s3 =	sld [smem:$0x3FFD];
	_ =	sdelay $0x3  }
0x96: {  	_ =	strace s3  }
0x97: {  	_ =	strace $0x8FFFFFFF  }
0x98: {  	s19 =	sld [smem:$0x3FDB];
	_ =	sdelay $0x1  }
0x99: {  	s4 =	simm.s32 $_scs_section_size  }
0x9a: {  	s5 =	simm.s32 $_size__tile_overlayer_lowered;
	s6 =	simm.s32 $_tile_overlayer_lowered  }
0x9b: {  	s22 =	simm.s32 $0x1BFF;
	s21 =	sshll.u32 s6, $0x1;
	s3 =	sadd.s32 s4, s19  }
0x9c: {  	s7 =	simm.s32 $0x0;
	s20 =	sshll.u32 s5, $0x1;
	s5 =	sadd.s32 s21, s3  }
0x9d: {  	[timem:s7], [sflag:s22] =	dma.local [hbm:s5], s20  }
0x9e: {  	_ =	swait.ge [sflag:s22], s20  }
0x9f: {  	s4 =	ssub.s32 $0x0, s20;
	[sflag:s22] =	ssyncset.done $0x0  }
0xa0: {  	[sflag:s22] =	ssyncadd.s32 s4;
	_ =	sdelay $0x1  }
0xa1: {  	s23 =	simm.s32 $0x1B8B  }
0xa2: {  	_ =	swait.ge [sflag:s23], $0x1  }
0xa3: {  	[sflag:s23] =	ssyncset.done $0x0  }
0xa4: {  	s25 =	simm.s32 $0x1B8E;
	s24 =	sld [smem:$0x3FFE];
	[sflag:s23] =	ssyncadd.s32 $0xFFFFFFFF  }
0xa5: {  	s26 =	simm.s32 $execute0_lowered;
	[smem:$0x3FD2] =	sst s25  }
0xa6: {  	s5 =	sshll.u32 s26, $0x1;
	_ =	strace $0x8000004C;
	[dreg:$0x1] =	wrdreg $0xFFFFFFFF  }
0xa7: {  	s28 =	simm.s32 $_size_execute0_lowered;
	s3 =	sadd.s32 s3, s5;
	[dreg:$0x0] =	wrdreg $0x0  }
0xa8: {  	s5 =	sshll.u32 s28, $0x1;
	[dreg:$0x2] =	wrdreg s3  }
0xa9: {  	[dreg:$0x3] =	wrdreg s5  }
0xaa: {  	[dreg:$0x4] =	wrdreg $0xC0  }
0xab: {  	_ =	task [dreg:s7], $0x5FFFF  }
0xac: {  	[dreg:$0x1] =	wrdreg $0xFFFFFFFF  }
0xad: {  	[dreg:$0x0] =	wrdreg $0x60  }
0xae: {  	[dreg:$0x2] =	wrdreg s24  }
0xaf: {  	[dreg:$0x3] =	wrdreg s2  }
0xb0: {  	[dreg:$0x4] =	wrdreg $0x9  }
0xb1: {  	_ =	task.clear_ibuf [dreg:s7], $0x5FFFF;
	_ =	strace $0x9000004C  }
0xb2: {  	s29 =	simm.s32 $0x9;
	_ =	strace $0x8000004E  }
0xb3: {  	_ =	swait.ge [sflag:s29], $0x1  }
0xb4: {  	[sflag:s29] =	ssyncadd.s32 $0xFFFFFFFF  }
0xb5: {  	_ =	strace $0x9000004E  }
0xb6: {  	_ =	sfence  }
0xb7: {  	s30 =	sld [smem:$0x0];
	_ =	sdelay $0x2  }
0xb8: {  	s31 =	sshll.u32 s1, $0xD;
	s1 =	sshrl.u32 s1, $0x2  }
0xb9: {  	s3 =	sand.u32 $0x4000, s31;
	s1 =	sadd.s32 s1, s30  }
0xba: {  	s0 =	sor.u32 s3, s0;
	s1 =	sshll.u32 s1, $0x11  }
0xbb: {  	s0 =	sor.u32 s1, s0  }
0xbc: {  	s0 =	sadd.s32 $0x8F2B, s0  }
0xbd: {  	[sflag:s0] =	ssyncadd.remote.s32 $0x1  }
0xbe: {  	_ =	sfence.sel $0xFFFF  }
0xbf: {  	[dreg:$0x0] =	wrdreg $0xFFFFFFFF;
	(pc) =	sbr.abs _section_cstart, $3  }
0xc0: {  	[dreg:$0x1] =	wrdreg $0xFFFFFFFF  }
0xc1: {  	_ =	task.clear_ibuf [dreg:s7], $0x2FFFF;
	_ =	strace $0x9FFFFFFF  }
0xc2: {  	(tm) =	ssettm $0x7FFFFFFF  }
0xc3: {  	_ =	shalt  }
tec
execute0_lowered:
.L_overlay_start_1:
0x0: {  	(tag) =	ssettag $0x1  }
0x1: {  	s0 =	rddreg [dreg:$0x0]  }
0x2: {  	s1 =	rddreg [dreg:$0x1]  }
0x3: {  	s2 =	srdreg.scid;
	s3 =	stileid.u32;
	s24 =	simm.s32 $0x80  }
0x4: {  	s25 =	simm.s32 $0x100;
	s26 =	simm.s32 $0x180;
	s15 =	simm.s32 $0x1200  }
0x5: {  	s28 =	simm.s32 $0x7200;
	s29 =	simm.s32 $0x7A00;
	s30 =	simm.s32 $0x8200  }
0x6: {  	s31 =	simm.s32 $0x8A00;
	s11 =	simm.s32 $0xBA00;
	s12 =	simm.s32 $0xC200  }
0x7: {  	s4 =	sand.u32 $0x1, s2;
	s2 =	simm.s32 $0x0;
	s3 =	sshll.u32 s3, $0x6  }
0x8: {  	s6 =	sadd.s32 $0x180E00, s0;
	s5 =	sshll.u32 s4, $0x5;
	[smem:$0x7FF] =	sst s2  }
0x9: {  	s4 =	ssub.s32 $0x2, s4;
	_ =	strace $0x8000004D;
	[dreg:$0xb] =	wrdreg s24  }
0xa: {  	s5 =	sor.u32 s5, s3;
	s3 =	sadd.s32 $0x181200, s0;
	[dreg:$0xc] =	wrdreg s25  }
0xb: {  	s21 =	sshrl.u32 s4, $0x1;
	[dreg:$0xd] =	wrdreg s26;
	s24 =	simm.s32 $0x5A00  }
0xc: {  	s25 =	simm.s32 $0x6200;
	s26 =	simm.s32 $0x6A00;
	s7 =	sadd.s32 s6, s5  }
0xd: {  	s8 =	sor.u32 $0x8, s5;
	s17 =	sor.u32 $0x10, s5;
	s10 =	sor.u32 $0x18, s5  }
0xe: {  	s5 =	smul.u32 $0x300, s5;
	s23 =	ssub.s32 s4, s21;
	s4 =	sadd.s32 $0x181300, s0  }
0xf: {  	s21 =	simm.s32 $0x4200;
	s16 =	sadd.s32 s6, s8;
	s8 =	smul.u32 $0x300, s8  }
0x10: {  	[dreg:$0x3] =	wrdreg s7;
	s9 =	sadd.s32 s6, s17;
	s18 =	smul.u32 $0x300, s17  }
0x11: {  	s6 =	sadd.s32 s6, s10;
	s20 =	smul.u32 $0x300, s10;
	[dreg:$0x4] =	wrdreg s16  }
0x12: {  	s10 =	simm.s32 $0x5;
	s17 =	simm.s32 $0x2200;
	[dreg:$0x5] =	wrdreg s9  }
0x13: {  	[dreg:$0x6] =	wrdreg s6;
	s5 =	sadd.s32 s1, s5;
	s6 =	smax.u32 s23, $0x1  }
0x14: {  	s16 =	simm.s32 $0x1A00;
	[dreg:$0x7] =	wrdreg s5;
	s19 =	sadd.s32 s1, s8  }
0x15: {  	s23 =	simm.s32 $0x5200;
	s22 =	sadd.s32 s1, s18;
	[dreg:$0x8] =	wrdreg s19  }
0x16: {  	v2 =	vlaneseq.u32;
	s1 =	sadd.s32 s1, s20;
	s5 =	sadd.s32 $0x181400, s0;
	[dreg:$0x9] =	wrdreg s22  }
0x17: {  	vm0 =	vmmov $0xffff;
	v1 =	vshrl.u32 v2, $0x3;
	s18 =	simm.s32 $0x2A00;
	s20 =	simm.s32 $0x3A00;
	[dreg:$0xa] =	wrdreg s1  }
0x18: {  	v0 =	vand.u32 $0x7, v2;
	v2 =	vor.u32 $0x8, v2;
	v1 =	vmul.u32 $0x8, v1;
	s19 =	simm.s32 $0x3200;
	s22 =	simm.s32 $0x4A00;
	s1 =	simm.s32 $0x3  }
.LBB2_1:
0x19: {  	s13 =	rddreg [dreg:$0x3]  }
0x1a: {  	[tilespmem:s2], [sflag:$0x5] =	stream.linear.gather [hbm4b:s13+s2], $0x40, $0x38;
	[tilespmem:$0x18200] =	vst v63  }
0x1b: {  	_ =	swait.ge [sflag:s10], $0x40  }
0x1c: {  	s7 =	rddreg [dreg:$0x4];
	[sflag:s10] =	ssyncset.done $0x0  }
0x1d: {  	s14 =	rddreg [dreg:$0xb];
	[sflag:s10] =	ssyncadd.s32 $0xFFFFFFC0  }
0x1e: {  	[tilespmem:s14], [sflag:$0x5] =	stream.linear.gather [hbm4b:s7+s2], $0x40, $0x38;
	[tilespmem:$0x18200] =	vst v63  }
0x1f: {  	_ =	swait.ge [sflag:s10], $0x40  }
0x20: {  	s8 =	rddreg [dreg:$0x5];
	[sflag:s10] =	ssyncset.done $0x0  }
0x21: {  	s9 =	rddreg [dreg:$0xc];
	[sflag:s10] =	ssyncadd.s32 $0xFFFFFFC0  }
0x22: {  	[tilespmem:s9], [sflag:$0x5] =	stream.linear.gather [hbm4b:s8+s2], $0x40, $0x38;
	[tilespmem:$0x18200] =	vst v63  }
0x23: {  	_ =	swait.ge [sflag:s10], $0x40  }
0x24: {  	s0 =	rddreg [dreg:$0x6];
	[sflag:s10] =	ssyncset.done $0x0  }
0x25: {  	s7 =	rddreg [dreg:$0xd];
	[sflag:s10] =	ssyncadd.s32 $0xFFFFFFC0  }
0x26: {  	[tilespmem:s7], [sflag:$0x5] =	stream.linear.gather [hbm4b:s0+s2], $0x40, $0x38;
	[tilespmem:$0x18200] =	vst v63  }
0x27: {  	_ =	swait.ge [sflag:s10], $0x40  }
0x28: {  	[sflag:s10] =	ssyncset.done $0x0  }
0x29: {  	[sflag:s10] =	ssyncadd.s32 $0xFFFFFFC0  }
0x2a: {  	v3 =	vld [tilespmem:$0x0];
	_ =	sdelay $0x4  }
0x2b: {  	v4 =	vshrl.u32 v3, $0x3  }
0x2c: {  	v4 =	vmul.u32 $0x30, v4  }
0x2d: {  	v3 =	vand.u32 $0x7, v3  }
0x2e: {  	v3 =	vor.u32 v3, v4  }
0x2f: {  	v4 =	vperm.xlane v3, v0;
	_ =	sdelay $0x1  }
0x30: {  	v4 =	vadd.s32 v1, v4;
	_ =	sdelay $0x3  }
0x31: {  	s0 =	simm.s32 $0x200;
	v3 =	vperm.xlane v3, v2  }
0x32: {  	[tilespmem:s0], [sflag:$0x1] =	stream.indirect_vreg.gather [hbm4b:s3+s2], $0x80, v4, vm0, $0xb8;
	[tilespmem:$0x18200] =	vst v63  }
0x33: {  	s14 =	simm.s32 $0xA00;
	v3 =	vadd.s32 v1, v3  }
0x34: {  	[tilespmem:s14], [sflag:$0x1] =	stream.indirect_vreg.gather [hbm4b:s4+s2], $0x80, v4, vm0, $0xb8;
	[tilespmem:$0x18200] =	vst v63  }
0x35: {  	_ = 	snop  }
0x36: {  	[tilespmem:s15], [sflag:$0x1] =	stream.indirect_vreg.gather [hbm4b:s5+s2], $0x80, v4, vm0, $0xb8;
	[tilespmem:$0x18200] =	vst v63  }
0x37: {  	_ = 	snop  }
0x38: {  	[tilespmem:s16], [sflag:$0x1] =	stream.indirect_vreg.gather [hbm4b:s3+s2], $0x80, v3, vm0, $0xb8;
	[tilespmem:$0x18200] =	vst v63  }
0x39: {  	_ = 	snop  }
0x3a: {  	[tilespmem:s17], [sflag:$0x1] =	stream.indirect_vreg.gather [hbm4b:s4+s2], $0x80, v3, vm0, $0xb8;
	[tilespmem:$0x18200] =	vst v63  }
0x3b: {  	_ = 	snop  }
0x3c: {  	[tilespmem:s18], [sflag:$0x1] =	stream.indirect_vreg.gather [hbm4b:s5+s2], $0x80, v3, vm0, $0xb8;
	[tilespmem:$0x18200] =	vst v63  }
0x3d: {  	v3 =	vld [tilespmem:$0x10];
	_ =	sdelay $0x4  }
0x3e: {  	v49 =	vshrl.u32 v3, $0x3  }
0x3f: {  	v4 =	vmul.u32 $0x30, v49  }
0x40: {  	v3 =	vand.u32 $0x7, v3  }
0x41: {  	v3 =	vor.u32 v3, v4  }
0x42: {  	v4 =	vperm.xlane v3, v0;
	_ =	sdelay $0x1  }
0x43: {  	v4 =	vadd.s32 v1, v4;
	_ =	sdelay $0x3  }
0x44: {  	v3 =	vperm.xlane v3, v2  }
0x45: {  	[tilespmem:s19], [sflag:$0x1] =	stream.indirect_vreg.gather [hbm4b:s3+s2], $0x80, v4, vm0, $0xb8;
	[tilespmem:$0x18200] =	vst v63  }
0x46: {  	v3 =	vadd.s32 v1, v3  }
0x47: {  	[tilespmem:s20], [sflag:$0x1] =	stream.indirect_vreg.gather [hbm4b:s4+s2], $0x80, v4, vm0, $0xb8;
	[tilespmem:$0x18200] =	vst v63  }
0x48: {  	_ = 	snop  }
0x49: {  	[tilespmem:s21], [sflag:$0x1] =	stream.indirect_vreg.gather [hbm4b:s5+s2], $0x80, v4, vm0, $0xb8;
	[tilespmem:$0x18200] =	vst v63  }
0x4a: {  	_ = 	snop  }
0x4b: {  	[tilespmem:s22], [sflag:$0x1] =	stream.indirect_vreg.gather [hbm4b:s3+s2], $0x80, v3, vm0, $0xb8;
	[tilespmem:$0x18200] =	vst v63  }
0x4c: {  	_ = 	snop  }
0x4d: {  	[tilespmem:s23], [sflag:$0x1] =	stream.indirect_vreg.gather [hbm4b:s4+s2], $0x80, v3, vm0, $0xb8;
	[tilespmem:$0x18200] =	vst v63  }
0x4e: {  	_ = 	snop  }
0x4f: {  	[tilespmem:s24], [sflag:$0x1] =	stream.indirect_vreg.gather [hbm4b:s5+s2], $0x80, v3, vm0, $0xb8;
	[tilespmem:$0x18200] =	vst v63  }
0x50: {  	v3 =	vld [tilespmem:$0x20];
	_ =	sdelay $0x4  }
0x51: {  	v50 =	vshrl.u32 v3, $0x3  }
0x52: {  	v4 =	vmul.u32 $0x30, v50  }
0x53: {  	v3 =	vand.u32 $0x7, v3  }
0x54: {  	v3 =	vor.u32 v3, v4  }
0x55: {  	v4 =	vperm.xlane v3, v0;
	_ =	sdelay $0x1  }
0x56: {  	v4 =	vadd.s32 v1, v4;
	_ =	sdelay $0x3  }
0x57: {  	v3 =	vperm.xlane v3, v2  }
0x58: {  	[tilespmem:s25], [sflag:$0x1] =	stream.indirect_vreg.gather [hbm4b:s3+s2], $0x80, v4, vm0, $0xb8;
	[tilespmem:$0x18200] =	vst v63  }
0x59: {  	v3 =	vadd.s32 v1, v3  }
0x5a: {  	[tilespmem:s26], [sflag:$0x1] =	stream.indirect_vreg.gather [hbm4b:s4+s2], $0x80, v4, vm0, $0xb8;
	[tilespmem:$0x18200] =	vst v63  }
0x5b: {  	_ = 	snop  }
0x5c: {  	[tilespmem:s28], [sflag:$0x1] =	stream.indirect_vreg.gather [hbm4b:s5+s2], $0x80, v4, vm0, $0xb8;
	[tilespmem:$0x18200] =	vst v63  }
0x5d: {  	_ = 	snop  }
0x5e: {  	[tilespmem:s29], [sflag:$0x1] =	stream.indirect_vreg.gather [hbm4b:s3+s2], $0x80, v3, vm0, $0xb8;
	[tilespmem:$0x18200] =	vst v63  }
0x5f: {  	_ = 	snop  }
0x60: {  	[tilespmem:s30], [sflag:$0x1] =	stream.indirect_vreg.gather [hbm4b:s4+s2], $0x80, v3, vm0, $0xb8;
	[tilespmem:$0x18200] =	vst v63  }
0x61: {  	_ = 	snop  }
0x62: {  	[tilespmem:s31], [sflag:$0x1] =	stream.indirect_vreg.gather [hbm4b:s5+s2], $0x80, v3, vm0, $0xb8;
	[tilespmem:$0x18200] =	vst v63  }
0x63: {  	v3 =	vld [tilespmem:$0x30];
	_ =	sdelay $0x4  }
0x64: {  	v51 =	vshrl.u32 v3, $0x3  }
0x65: {  	v4 =	vmul.u32 $0x30, v51  }
0x66: {  	v3 =	vand.u32 $0x7, v3  }
0x67: {  	v3 =	vor.u32 v3, v4  }
0x68: {  	v4 =	vperm.xlane v3, v0;
	_ =	sdelay $0x1  }
0x69: {  	v4 =	vadd.s32 v1, v4;
	_ =	sdelay $0x3  }
0x6a: {  	s8 =	simm.s32 $0x9200;
	v3 =	vperm.xlane v3, v2  }
0x6b: {  	[tilespmem:s8], [sflag:$0x1] =	stream.indirect_vreg.gather [hbm4b:s3+s2], $0x80, v4, vm0, $0xb8;
	[tilespmem:$0x18200] =	vst v63  }
0x6c: {  	v3 =	vadd.s32 v1, v3;
	s8 =	simm.s32 $0x9A00  }
0x6d: {  	[tilespmem:s8], [sflag:$0x1] =	stream.indirect_vreg.gather [hbm4b:s4+s2], $0x80, v4, vm0, $0xb8;
	[tilespmem:$0x18200] =	vst v63  }
0x6e: {  	s9 =	simm.s32 $0xA200  }
0x6f: {  	[tilespmem:s9], [sflag:$0x1] =	stream.indirect_vreg.gather [hbm4b:s5+s2], $0x80, v4, vm0, $0xb8;
	[tilespmem:$0x18200] =	vst v63  }
0x70: {  	s9 =	simm.s32 $0xAA00  }
0x71: {  	[tilespmem:s9], [sflag:$0x1] =	stream.indirect_vreg.gather [hbm4b:s3+s2], $0x80, v3, vm0, $0xb8;
	[tilespmem:$0x18200] =	vst v63  }
0x72: {  	s13 =	simm.s32 $0xB200  }
0x73: {  	[tilespmem:s13], [sflag:$0x1] =	stream.indirect_vreg.gather [hbm4b:s4+s2], $0x80, v3, vm0, $0xb8;
	[tilespmem:$0x18200] =	vst v63  }
0x74: {  	_ = 	snop  }
0x75: {  	[tilespmem:s11], [sflag:$0x1] =	stream.indirect_vreg.gather [hbm4b:s5+s2], $0x80, v3, vm0, $0xb8;
	[tilespmem:$0x18200] =	vst v63  }
0x76: {  	v3 =	vld [tilespmem:$0x80];
	_ =	sdelay $0x4  }
0x77: {  	v52 =	vshrl.u32 v3, $0x3  }
0x78: {  	v4 =	vmul.u32 $0x30, v52  }
0x79: {  	v3 =	vand.u32 $0x7, v3  }
0x7a: {  	v3 =	vor.u32 v3, v4  }
0x7b: {  	v4 =	vperm.xlane v3, v0;
	_ =	sdelay $0x1  }
0x7c: {  	v4 =	vadd.s32 v1, v4;
	_ =	sdelay $0x3  }
0x7d: {  	v3 =	vperm.xlane v3, v2  }
0x7e: {  	[tilespmem:s12], [sflag:$0x2] =	stream.indirect_vreg.gather [hbm4b:s3+s2], $0x80, v4, vm0, $0xb8;
	[tilespmem:$0x18200] =	vst v63  }
0x7f: {  	s7 =	simm.s32 $0xCA00;
	v3 =	vadd.s32 v1, v3  }
0x80: {  	[tilespmem:s7], [sflag:$0x2] =	stream.indirect_vreg.gather [hbm4b:s4+s2], $0x80, v4, vm0, $0xb8;
	[tilespmem:$0x18200] =	vst v63  }
0x81: {  	s13 =	simm.s32 $0xD200  }
0x82: {  	[tilespmem:s13], [sflag:$0x2] =	stream.indirect_vreg.gather [hbm4b:s5+s2], $0x80, v4, vm0, $0xb8;
	[tilespmem:$0x18200] =	vst v63  }
0x83: {  	s7 =	simm.s32 $0xDA00  }
0x84: {  	[tilespmem:s7], [sflag:$0x2] =	stream.indirect_vreg.gather [hbm4b:s3+s2], $0x80, v3, vm0, $0xb8;
	[tilespmem:$0x18200] =	vst v63  }
0x85: {  	s13 =	simm.s32 $0xE200  }
0x86: {  	[tilespmem:s13], [sflag:$0x2] =	stream.indirect_vreg.gather [hbm4b:s4+s2], $0x80, v3, vm0, $0xb8;
	[tilespmem:$0x18200] =	vst v63  }
0x87: {  	s7 =	simm.s32 $0xEA00  }
0x88: {  	[tilespmem:s7], [sflag:$0x2] =	stream.indirect_vreg.gather [hbm4b:s5+s2], $0x80, v3, vm0, $0xb8;
	[tilespmem:$0x18200] =	vst v63  }
0x89: {  	v3 =	vld [tilespmem:$0x90];
	_ =	sdelay $0x4  }
0x8a: {  	v53 =	vshrl.u32 v3, $0x3  }
0x8b: {  	v4 =	vmul.u32 $0x30, v53  }
0x8c: {  	v3 =	vand.u32 $0x7, v3  }
0x8d: {  	v3 =	vor.u32 v3, v4  }
0x8e: {  	v4 =	vperm.xlane v3, v0;
	_ =	sdelay $0x1  }
0x8f: {  	v4 =	vadd.s32 v1, v4;
	_ =	sdelay $0x3  }
0x90: {  	s13 =	simm.s32 $0xF200;
	v3 =	vperm.xlane v3, v2  }
0x91: {  	[tilespmem:s13], [sflag:$0x2] =	stream.indirect_vreg.gather [hbm4b:s3+s2], $0x80, v4, vm0, $0xb8;
	[tilespmem:$0x18200] =	vst v63  }
0x92: {  	s7 =	simm.s32 $0xFA00;
	v3 =	vadd.s32 v1, v3  }
0x93: {  	[tilespmem:s7], [sflag:$0x2] =	stream.indirect_vreg.gather [hbm4b:s4+s2], $0x80, v4, vm0, $0xb8;
	[tilespmem:$0x18200] =	vst v63  }
0x94: {  	s13 =	simm.s32 $0x10200  }
0x95: {  	[tilespmem:s13], [sflag:$0x2] =	stream.indirect_vreg.gather [hbm4b:s5+s2], $0x80, v4, vm0, $0xb8;
	[tilespmem:$0x18200] =	vst v63  }
0x96: {  	s7 =	simm.s32 $0x10A00  }
0x97: {  	[tilespmem:s7], [sflag:$0x2] =	stream.indirect_vreg.gather [hbm4b:s3+s2], $0x80, v3, vm0, $0xb8;
	[tilespmem:$0x18200] =	vst v63  }
0x98: {  	s13 =	simm.s32 $0x11200  }
0x99: {  	[tilespmem:s13], [sflag:$0x2] =	stream.indirect_vreg.gather [hbm4b:s4+s2], $0x80, v3, vm0, $0xb8;
	[tilespmem:$0x18200] =	vst v63  }
0x9a: {  	s7 =	simm.s32 $0x11A00  }
0x9b: {  	[tilespmem:s7], [sflag:$0x2] =	stream.indirect_vreg.gather [hbm4b:s5+s2], $0x80, v3, vm0, $0xb8;
	[tilespmem:$0x18200] =	vst v63  }
0x9c: {  	v3 =	vld [tilespmem:$0xA0];
	_ =	sdelay $0x4  }
0x9d: {  	v54 =	vshrl.u32 v3, $0x3  }
0x9e: {  	v4 =	vmul.u32 $0x30, v54  }
0x9f: {  	v3 =	vand.u32 $0x7, v3  }
0xa0: {  	v3 =	vor.u32 v3, v4  }
0xa1: {  	v4 =	vperm.xlane v3, v0;
	_ =	sdelay $0x1  }
0xa2: {  	v4 =	vadd.s32 v1, v4;
	_ =	sdelay $0x3  }
0xa3: {  	s13 =	simm.s32 $0x12200;
	v3 =	vperm.xlane v3, v2  }
0xa4: {  	[tilespmem:s13], [sflag:$0x2] =	stream.indirect_vreg.gather [hbm4b:s3+s2], $0x80, v4, vm0, $0xb8;
	[tilespmem:$0x18200] =	vst v63  }
0xa5: {  	s7 =	simm.s32 $0x12A00;
	v3 =	vadd.s32 v1, v3  }
0xa6: {  	[tilespmem:s7], [sflag:$0x2] =	stream.indirect_vreg.gather [hbm4b:s4+s2], $0x80, v4, vm0, $0xb8;
	[tilespmem:$0x18200] =	vst v63  }
0xa7: {  	s13 =	simm.s32 $0x13200  }
0xa8: {  	[tilespmem:s13], [sflag:$0x2] =	stream.indirect_vreg.gather [hbm4b:s5+s2], $0x80, v4, vm0, $0xb8;
	[tilespmem:$0x18200] =	vst v63  }
0xa9: {  	s7 =	simm.s32 $0x13A00  }
0xaa: {  	[tilespmem:s7], [sflag:$0x2] =	stream.indirect_vreg.gather [hbm4b:s3+s2], $0x80, v3, vm0, $0xb8;
	[tilespmem:$0x18200] =	vst v63  }
0xab: {  	s13 =	simm.s32 $0x14200  }
0xac: {  	[tilespmem:s13], [sflag:$0x2] =	stream.indirect_vreg.gather [hbm4b:s4+s2], $0x80, v3, vm0, $0xb8;
	[tilespmem:$0x18200] =	vst v63  }
0xad: {  	s7 =	simm.s32 $0x14A00  }
0xae: {  	[tilespmem:s7], [sflag:$0x2] =	stream.indirect_vreg.gather [hbm4b:s5+s2], $0x80, v3, vm0, $0xb8;
	[tilespmem:$0x18200] =	vst v63  }
0xaf: {  	v3 =	vld [tilespmem:$0xB0];
	_ =	sdelay $0x4  }
0xb0: {  	v55 =	vshrl.u32 v3, $0x3  }
0xb1: {  	v4 =	vmul.u32 $0x30, v55  }
0xb2: {  	v3 =	vand.u32 $0x7, v3  }
0xb3: {  	v3 =	vor.u32 v3, v4  }
0xb4: {  	v4 =	vperm.xlane v3, v0;
	_ =	sdelay $0x1  }
0xb5: {  	v4 =	vadd.s32 v1, v4;
	_ =	sdelay $0x3  }
0xb6: {  	s13 =	simm.s32 $0x15200;
	v3 =	vperm.xlane v3, v2  }
0xb7: {  	[tilespmem:s13], [sflag:$0x2] =	stream.indirect_vreg.gather [hbm4b:s3+s2], $0x80, v4, vm0, $0xb8;
	[tilespmem:$0x18200] =	vst v63  }
0xb8: {  	s7 =	simm.s32 $0x15A00;
	v3 =	vadd.s32 v1, v3  }
0xb9: {  	[tilespmem:s7], [sflag:$0x2] =	stream.indirect_vreg.gather [hbm4b:s4+s2], $0x80, v4, vm0, $0xb8;
	[tilespmem:$0x18200] =	vst v63  }
0xba: {  	s13 =	simm.s32 $0x16200  }
0xbb: {  	[tilespmem:s13], [sflag:$0x2] =	stream.indirect_vreg.gather [hbm4b:s5+s2], $0x80, v4, vm0, $0xb8;
	[tilespmem:$0x18200] =	vst v63  }
0xbc: {  	s7 =	simm.s32 $0x16A00  }
0xbd: {  	[tilespmem:s7], [sflag:$0x2] =	stream.indirect_vreg.gather [hbm4b:s3+s2], $0x80, v3, vm0, $0xb8;
	[tilespmem:$0x18200] =	vst v63  }
0xbe: {  	s13 =	simm.s32 $0x17200  }
0xbf: {  	[tilespmem:s13], [sflag:$0x2] =	stream.indirect_vreg.gather [hbm4b:s4+s2], $0x80, v3, vm0, $0xb8;
	[tilespmem:$0x18200] =	vst v63  }
0xc0: {  	s0 =	simm.s32 $0x1;
	s7 =	simm.s32 $0x17A00  }
0xc1: {  	[tilespmem:s7], [sflag:$0x2] =	stream.indirect_vreg.gather [hbm4b:s5+s2], $0x80, v3, vm0, $0xb8;
	[tilespmem:$0x18200] =	vst v63  }
0xc2: {  	_ =	swait.ge [sflag:s0], $0xC000  }
0xc3: {  	[sflag:s0] =	ssyncset.done $0x0  }
0xc4: {  	s7 =	simm.s32 $0x200;
	s13 =	rddreg [dreg:$0x7];
	[sflag:s0] =	ssyncadd.s32 $0xFFFF4000  }
0xc5: {  	[hbm4b:s13+s2] =	stream.linear.scatter [tilespmem:s7], [sflag:$0x3], $0xC000, $0x38;
	[tilespmem:$0x18200] =	vst v63  }
0xc6: {  	_ =	swait.ge [sflag:s1], $0xC000  }
0xc7: {  	[sflag:s1] =	ssyncset.done $0x0  }
0xc8: {  	[sflag:s1] =	ssyncadd.s32 $0xFFFF4000  }
0xc9: {  	v3 =	vld [tilespmem:$0x100];
	_ =	sdelay $0x4  }
0xca: {  	v56 =	vshrl.u32 v3, $0x3  }
0xcb: {  	v4 =	vmul.u32 $0x30, v56  }
0xcc: {  	v3 =	vand.u32 $0x7, v3  }
0xcd: {  	v3 =	vor.u32 v3, v4  }
0xce: {  	v4 =	vperm.xlane v3, v0;
	_ =	sdelay $0x1  }
0xcf: {  	v4 =	vadd.s32 v1, v4;
	_ =	sdelay $0x3  }
0xd0: {  	v3 =	vperm.xlane v3, v2  }
0xd1: {  	[tilespmem:s7], [sflag:$0x1] =	stream.indirect_vreg.gather [hbm4b:s3+s2], $0x80, v4, vm0, $0xb8;
	[tilespmem:$0x18200] =	vst v63  }
0xd2: {  	v3 =	vadd.s32 v1, v3  }
0xd3: {  	[tilespmem:s14], [sflag:$0x1] =	stream.indirect_vreg.gather [hbm4b:s4+s2], $0x80, v4, vm0, $0xb8;
	[tilespmem:$0x18200] =	vst v63  }
0xd4: {  	_ = 	snop  }
0xd5: {  	[tilespmem:s15], [sflag:$0x1] =	stream.indirect_vreg.gather [hbm4b:s5+s2], $0x80, v4, vm0, $0xb8;
	[tilespmem:$0x18200] =	vst v63  }
0xd6: {  	_ = 	snop  }
0xd7: {  	[tilespmem:s16], [sflag:$0x1] =	stream.indirect_vreg.gather [hbm4b:s3+s2], $0x80, v3, vm0, $0xb8;
	[tilespmem:$0x18200] =	vst v63  }
0xd8: {  	_ = 	snop  }
0xd9: {  	[tilespmem:s17], [sflag:$0x1] =	stream.indirect_vreg.gather [hbm4b:s4+s2], $0x80, v3, vm0, $0xb8;
	[tilespmem:$0x18200] =	vst v63  }
0xda: {  	_ = 	snop  }
0xdb: {  	[tilespmem:s18], [sflag:$0x1] =	stream.indirect_vreg.gather [hbm4b:s5+s2], $0x80, v3, vm0, $0xb8;
	[tilespmem:$0x18200] =	vst v63  }
0xdc: {  	v3 =	vld [tilespmem:$0x110];
	_ =	sdelay $0x4  }
0xdd: {  	v57 =	vshrl.u32 v3, $0x3  }
0xde: {  	v4 =	vmul.u32 $0x30, v57  }
0xdf: {  	v3 =	vand.u32 $0x7, v3  }
0xe0: {  	v3 =	vor.u32 v3, v4  }
0xe1: {  	v4 =	vperm.xlane v3, v0;
	_ =	sdelay $0x1  }
0xe2: {  	v4 =	vadd.s32 v1, v4;
	_ =	sdelay $0x3  }
0xe3: {  	v3 =	vperm.xlane v3, v2  }
0xe4: {  	[tilespmem:s19], [sflag:$0x1] =	stream.indirect_vreg.gather [hbm4b:s3+s2], $0x80, v4, vm0, $0xb8;
	[tilespmem:$0x18200] =	vst v63  }
0xe5: {  	v3 =	vadd.s32 v1, v3  }
0xe6: {  	[tilespmem:s20], [sflag:$0x1] =	stream.indirect_vreg.gather [hbm4b:s4+s2], $0x80, v4, vm0, $0xb8;
	[tilespmem:$0x18200] =	vst v63  }
0xe7: {  	_ = 	snop  }
0xe8: {  	[tilespmem:s21], [sflag:$0x1] =	stream.indirect_vreg.gather [hbm4b:s5+s2], $0x80, v4, vm0, $0xb8;
	[tilespmem:$0x18200] =	vst v63  }
0xe9: {  	_ = 	snop  }
0xea: {  	[tilespmem:s22], [sflag:$0x1] =	stream.indirect_vreg.gather [hbm4b:s3+s2], $0x80, v3, vm0, $0xb8;
	[tilespmem:$0x18200] =	vst v63  }
0xeb: {  	_ = 	snop  }
0xec: {  	[tilespmem:s23], [sflag:$0x1] =	stream.indirect_vreg.gather [hbm4b:s4+s2], $0x80, v3, vm0, $0xb8;
	[tilespmem:$0x18200] =	vst v63  }
0xed: {  	_ = 	snop  }
0xee: {  	[tilespmem:s24], [sflag:$0x1] =	stream.indirect_vreg.gather [hbm4b:s5+s2], $0x80, v3, vm0, $0xb8;
	[tilespmem:$0x18200] =	vst v63  }
0xef: {  	v3 =	vld [tilespmem:$0x120];
	_ =	sdelay $0x4  }
0xf0: {  	v58 =	vshrl.u32 v3, $0x3  }
0xf1: {  	v4 =	vmul.u32 $0x30, v58  }
0xf2: {  	v3 =	vand.u32 $0x7, v3  }
0xf3: {  	v3 =	vor.u32 v3, v4  }
0xf4: {  	v4 =	vperm.xlane v3, v0;
	_ =	sdelay $0x1  }
0xf5: {  	v4 =	vadd.s32 v1, v4;
	_ =	sdelay $0x3  }
0xf6: {  	v3 =	vperm.xlane v3, v2  }
0xf7: {  	[tilespmem:s25], [sflag:$0x1] =	stream.indirect_vreg.gather [hbm4b:s3+s2], $0x80, v4, vm0, $0xb8;
	[tilespmem:$0x18200] =	vst v63  }
0xf8: {  	v3 =	vadd.s32 v1, v3  }
0xf9: {  	[tilespmem:s26], [sflag:$0x1] =	stream.indirect_vreg.gather [hbm4b:s4+s2], $0x80, v4, vm0, $0xb8;
	[tilespmem:$0x18200] =	vst v63  }
0xfa: {  	_ = 	snop  }
0xfb: {  	[tilespmem:s28], [sflag:$0x1] =	stream.indirect_vreg.gather [hbm4b:s5+s2], $0x80, v4, vm0, $0xb8;
	[tilespmem:$0x18200] =	vst v63  }
0xfc: {  	_ = 	snop  }
0xfd: {  	[tilespmem:s29], [sflag:$0x1] =	stream.indirect_vreg.gather [hbm4b:s3+s2], $0x80, v3, vm0, $0xb8;
	[tilespmem:$0x18200] =	vst v63  }
0xfe: {  	_ = 	snop  }
0xff: {  	[tilespmem:s30], [sflag:$0x1] =	stream.indirect_vreg.gather [hbm4b:s4+s2], $0x80, v3, vm0, $0xb8;
	[tilespmem:$0x18200] =	vst v63  }
0x100: {  	_ = 	snop  }
0x101: {  	[tilespmem:s31], [sflag:$0x1] =	stream.indirect_vreg.gather [hbm4b:s5+s2], $0x80, v3, vm0, $0xb8;
	[tilespmem:$0x18200] =	vst v63  }
0x102: {  	v3 =	vld [tilespmem:$0x130];
	_ =	sdelay $0x4  }
0x103: {  	v59 =	vshrl.u32 v3, $0x3  }
0x104: {  	v4 =	vmul.u32 $0x30, v59  }
0x105: {  	v3 =	vand.u32 $0x7, v3  }
0x106: {  	v3 =	vor.u32 v3, v4  }
0x107: {  	v4 =	vperm.xlane v3, v0;
	_ =	sdelay $0x1  }
0x108: {  	v4 =	vadd.s32 v1, v4;
	_ =	sdelay $0x3  }
0x109: {  	s13 =	simm.s32 $0x9200;
	v3 =	vperm.xlane v3, v2  }
0x10a: {  	[tilespmem:s13], [sflag:$0x1] =	stream.indirect_vreg.gather [hbm4b:s3+s2], $0x80, v4, vm0, $0xb8;
	[tilespmem:$0x18200] =	vst v63  }
0x10b: {  	v3 =	vadd.s32 v1, v3  }
0x10c: {  	[tilespmem:s8], [sflag:$0x1] =	stream.indirect_vreg.gather [hbm4b:s4+s2], $0x80, v4, vm0, $0xb8;
	[tilespmem:$0x18200] =	vst v63  }
0x10d: {  	s14 =	simm.s32 $0xA200  }
0x10e: {  	[tilespmem:s14], [sflag:$0x1] =	stream.indirect_vreg.gather [hbm4b:s5+s2], $0x80, v4, vm0, $0xb8;
	[tilespmem:$0x18200] =	vst v63  }
0x10f: {  	_ = 	snop  }
0x110: {  	[tilespmem:s9], [sflag:$0x1] =	stream.indirect_vreg.gather [hbm4b:s3+s2], $0x80, v3, vm0, $0xb8;
	[tilespmem:$0x18200] =	vst v63  }
0x111: {  	s8 =	simm.s32 $0xB200  }
0x112: {  	[tilespmem:s8], [sflag:$0x1] =	stream.indirect_vreg.gather [hbm4b:s4+s2], $0x80, v3, vm0, $0xb8;
	[tilespmem:$0x18200] =	vst v63  }
0x113: {  	s8 =	simm.s32 $0x2  }
0x114: {  	[tilespmem:s11], [sflag:$0x1] =	stream.indirect_vreg.gather [hbm4b:s5+s2], $0x80, v3, vm0, $0xb8;
	[tilespmem:$0x18200] =	vst v63  }
0x115: {  	_ =	swait.ge [sflag:s8], $0xC000  }
0x116: {  	[sflag:s8] =	ssyncset.done $0x0  }
0x117: {  	s9 =	rddreg [dreg:$0x8];
	[sflag:s8] =	ssyncadd.s32 $0xFFFF4000  }
0x118: {  	[hbm4b:s9+s2] =	stream.linear.scatter [tilespmem:s12], [sflag:$0x4], $0xC000, $0x38;
	[tilespmem:$0x18200] =	vst v63  }
0x119: {  	s9 =	simm.s32 $0x4  }
0x11a: {  	_ =	swait.ge [sflag:s9], $0xC000  }
0x11b: {  	[sflag:s9] =	ssyncset.done $0x0  }
0x11c: {  	[sflag:s9] =	ssyncadd.s32 $0xFFFF4000  }
0x11d: {  	v3 =	vld [tilespmem:$0x180];
	_ =	sdelay $0x4  }
0x11e: {  	v60 =	vshrl.u32 v3, $0x3  }
0x11f: {  	v4 =	vmul.u32 $0x30, v60  }
0x120: {  	v3 =	vand.u32 $0x7, v3  }
0x121: {  	v3 =	vor.u32 v3, v4  }
0x122: {  	v4 =	vperm.xlane v3, v0;
	_ =	sdelay $0x1  }
0x123: {  	v4 =	vadd.s32 v1, v4;
	_ =	sdelay $0x3  }
0x124: {  	v3 =	vperm.xlane v3, v2  }
0x125: {  	[tilespmem:s12], [sflag:$0x2] =	stream.indirect_vreg.gather [hbm4b:s3+s2], $0x80, v4, vm0, $0xb8;
	[tilespmem:$0x18200] =	vst v63  }
0x126: {  	s13 =	simm.s32 $0xCA00;
	v3 =	vadd.s32 v1, v3  }
0x127: {  	[tilespmem:s13], [sflag:$0x2] =	stream.indirect_vreg.gather [hbm4b:s4+s2], $0x80, v4, vm0, $0xb8;
	[tilespmem:$0x18200] =	vst v63  }
0x128: {  	s14 =	simm.s32 $0xD200  }
0x129: {  	[tilespmem:s14], [sflag:$0x2] =	stream.indirect_vreg.gather [hbm4b:s5+s2], $0x80, v4, vm0, $0xb8;
	[tilespmem:$0x18200] =	vst v63  }
0x12a: {  	s13 =	simm.s32 $0xDA00  }
0x12b: {  	[tilespmem:s13], [sflag:$0x2] =	stream.indirect_vreg.gather [hbm4b:s3+s2], $0x80, v3, vm0, $0xb8;
	[tilespmem:$0x18200] =	vst v63  }
0x12c: {  	s14 =	simm.s32 $0xE200  }
0x12d: {  	[tilespmem:s14], [sflag:$0x2] =	stream.indirect_vreg.gather [hbm4b:s4+s2], $0x80, v3, vm0, $0xb8;
	[tilespmem:$0x18200] =	vst v63  }
0x12e: {  	s13 =	simm.s32 $0xEA00  }
0x12f: {  	[tilespmem:s13], [sflag:$0x2] =	stream.indirect_vreg.gather [hbm4b:s5+s2], $0x80, v3, vm0, $0xb8;
	[tilespmem:$0x18200] =	vst v63  }
0x130: {  	v3 =	vld [tilespmem:$0x190];
	_ =	sdelay $0x4  }
0x131: {  	v61 =	vshrl.u32 v3, $0x3  }
0x132: {  	v4 =	vmul.u32 $0x30, v61  }
0x133: {  	v3 =	vand.u32 $0x7, v3  }
0x134: {  	v3 =	vor.u32 v3, v4  }
0x135: {  	v4 =	vperm.xlane v3, v0;
	_ =	sdelay $0x1  }
0x136: {  	v4 =	vadd.s32 v1, v4;
	_ =	sdelay $0x3  }
0x137: {  	s14 =	simm.s32 $0xF200;
	v3 =	vperm.xlane v3, v2  }
0x138: {  	[tilespmem:s14], [sflag:$0x2] =	stream.indirect_vreg.gather [hbm4b:s3+s2], $0x80, v4, vm0, $0xb8;
	[tilespmem:$0x18200] =	vst v63  }
0x139: {  	s13 =	simm.s32 $0xFA00;
	v3 =	vadd.s32 v1, v3  }
0x13a: {  	[tilespmem:s13], [sflag:$0x2] =	stream.indirect_vreg.gather [hbm4b:s4+s2], $0x80, v4, vm0, $0xb8;
	[tilespmem:$0x18200] =	vst v63  }
0x13b: {  	s14 =	simm.s32 $0x10200  }
0x13c: {  	[tilespmem:s14], [sflag:$0x2] =	stream.indirect_vreg.gather [hbm4b:s5+s2], $0x80, v4, vm0, $0xb8;
	[tilespmem:$0x18200] =	vst v63  }
0x13d: {  	s13 =	simm.s32 $0x10A00  }
0x13e: {  	[tilespmem:s13], [sflag:$0x2] =	stream.indirect_vreg.gather [hbm4b:s3+s2], $0x80, v3, vm0, $0xb8;
	[tilespmem:$0x18200] =	vst v63  }
0x13f: {  	s14 =	simm.s32 $0x11200  }
0x140: {  	[tilespmem:s14], [sflag:$0x2] =	stream.indirect_vreg.gather [hbm4b:s4+s2], $0x80, v3, vm0, $0xb8;
	[tilespmem:$0x18200] =	vst v63  }
0x141: {  	s13 =	simm.s32 $0x11A00  }
0x142: {  	[tilespmem:s13], [sflag:$0x2] =	stream.indirect_vreg.gather [hbm4b:s5+s2], $0x80, v3, vm0, $0xb8;
	[tilespmem:$0x18200] =	vst v63  }
0x143: {  	v3 =	vld [tilespmem:$0x1A0];
	_ =	sdelay $0x4  }
0x144: {  	v62 =	vshrl.u32 v3, $0x3  }
0x145: {  	v4 =	vmul.u32 $0x30, v62  }
0x146: {  	v3 =	vand.u32 $0x7, v3  }
0x147: {  	v3 =	vor.u32 v3, v4  }
0x148: {  	v4 =	vperm.xlane v3, v0;
	_ =	sdelay $0x1  }
0x149: {  	v4 =	vadd.s32 v1, v4;
	_ =	sdelay $0x3  }
0x14a: {  	s14 =	simm.s32 $0x12200;
	v3 =	vperm.xlane v3, v2  }
0x14b: {  	[tilespmem:s14], [sflag:$0x2] =	stream.indirect_vreg.gather [hbm4b:s3+s2], $0x80, v4, vm0, $0xb8;
	[tilespmem:$0x18200] =	vst v63  }
0x14c: {  	s13 =	simm.s32 $0x12A00;
	v3 =	vadd.s32 v1, v3  }
0x14d: {  	[tilespmem:s13], [sflag:$0x2] =	stream.indirect_vreg.gather [hbm4b:s4+s2], $0x80, v4, vm0, $0xb8;
	[tilespmem:$0x18200] =	vst v63  }
0x14e: {  	s14 =	simm.s32 $0x13200  }
0x14f: {  	[tilespmem:s14], [sflag:$0x2] =	stream.indirect_vreg.gather [hbm4b:s5+s2], $0x80, v4, vm0, $0xb8;
	[tilespmem:$0x18200] =	vst v63  }
0x150: {  	s13 =	simm.s32 $0x13A00  }
0x151: {  	[tilespmem:s13], [sflag:$0x2] =	stream.indirect_vreg.gather [hbm4b:s3+s2], $0x80, v3, vm0, $0xb8;
	[tilespmem:$0x18200] =	vst v63  }
0x152: {  	s14 =	simm.s32 $0x14200  }
0x153: {  	[tilespmem:s14], [sflag:$0x2] =	stream.indirect_vreg.gather [hbm4b:s4+s2], $0x80, v3, vm0, $0xb8;
	[tilespmem:$0x18200] =	vst v63  }
0x154: {  	s13 =	simm.s32 $0x14A00  }
0x155: {  	[tilespmem:s13], [sflag:$0x2] =	stream.indirect_vreg.gather [hbm4b:s5+s2], $0x80, v3, vm0, $0xb8;
	[tilespmem:$0x18200] =	vst v63  }
0x156: {  	v3 =	vld [tilespmem:$0x1B0];
	_ =	sdelay $0x4  }
0x157: {  	v63 =	vshrl.u32 v3, $0x3  }
0x158: {  	v4 =	vmul.u32 $0x30, v63  }
0x159: {  	v3 =	vand.u32 $0x7, v3  }
0x15a: {  	v3 =	vor.u32 v3, v4  }
0x15b: {  	v4 =	vperm.xlane v3, v0;
	_ =	sdelay $0x1  }
0x15c: {  	v4 =	vadd.s32 v1, v4;
	_ =	sdelay $0x3  }
0x15d: {  	s14 =	simm.s32 $0x15200;
	v3 =	vperm.xlane v3, v2  }
0x15e: {  	[tilespmem:s14], [sflag:$0x2] =	stream.indirect_vreg.gather [hbm4b:s3+s2], $0x80, v4, vm0, $0xb8;
	[tilespmem:$0x18200] =	vst v63  }
0x15f: {  	s13 =	simm.s32 $0x15A00;
	v3 =	vadd.s32 v1, v3  }
0x160: {  	[tilespmem:s13], [sflag:$0x2] =	stream.indirect_vreg.gather [hbm4b:s4+s2], $0x80, v4, vm0, $0xb8;
	[tilespmem:$0x18200] =	vst v63  }
0x161: {  	s14 =	simm.s32 $0x16200  }
0x162: {  	[tilespmem:s14], [sflag:$0x2] =	stream.indirect_vreg.gather [hbm4b:s5+s2], $0x80, v4, vm0, $0xb8;
	[tilespmem:$0x18200] =	vst v63  }
0x163: {  	s13 =	simm.s32 $0x16A00  }
0x164: {  	[tilespmem:s13], [sflag:$0x2] =	stream.indirect_vreg.gather [hbm4b:s3+s2], $0x80, v3, vm0, $0xb8;
	[tilespmem:$0x18200] =	vst v63  }
0x165: {  	s14 =	simm.s32 $0x17200  }
0x166: {  	[tilespmem:s14], [sflag:$0x2] =	stream.indirect_vreg.gather [hbm4b:s4+s2], $0x80, v3, vm0, $0xb8;
	[tilespmem:$0x18200] =	vst v63  }
0x167: {  	s13 =	simm.s32 $0x17A00  }
0x168: {  	[tilespmem:s13], [sflag:$0x2] =	stream.indirect_vreg.gather [hbm4b:s5+s2], $0x80, v3, vm0, $0xb8;
	[tilespmem:$0x18200] =	vst v63  }
0x169: {  	_ =	swait.ge [sflag:s0], $0xC000  }
0x16a: {  	[sflag:s0] =	ssyncset.done $0x0  }
0x16b: {  	s7 =	simm.s32 $0x200;
	s14 =	rddreg [dreg:$0x9];
	[sflag:s0] =	ssyncadd.s32 $0xFFFF4000  }
0x16c: {  	[hbm4b:s14+s2] =	stream.linear.scatter [tilespmem:s7], [sflag:$0x3], $0xC000, $0x38;
	[tilespmem:$0x18200] =	vst v63  }
0x16d: {  	_ =	swait.ge [sflag:s8], $0xC000  }
0x16e: {  	[sflag:s8] =	ssyncset.done $0x0  }
0x16f: {  	s14 =	rddreg [dreg:$0xa];
	[sflag:s8] =	ssyncadd.s32 $0xFFFF4000  }
0x170: {  	[hbm4b:s14+s2] =	stream.linear.scatter [tilespmem:s12], [sflag:$0x4], $0xC000, $0x38;
	[tilespmem:$0x18200] =	vst v63  }
0x171: {  	p0 =	sne.s32 s6, $0x1;
	_ =	swait.ge [sflag:s1], $0xC000  }
.Ltmp0:
0x172: {  	[sflag:s1] =	ssyncset.done $0x0;
	(pc) =	sbr.rel @p0 .LBB2_1-.Ltmp0, $4  }
0x173: {  	[sflag:s1] =	ssyncadd.s32 $0xFFFF4000  }
0x174: {  	_ =	swait.ge [sflag:s9], $0xC000  }
0x175: {  	[sflag:s9] =	ssyncset.done $0x0  }
0x176: {  	s6 =	sadd.s32 $0xFFFFFFFF, s6;
	[sflag:s9] =	ssyncadd.s32 $0xFFFF4000  }
0x177: {  	_ =	sfence.sel $0x180000  }
0x178: {  	[bflag:$0x0] =	sbarrier.arrive $0xFFFF  }
0x179: {  	_ =	strace $0x9000004D  }
0x17a: {  	s0 =	stileid.u32;
	[bflag:$0x2] =	sbarrier.arrive $0xFFFF  }
0x17b: {  	p0 =	sne.s32 s0, $0x0;
	s0 =	rddreg [dreg:$0x2]  }
0x17c: {  	s0 =	sadd.s32 @!p0 $0x100000, s0  }
0x17d: {  	[sflag:s0] =	ssyncadd.tile.s32 @!p0 $0x1;
	_ =	shalt  }
.Lfunc_end2:
_tile_overlayer_lowered:
.L_overlay_start_2:
0x17e: {  	(tag) =	ssettag $0x2  }
0x17f: {  	s0 =	rddreg [dreg:$0x0];
	s2 =	stileid.u32  }
0x180: {  	s1 =	rddreg [dreg:$0x1];
	p0 =	sne.s32 s2, $0x0  }
0x181: {  	s3 =	rddreg [dreg:$0x2];
	[bflag:$0x3] =	sbarrier.arrive $0xFFFF;
	s2 =	simm.s32 @!p0 $0x1C05  }
0x182: {  	[timem:s3], [sflag:s2] =	dma.local @!p0 [hbm:s0], s1  }
0x183: {  	s0 =	simm.s32 @!p0 $0x5  }
0x184: {  	_ =	swait.ge @!p0 [sflag:s0], s1  }
0x185: {  	s1 =	ssub.s32 @!p0 $0x0, s1;
	[sflag:s0] =	ssyncset.done @!p0 $0x0  }
0x186: {  	[sflag:s0] =	ssyncadd.s32 @!p0 s1  }
0x187: {  	[bflag:$0x3] =	sbarrier.arrive $0xFFFF  }
0x188: {  	_ =	shalt  }

// kernel: scatter_offload_async_start
scs
__scs_entry_jumppad:
0x0: {  	(pc) =	sbr.rel $0x88, $3  }
0x1: {  	(tag) =	ssettag $0x0;
	lr =	simm.s32 $0x1  }
0x2: {  	[smem:$0x3F9A] =	sst lr;
	_ =	strace $0xD0000000  }
0x3: {  	_ = 	snop  }
0x4: {  	_ = 	snop  }
0x5: {  	_ = 	snop  }
0x6: {  	_ = 	snop  }
0x7: {  	_ = 	snop  }
__scs_overlays_trampoline_lowered:
0x8: {  	[smem:$0x3FA9] =	sst s0  }
0x9: {  	[smem:$0x3FAA] =	sst s1  }
0xa: {  	[smem:$0x3FAB] =	sst s2  }
0xb: {  	[smem:$0x3FAC] =	sst s3  }
0xc: {  	[smem:$0x3FAD] =	sst s4  }
0xd: {  	[smem:$0x3FAE] =	sst s5  }
0xe: {  	[smem:$0x3FAF] =	sst s6  }
0xf: {  	[smem:$0x3FB0] =	sst s7  }
0x10: {  	[smem:$0x3FB1] =	sst s8  }
0x11: {  	[smem:$0x3FB2] =	sst s9;
	s0 =	simm.s32 @!p0 $0x0  }
0x12: {  	s1 =	sld [smem:$0x3F98];
	s0 =	simm.s32 @p0 $0x1  }
0x13: {  	[smem:$0x3FB3] =	sst s0;
	s0 =	simm.s32 @!p1 $0x0  }
0x14: {  	s2 =	sld [smem:$0x3F97];
	s0 =	simm.s32 @p1 $0x1  }
0x15: {  	[smem:$0x3FB4] =	sst s0;
	s0 =	simm.s32 @!p2 $0x0  }
0x16: {  	s3 =	sld [smem:$0x3FDB];
	s0 =	simm.s32 @p2 $0x1  }
0x17: {  	s4 =	simm.s32 $0x1BF5;
	[smem:$0x3FB6] =	sst s0  }
0x18: {  	s0 =	sld [smem:$0x3F99];
	_ =	swait.ge [sflag:s4], $0x0  }
0x19: {  	s7 =	sld [smem:$0x3F9A]  }
0x1a: {  	s8 =	sadd.s32 $0xFFFFE003, lr  }
0x1b: {  	s9 =	sadd.s32 $0xFFFFFEF7, lr;
	s5 =	simm.s32 $0xFFFFFFFF;
	p2 =	slt.u32 s8, $0xFFFFF086  }
0x1c: {  	p1 =	slt.u32 s9, $0xF7A;
	s5 =	simm.s32 @!p2 $0x0  }
0x1d: {  	s5 =	simm.s32 @p1 $0x1;
	p0 =	seq.s32 s7, s2  }
0x1e: {  	s7 =	smul.u32 @!p0 $0xF7A, s2;
	p2 =	seq.s32 @!p0 s5, $0x0  }
0x1f: {  	s9 =	smul.u32 $0xF7A, s1;
	s8 =	simm.s32 @!p0 $0x1BF5;
	p2 =	por !p2, p0  }
0x20: {  	[sflag:s8] =	ssyncset.s32 @!p0 $0xFFFFF086;
	s6 =	sadd.s32 @!p0 s3, s7;
	s7 =	simm.s32 @!p0 $0x108  }
0x21: {  	s3 =	sadd.s32 s3, s9;
	s6 =	sadd.s32 @!p0 $0x88, s6;
	s7 =	simm.s32 @p2 $0x1082  }
0x22: {  	[simem:s7], [sflag:s8] =	dma.local @!p0 [hbm:s6], $0xF7A  }
0x23: {  	s9 =	sor.u32 $0xD0000000, s2;
	s6 =	simm.s32 $0x108;
	_ =	swait.ge @!p0 [sflag:s8], $0x0  }
0x24: {  	s3 =	sadd.s32 $0x88, s3;
	s6 =	simm.s32 @!p1 $0x1082;
	[sflag:s4] =	ssyncset.s32 $0xFFFFF086  }
0x25: {  	[simem:s6], [sflag:s4] =	dma.local [hbm:s3], $0xF7A  }
0x26: {  	[smem:$0x3F9A] =	sst s1;
	(tag) =	ssettag s2;
	_ =	strace s9  }
0x27: {  	s1 =	sld [smem:$0x3FAA]  }
0x28: {  	s2 =	sld [smem:$0x3FAB]  }
0x29: {  	s4 =	sld [smem:$0x3FAD]  }
0x2a: {  	p0 =	seq.s32 s5, $0x0;
	s5 =	sld [smem:$0x3FAE]  }
0x2b: {  	s6 =	sld [smem:$0x3FAF]  }
0x2c: {  	s7 =	sld [smem:$0x3FB0]  }
0x2d: {  	s3 =	simm.s32 $0x108;
	s8 =	sld [smem:$0x3FB1]  }
0x2e: {  	s3 =	simm.s32 @!p0 $0x1082;
	s9 =	sld [smem:$0x3FB2]  }
0x2f: {  	lr =	sadd.s32 s0, s3;
	s0 =	sld [smem:$0x3FA9]  }
0x30: {  	s3 =	sld [smem:$0x3FAC]  }
0x31: {  	[smem:$0x3FB5] =	sst s10  }
0x32: {  	s10 =	sld [smem:$0x3FB3];
	_ =	sdelay $0x3  }
0x33: {  	p0 =	seq.s32 s10, $0x1;
	s10 =	sld [smem:$0x3FB5];
	_ =	sdelay $0x3  }
0x34: {  	[smem:$0x3FB5] =	sst s10  }
0x35: {  	s10 =	sld [smem:$0x3FB4];
	_ =	sdelay $0x3  }
0x36: {  	p1 =	seq.s32 s10, $0x1;
	s10 =	sld [smem:$0x3FB5];
	_ =	sdelay $0x3  }
0x37: {  	[smem:$0x3FB5] =	sst s10  }
0x38: {  	s10 =	sld [smem:$0x3FB6]  }
0x39: {  	_ = 	snop;
	(pc) =	sbr.ind lr, $3  }
0x3a: {  	_ = 	snop  }
0x3b: {  	_ = 	snop  }
0x3c: {  	p2 =	seq.s32 s10, $0x1;
	s10 =	sld [smem:$0x3FB5]  }
0x3d: {  	_ =	shalt  }
0x3e: {  	_ =	shalt  }
0x3f: {  	_ =	shalt  }
0x40: {  	_ =	shalt  }
0x41: {  	_ =	shalt  }
0x42: {  	_ =	shalt  }
0x43: {  	_ =	shalt  }
0x44: {  	_ =	shalt  }
0x45: {  	_ =	shalt  }
0x46: {  	_ =	shalt  }
0x47: {  	_ =	shalt  }
0x48: {  	_ =	shalt  }
0x49: {  	_ =	shalt  }
0x4a: {  	_ =	shalt  }
0x4b: {  	_ =	shalt  }
0x4c: {  	_ =	shalt  }
0x4d: {  	_ =	shalt  }
0x4e: {  	_ =	shalt  }
0x4f: {  	_ =	shalt  }
0x50: {  	_ =	shalt  }
0x51: {  	_ =	shalt  }
0x52: {  	_ =	shalt  }
0x53: {  	_ =	shalt  }
0x54: {  	_ =	shalt  }
0x55: {  	_ =	shalt  }
0x56: {  	_ =	shalt  }
0x57: {  	_ =	shalt  }
0x58: {  	_ =	shalt  }
0x59: {  	_ =	shalt  }
0x5a: {  	_ =	shalt  }
0x5b: {  	_ =	shalt  }
0x5c: {  	_ =	shalt  }
0x5d: {  	_ =	shalt  }
0x5e: {  	_ =	shalt  }
0x5f: {  	_ =	shalt  }
0x60: {  	_ =	shalt  }
0x61: {  	_ =	shalt  }
0x62: {  	_ =	shalt  }
0x63: {  	_ =	shalt  }
0x64: {  	_ =	shalt  }
0x65: {  	_ =	shalt  }
0x66: {  	_ =	shalt  }
0x67: {  	_ =	shalt  }
0x68: {  	_ =	shalt  }
0x69: {  	_ =	shalt  }
0x6a: {  	_ =	shalt  }
0x6b: {  	_ =	shalt  }
0x6c: {  	_ =	shalt  }
0x6d: {  	_ =	shalt  }
0x6e: {  	_ =	shalt  }
0x6f: {  	_ =	shalt  }
0x70: {  	_ =	shalt  }
0x71: {  	_ =	shalt  }
0x72: {  	_ =	shalt  }
0x73: {  	_ =	shalt  }
0x74: {  	_ =	shalt  }
0x75: {  	_ =	shalt  }
0x76: {  	_ =	shalt  }
0x77: {  	_ =	shalt  }
0x78: {  	_ =	shalt  }
0x79: {  	_ =	shalt  }
0x7a: {  	_ =	shalt  }
0x7b: {  	_ =	shalt  }
0x7c: {  	_ =	shalt  }
0x7d: {  	_ =	shalt  }
0x7e: {  	_ =	shalt  }
0x7f: {  	_ =	shalt  }
0x80: {  	_ =	shalt  }
0x81: {  	_ =	shalt  }
0x82: {  	_ =	shalt  }
0x83: {  	_ =	shalt  }
0x84: {  	_ =	shalt  }
0x85: {  	_ =	shalt  }
0x86: {  	_ =	shalt  }
0x87: {  	_ =	shalt  }
.Lfunc_end0:
.L_simem_size_0:
called_computation_lowered:
.L_overlay_start_0:
0x88: {  	s0 =	sld [smem:$0x3FD9]  }
0x89: {  	s1 =	sld [smem:$0x3FFE];
	_ =	sdelay $0x3  }
0x8a: {  	s0 =	sadd.s32 s1, s0  }
0x8b: {  	[smem:$0x3FC1] =	sst s0  }
0x8c: {  	_ = 	snop  }
0x8d: {  	(tm) =	ssettm $0x1  }
0x8e: {  	s15 =	sld [smem:$0x3FFB];
	_ =	sdelay $0x3  }
0x8f: {  	_ =	strace s15  }
0x90: {  	s0 =	sld [smem:$0x3FFC];
	_ =	sdelay $0x3  }
0x91: {  	_ =	strace s0  }
0x92: {  	s0 =	sld [smem:$0x3FFD];
	_ =	sdelay $0x3  }
0x93: {  	_ =	strace s0  }
0x94: {  	_ =	strace $0x8FFFFFFF  }
0x95: {  	s16 =	sld [smem:$0x3FDB];
	_ =	sdelay $0x1  }
0x96: {  	s17 =	simm.s32 $_scs_section_size  }
0x97: {  	s2 =	simm.s32 $_size__tile_overlayer_lowered;
	s3 =	simm.s32 $_tile_overlayer_lowered  }
0x98: {  	s20 =	simm.s32 $0x1BFF;
	s19 =	sshll.u32 s3, $0x1;
	s0 =	sadd.s32 s17, s16  }
0x99: {  	s4 =	simm.s32 $0x0;
	s18 =	sshll.u32 s2, $0x1;
	s2 =	sadd.s32 s19, s0  }
0x9a: {  	[timem:s4], [sflag:s20] =	dma.local [hbm:s2], s18  }
0x9b: {  	_ =	swait.ge [sflag:s20], s18  }
0x9c: {  	s1 =	ssub.s32 $0x0, s18;
	[sflag:s20] =	ssyncset.done $0x0  }
0x9d: {  	[sflag:s20] =	ssyncadd.s32 s1;
	_ =	sdelay $0x1  }
0x9e: {  	s21 =	simm.s32 $0x1B8B  }
0x9f: {  	_ =	swait.ge [sflag:s21], $0x1  }
0xa0: {  	[sflag:s21] =	ssyncset.done $0x0  }
0xa1: {  	s23 =	simm.s32 $0x1B8E;
	s22 =	sld [smem:$0x3FFE];
	[sflag:s21] =	ssyncadd.s32 $0xFFFFFFFF  }
0xa2: {  	s24 =	simm.s32 $execute0_lowered;
	[smem:$0x3FD2] =	sst s23  }
0xa3: {  	s2 =	sshll.u32 s24, $0x1;
	_ =	strace $0x80000046;
	[dreg:$0x1] =	wrdreg $0xFFFFFFFF  }
0xa4: {  	s25 =	simm.s32 $_size_execute0_lowered;
	s0 =	sadd.s32 s0, s2;
	[dreg:$0x0] =	wrdreg $0x0  }
0xa5: {  	s2 =	sshll.u32 s25, $0x1;
	[dreg:$0x2] =	wrdreg s0  }
0xa6: {  	[dreg:$0x3] =	wrdreg s2  }
0xa7: {  	[dreg:$0x4] =	wrdreg $0xC0  }
0xa8: {  	_ =	task [dreg:s4], $0x5FFFF  }
0xa9: {  	[dreg:$0x1] =	wrdreg $0xFFFFFFFF  }
0xaa: {  	[dreg:$0x0] =	wrdreg $0x60  }
0xab: {  	[dreg:$0x2] =	wrdreg s22  }
0xac: {  	[dreg:$0x3] =	wrdreg $0x9  }
0xad: {  	_ =	task.clear_ibuf [dreg:s4], $0x4FFFF;
	_ =	strace $0x90000046  }
0xae: {  	s26 =	simm.s32 $0x9;
	_ =	strace $0x80000048  }
0xaf: {  	_ =	swait.ge [sflag:s26], $0x1  }
0xb0: {  	[sflag:s26] =	ssyncadd.s32 $0xFFFFFFFF  }
0xb1: {  	_ =	strace $0x90000048  }
0xb2: {  	_ =	sfence  }
0xb3: {  	s28 =	sld [smem:$0x0];
	_ =	sdelay $0x1  }
0xb4: {  	s29 =	srdreg.scid  }
0xb5: {  	s30 =	sshll.u32 s29, $0xD;
	s31 =	sshrl.u32 s29, $0x2  }
0xb6: {  	s1 =	sand.u32 $0x1, s29;
	s2 =	sand.u32 $0x4000, s30;
	s0 =	sadd.s32 s31, s28  }
0xb7: {  	s1 =	sor.u32 s2, s1;
	s0 =	sshll.u32 s0, $0x11  }
0xb8: {  	s0 =	sor.u32 s0, s1  }
0xb9: {  	s0 =	sadd.s32 $0x8F2B, s0  }
0xba: {  	[sflag:s0] =	ssyncadd.remote.s32 $0x1  }
0xbb: {  	_ =	sfence.sel $0xFFFF  }
0xbc: {  	[dreg:$0x0] =	wrdreg $0xFFFFFFFF;
	(pc) =	sbr.abs _section_cstart, $3  }
0xbd: {  	[dreg:$0x1] =	wrdreg $0xFFFFFFFF  }
0xbe: {  	_ =	task.clear_ibuf [dreg:s4], $0x2FFFF;
	_ =	strace $0x9FFFFFFF  }
0xbf: {  	(tm) =	ssettm $0x7FFFFFFF  }
tec
execute0_lowered:
.L_overlay_start_1:
0x0: {  	(tag) =	ssettag $0x1  }
0x1: {  	s4 =	rddreg [dreg:$0x0]  }
0x2: {  	s0 =	rddreg [dreg:$0x1];
	_ =	strace $0x80000047;
	s3 =	stileid.u32  }
0x3: {  	s6 =	simm.s32 $0x3E;
	s1 =	sadd.s32 $0xC00, s4;
	p0 =	sne.s32 s3, $0x0  }
0x4: {  	[sflag:s6] =	ssyncpa.u1 $0x0;
	s31 =	smin.u32 s3, $0x4;
	p1 =	slt.u32 s3, $0x4  }
0x5: {  	s3 =	simm.s32 $0x10;
	s5 =	simm.s32 @!p0 $0x1C3E;
	s2 =	simm.s32 @!p0 $0x0  }
0x6: {  	[spmem:s2], [sflag:s5] =	dma.local @!p0 [hbm:s1], $0x10  }
0x7: {  	s3 =	simm.s32 @!p1 $0x0;
	s5 =	sshll.u32 s31, $0x4  }
0x8: {  	s3 =	sadd.s32 s3, s5  }
0x9: {  	s9 =	smin.u32 s3, $0x40  }
0xa: {  	s8 =	ssub.s32 s9, s5  }
0xb: {  	p1 =	sgt.s32 s8, $0x0  }
0xc: {  	s7 =	simm.s32 @!p0 $0x3E;
	s8 =	simm.s32 @!p1 $0x0  }
0xd: {  	_ =	swait.ge @!p0 [sflag:s7], $0x10;
	s10 =	sshrl.u32 s8, $0x4  }
0xe: {  	[sflag:s7] =	ssyncset.done @!p0 $0x0;
	s11 =	sadd.s32 $0x1, s10  }
0xf: {  	p3 =	por $0x0, $0x0;
	[sflag:s7] =	ssyncadd.s32 @!p0 $0xFFFFFFF0;
	p1 =	sne.s32 s11, $0x1  }
.Ltmp0:
0x10: {  	s3 =	simm.s32 $0x1;
	[bflag:$0x0] =	sbarrier.arrive $0xFFFF;
	(pc) =	sbr.rel @!p1 .LBB2_1-.Ltmp0, $4  }
0x11: {  	s7 =	sadd.s32 $0x400, s4;
	[sflag:s6] =	ssyncpa.u1 $0x1;
	s6 =	sadd.s32 $0xA00, s4  }
0x12: {  	s4 =	simm.s32 $0x2;
	s8 =	simm.s32 $0x0;
	p2 =	sle.u32 s10, $0x0  }
0x13: {  	[sflag:s3] =	ssyncpa.u1 $0x0;
	(ifvalue) =	ssetifvalue $0x80;
	s12 =	sxor.u32 @!p2 $0xFFFFFFFF, s8  }
0x14: {  	[sflag:s4] =	ssyncpa.u1 $0x0;
	s15 =	sshrl.u32 @!p2 s5, $0x3;
	s16 =	sand.u32 @!p2 $0x10, s12  }
0x15: {  	s12 =	sadd.s32 @!p2 s7, s15  }
0x16: {  	s13 =	sor.u32 @!p2 $0x8, s16;
	s14 =	sand.u32 @!p2 $0x7, s5;
	p1 =	por $0x1, $0x1  }
0x17: {  	[tilespmem:s13], [sflag:$0x2] =	stream.linear.gather @!p2 [hbm4b:s12+s14], $0x10, $0x38;
	[tilespmem:$0x48] =	vst v63  }
0x18: {  	s15 =	sadd.s32 @!p2 s6, s15;
	s12 =	sor.u32 @!p2 $0x28, s16;
	s13 =	simm.s32 @!p1 $0x2  }
0x19: {  	[tilespmem:s12], [sflag:$0x2] =	stream.linear.gather @!p2 [hbm4b:s15+s14], $0x10, $0x38;
	[tilespmem:$0x48] =	vst v63  }
0x1a: {  	_ =	swait.ge @!p1 [sflag:s13], $0x20  }
0x1b: {  	s8 =	sand.u32 @!p1 $0x10, s8;
	[sflag:s13] =	ssyncset.done @!p1 $0x0  }
0x1c: {  	s12 =	sor.u32 @!p1 $0x8, s8;
	[sflag:s13] =	ssyncadd.s32 @!p1 $0xFFFFFFE0  }
0x1d: {  	v0 =	vld.msk @!p1 [tilespmem:s12+$0x0 ss:$0x1], $0xffff;
	_ =	sdelay $0x3  }
0x1e: {  	p4 =	sne.s32 s11, $0x2  }
.Ltmp1:
0x1f: {  	s18 =	simm.s32 @!p1 $0x0;
	s17 =	simm.s32 @!p1 $0x1;
	v0 =	vmin.u32 @!p1 v0, $0x80;
	(pc) =	sbr.rel @!p4 .LBB2_3-.Ltmp1, $4  }
0x20: {  	s15 =	sadd.s32 $0x10, s5;
	p2 =	sle.u32 s10, $0x1;
	s14 =	smov.u32 s5  }
0x21: {  	p3 =	slt.s32 s15, s9;
	s13 =	sor.u32 @!p1 $0x28, s8;
	s8 =	simm.s32 $0x10  }
0x22: {  	s14 =	smov.u32 @p3 s15;
	p3 =	por $0x1, $0x1;
	s16 =	sxor.u32 @!p2 $0xFFFFFFFF, s8  }
0x23: {  	vm0 =	vmmov @!p1 $0xffff;
	s15 =	sshrl.u32 @!p2 s14, $0x3;
	s12 =	simm.s32 $0x2;
	s16 =	sand.u32 @!p2 $0x10, s16  }
.LBB2_4:
0x24: {  	[spmem:s18] =	stream.indirect_vreg.scatter.add.s32 @!p1 [tilespmem:s13], [sflag:$0x1], $0x1, v0, vm0, $0x4038;
	[tilespmem:$0x48] =	vst v63  }
0x25: {  	s13 =	sadd.s32 @!p2 s7, s15;
	s18 =	sor.u32 @!p2 $0x8, s16;
	_ =	swait.ge @!p1 [sflag:s17], $0x10  }
0x26: {  	s19 =	smov.u32 s12;
	s12 =	sadd.s32 $0x1, s12;
	[sflag:s17] =	ssyncset.done @!p1 $0x0  }
0x27: {  	s20 =	sand.u32 @!p2 $0x7, s14;
	[sflag:s17] =	ssyncadd.s32 @!p1 $0xFFFFFFF0;
	p1 =	seq.s32 s8, $0x0  }
0x28: {  	[tilespmem:s18], [sflag:$0x2] =	stream.linear.gather @!p2 [hbm4b:s13+s20], $0x10, $0x38;
	[tilespmem:$0x48] =	vst v63  }
0x29: {  	s16 =	sor.u32 @!p2 $0x28, s16;
	s17 =	simm.s32 @!p1 $0x2;
	s13 =	sand.u32 @!p1 $0x10, s8  }
0x2a: {  	s15 =	sadd.s32 @!p2 s6, s15;
	s18 =	sor.u32 @!p1 $0x8, s13;
	s13 =	sor.u32 @!p1 $0x28, s13  }
0x2b: {  	[tilespmem:s16], [sflag:$0x2] =	stream.linear.gather @!p2 [hbm4b:s15+s20], $0x10, $0x38;
	[tilespmem:$0x48] =	vst v63  }
0x2c: {  	p4 =	sne.s32 s11, s12;
	_ =	swait.ge @!p1 [sflag:s17], $0x20  }
0x2d: {  	[sflag:s17] =	ssyncset.done @!p1 $0x0  }
0x2e: {  	[sflag:s17] =	ssyncadd.s32 @!p1 $0xFFFFFFE0  }
0x2f: {  	v0 =	vld.msk @!p1 [tilespmem:s18+$0x0 ss:$0x1], $0xffff;
	_ =	sdelay $0x5  }
.Ltmp2:
0x30: {  	s8 =	sadd.s32 $0x10, s8;
	v0 =	vmin.u32 @!p1 v0, $0x80;
	(pc) =	sbr.rel @p4 .LBB2_4-.Ltmp2, $4  }
0x31: {  	vm0 =	vmmov @!p1 $0xffff;
	s15 =	sadd.s32 $0x10, s14;
	p2 =	sge.u32 s19, s10;
	s18 =	simm.s32 @!p1 $0x0  }
0x32: {  	s14 =	smov.u32 s5;
	p5 =	slt.s32 s15, s9;
	s17 =	simm.s32 @!p1 $0x1  }
0x33: {  	s16 =	sxor.u32 @!p2 $0xFFFFFFFF, s8;
	s14 =	smov.u32 @p5 s15  }
0x34: {  	s16 =	sand.u32 @!p2 $0x10, s16;
	s15 =	sshrl.u32 @!p2 s14, $0x3  }
0x35: {  	s5 =	smov.u32 s14  }
.LBB2_6:
0x36: {  	_ =	sdelay $0x2  }
0x37: {  	p3 =	por p1, !p3  }
0x38: {  	[spmem:s18] =	stream.indirect_vreg.scatter.add.s32 @!p3 [tilespmem:s13], [sflag:$0x1], $0x1, v0, vm0, $0x4038;
	[tilespmem:$0x48] =	vst v63  }
0x39: {  	_ =	swait.ge @!p3 [sflag:s17], $0x10  }
0x3a: {  	s7 =	sadd.s32 @!p2 s7, s15;
	s9 =	sor.u32 @!p2 $0x8, s16;
	[sflag:s17] =	ssyncset.done @!p3 $0x0  }
0x3b: {  	s5 =	sand.u32 @!p2 $0x7, s5;
	p1 =	seq.s32 s8, $0x0;
	[sflag:s17] =	ssyncadd.s32 @!p3 $0xFFFFFFF0  }
0x3c: {  	[tilespmem:s9], [sflag:$0x2] =	stream.linear.gather @!p2 [hbm4b:s7+s5], $0x10, $0x38;
	[tilespmem:$0x48] =	vst v63  }
0x3d: {  	s6 =	sadd.s32 @!p2 s6, s15;
	s7 =	sor.u32 @!p2 $0x28, s16;
	s9 =	simm.s32 @!p1 $0x2  }
0x3e: {  	[tilespmem:s7], [sflag:$0x2] =	stream.linear.gather @!p2 [hbm4b:s6+s5], $0x10, $0x38;
	[tilespmem:$0x48] =	vst v63  }
0x3f: {  	_ =	swait.ge @!p1 [sflag:s9], $0x20  }
0x40: {  	s5 =	sand.u32 @!p1 $0x10, s8;
	[sflag:s9] =	ssyncset.done @!p1 $0x0  }
0x41: {  	s6 =	sor.u32 @!p1 $0x8, s5;
	[sflag:s9] =	ssyncadd.s32 @!p1 $0xFFFFFFE0  }
0x42: {  	v0 =	vld.msk @!p1 [tilespmem:s6+$0x0 ss:$0x1], $0xffff;
	_ =	sdelay $0x4  }
0x43: {  	v0 =	vmin.u32 @!p1 v0, $0x80;
	_ =	sdelay $0x3  }
0x44: {  	vm0 =	vmmov @!p1 $0xffff;
	s7 =	simm.s32 @!p1 $0x1;
	s5 =	sor.u32 @!p1 $0x28, s5;
	s6 =	simm.s32 @!p1 $0x0  }
0x45: {  	[spmem:s6] =	stream.indirect_vreg.scatter.add.s32 @!p1 [tilespmem:s5], [sflag:$0x1], $0x1, v0, vm0, $0x4038;
	[tilespmem:$0x48] =	vst v63  }
0x46: {  	_ =	swait.ge @!p1 [sflag:s7], $0x10  }
0x47: {  	[sflag:s7] =	ssyncset.done @!p1 $0x0  }
0x48: {  	[sflag:s7] =	ssyncadd.s32 @!p1 $0xFFFFFFF0  }
0x49: {  	_ =	sfence.sel $0x180000  }
0x4a: {  	[bflag:$0x0] =	sbarrier.arrive $0xFFFF  }
0x4b: {  	[sflag:s4] =	ssyncpa.u1 $0x1  }
0x4c: {  	[sflag:s3] =	ssyncpa.u1 $0x1  }
0x4d: {  	_ =	sfence.stream.spmem  }
0x4e: {  	s31 =	simm.s32 $0x3D;
	[bflag:$0x0] =	sbarrier.arrive $0xFFFF  }
0x4f: {  	s3 =	simm.s32 @p0 $0x3D;
	[sflag:s31] =	ssyncpa.u1 $0x0  }
0x50: {  	[sflag:s3] =	ssyncpa.u1 @p0 $0x1  }
0x51: {  	[bflag:$0x0] =	sbarrier.arrive @p0 $0xFFFF  }
0x52: {  	_ =	strace @p0 $0x90000047  }
0x53: {  	s3 =	simm.s32 @!p0 $0x1C3D;
	[bflag:$0x2] =	sbarrier.arrive @p0 $0xFFFF  }
0x54: {  	[hbm:s1], [sflag:s3] =	dma.local @!p0 [spmem:s2], $0x10  }
0x55: {  	s1 =	simm.s32 @!p0 $0x3D  }
0x56: {  	_ =	swait.ge @!p0 [sflag:s1], $0x10  }
0x57: {  	[sflag:s1] =	ssyncset.done @!p0 $0x0  }
0x58: {  	[sflag:s1] =	ssyncadd.s32 @!p0 $0xFFFFFFF0  }
0x59: {  	[sflag:s1] =	ssyncpa.u1 @!p0 $0x1  }
0x5a: {  	[bflag:$0x0] =	sbarrier.arrive @!p0 $0xFFFF  }
0x5b: {  	_ =	strace @!p0 $0x90000047  }
0x5c: {  	s0 =	sadd.s32 @!p0 $0x100000, s0;
	[bflag:$0x2] =	sbarrier.arrive @!p0 $0xFFFF  }
0x5d: {  	[sflag:s0] =	ssyncadd.tile.s32 @!p0 $0x1;
	_ =	shalt  }
.LBB2_1:
.Ltmp3:
0x5e: {  	(pc) =	sbr.rel .LBB2_6-.Ltmp3, $2  }
0x5f: {  	_ =	sdelay $0x2  }
0x60: {  	_ = 	snop  }
.LBB2_3:
.Ltmp4:
0x61: {  	(pc) =	sbr.rel .LBB2_6-.Ltmp4, $2  }
0x62: {  	_ =	sdelay $0x2  }
0x63: {  	s5 =	smov.u32 s14  }
.Lfunc_end2:
_tile_overlayer_lowered:
.L_overlay_start_2:
0x64: {  	(tag) =	ssettag $0x2  }
0x65: {  	s0 =	rddreg [dreg:$0x0];
	s2 =	stileid.u32  }
0x66: {  	s1 =	rddreg [dreg:$0x1];
	p0 =	sne.s32 s2, $0x0  }
0x67: {  	s3 =	rddreg [dreg:$0x2];
	[bflag:$0x3] =	sbarrier.arrive $0xFFFF;
	s2 =	simm.s32 @!p0 $0x1C01  }
0x68: {  	[timem:s3], [sflag:s2] =	dma.local @!p0 [hbm:s0], s1  }
0x69: {  	s0 =	simm.s32 @!p0 $0x1  }
0x6a: {  	_ =	swait.ge @!p0 [sflag:s0], s1  }
0x6b: {  	s1 =	ssub.s32 @!p0 $0x0, s1;
	[sflag:s0] =	ssyncset.done @!p0 $0x0  }
0x6c: {  	[sflag:s0] =	ssyncadd.s32 @!p0 s1  }
0x6d: {  	[bflag:$0x3] =	sbarrier.arrive $0xFFFF  }
0x6e: {  	_ =	shalt  }

</sc_bundles>
